<compile_context>
chip_gen: v7x
topology: tpu7x:2x2x1
jax: 0.10.2.dev20260603
libtpu: 0.0.44.dev20260713+nightly
codegen_flags: <defaults>
</compile_context>

<pallas_src>
import functools

import jax
import jax.numpy as jnp
from jax import lax
from jax.experimental import pallas as pl
from jax.experimental.pallas import tpu as pltpu
from jax.experimental.pallas import tpu_sc as plsc

F32 = jnp.float32
I32 = jnp.int32

N = 10000
E = 320000
NP = 10240
G = 128
DH = 256
DHH = 128
VSZ = 30
OD = 30954
ODP = 31232

EC = 128
ROWS = 2560
EP = ROWS * EC
RPT_MSG = ROWS // 16
RPT_DEG = ROWS // 32
TROWS = NP // 16
NB = 1280
OB = 512

_sc_mesh = plsc.VectorSubcoreMesh(
    core_axis_name="c", subcore_axis_name="s", num_cores=2, num_subcores=16)



@functools.partial(
    pl.kernel,
    out_type=jax.ShapeDtypeStruct((2, NP), F32),
    mesh=_sc_mesh,
    scratch_types=[
        pltpu.VMEM((RPT_DEG, EC), I32),
        pltpu.VMEM((EC,), F32),
        pltpu.VMEM((TROWS,), F32),
        pltpu.VMEM_SHARED((NP,), F32),
    ],
)
def _deg_kernel(dst_hbm, out_hbm, idx_v, ones_v, buf_v, acc_sh):
    c = lax.axis_index("c")
    s = lax.axis_index("s")
    w = s * 2 + c

    def fill_ones(i, _):
        ones_v[pl.ds(i * 16, 16)] = jnp.full((16,), 1.0, F32)
        return 0
    lax.fori_loop(0, EC // 16, fill_ones, 0)

    def fill_zero(i, _):
        buf_v[pl.ds(i * 16, 16)] = jnp.zeros((16,), F32)
        return 0
    lax.fori_loop(0, TROWS // 16, fill_zero, 0)
    pltpu.sync_copy(buf_v, acc_sh.at[pl.ds(s * TROWS, TROWS)])
    plsc.subcore_barrier()

    pltpu.sync_copy(dst_hbm.at[pl.ds(w * RPT_DEG, RPT_DEG)], idx_v)

    def chunk(j, _):
        pltpu.sync_copy(ones_v, acc_sh.at[idx_v.at[j]], add=True)
        return 0
    lax.fori_loop(0, RPT_DEG, chunk, 0)
    plsc.subcore_barrier()

    pltpu.sync_copy(acc_sh.at[pl.ds(s * TROWS, TROWS)], buf_v)
    pltpu.sync_copy(buf_v, out_hbm.at[c].at[pl.ds(s * TROWS, TROWS)])


@functools.partial(
    pl.kernel,
    out_type=jax.ShapeDtypeStruct((2, NP, DHH), F32),
    mesh=_sc_mesh,
    scratch_types=[
        pltpu.VMEM((2, 8, EC), I32),
        pltpu.VMEM((2, 8, EC), I32),
        pltpu.VMEM((2, EC, DHH), F32),
        pltpu.VMEM_SHARED((NP, DHH), F32),
        pltpu.SemaphoreType.DMA,
        pltpu.SemaphoreType.DMA,
    ],
)
def _msg_kernel(hs_hbm, src_hbm, dst_hbm, out_hbm, isrc_v, idst_v, rows_v,
                acc_sh, gsem, ssem):
    c = lax.axis_index("c")
    s = lax.axis_index("s")

    def fill_zero(i, _):
        rows_v[0, i // 8, pl.ds((i % 8) * 16, 16)] = jnp.zeros((16,), F32)
        return 0
    lax.fori_loop(0, EC * DHH // 16, fill_zero, 0)

    def zero_cp(t, _):
        pltpu.sync_copy(rows_v.at[0], acc_sh.at[pl.ds(s * TROWS + t * EC, EC)])
        return 0
    lax.fori_loop(0, TROWS // EC, zero_cp, 0)
    plsc.subcore_barrier()

    def load_idx(g):
        gb = lax.rem(g, 2)
        r0 = s * RPT_MSG + g * 8
        pltpu.sync_copy(src_hbm.at[pl.ds(r0, 8)], isrc_v.at[gb])
        pltpu.sync_copy(dst_hbm.at[pl.ds(r0, 8)], idst_v.at[gb])

    def g_desc(j, b):
        g = j // 8
        return pltpu.make_async_copy(
            hs_hbm.at[c].at[isrc_v.at[lax.rem(g, 2), lax.rem(j, 8)]],
            rows_v.at[b], gsem)

    def s_desc(j, b):
        g = j // 8
        return pltpu.make_async_copy(
            rows_v.at[b],
            acc_sh.at[idst_v.at[lax.rem(g, 2), lax.rem(j, 8)]], ssem)

    load_idx(0)
    g_desc(0, 0).start()

    def chunk(j, _):
        b = lax.rem(j, 2)
        bn = lax.rem(j + 1, 2)
        k = lax.rem(j, 8)
        g_desc(j, b).wait()

        @pl.when(j >= 1)
        def _():
            s_desc(j - 1, bn).wait()

        @pl.when(jnp.logical_and(k == 7, j + 1 < RPT_MSG))
        def _():
            load_idx(j // 8 + 1)

        @pl.when(j + 1 < RPT_MSG)
        def _():
            g_desc(j + 1, bn).start()

        g = j // 8
        pltpu.async_copy(
            rows_v.at[b],
            acc_sh.at[idst_v.at[lax.rem(g, 2), lax.rem(j, 8)]], ssem, add=True)
        return 0
    lax.fori_loop(0, RPT_MSG, chunk, 0)
    s_desc(RPT_MSG - 1, lax.rem(RPT_MSG - 1, 2)).wait()
    plsc.subcore_barrier()

    def drain(t, _):
        r0 = s * TROWS + t * EC
        pltpu.sync_copy(acc_sh.at[pl.ds(r0, EC)], rows_v.at[0])
        pltpu.sync_copy(rows_v.at[0], out_hbm.at[c].at[pl.ds(r0, EC)])
        return 0
    lax.fori_loop(0, TROWS // EC, drain, 0)



_PREC = lax.Precision.HIGHEST


def _dinv(dega, degb):
    return 1.0 / jnp.sqrt(dega + degb + 1.0)


def _hs1_body(xf_ref, dega_ref, degb_ref, emb_ref, w1_ref, out_ref):
    dinv = _dinv(dega_ref[...], degb_ref[...])
    ew = jnp.dot(emb_ref[...], w1_ref[...],
                 preferred_element_type=F32, precision=_PREC)
    ids = lax.broadcasted_iota(I32, (1, 32), 1).astype(F32)
    oh = (xf_ref[...] == ids).astype(F32)
    hs = jnp.dot(oh, ew, preferred_element_type=F32,
                 precision=_PREC) * dinv
    out_ref[0] = hs[:, :DHH]
    out_ref[1] = hs[:, DHH:]


def _layer2_body(s_ref, h_ref, dega_ref, degb_ref, b1_ref, w2_ref, out_ref):
    dinv = _dinv(dega_ref[...], degb_ref[...])
    t = jnp.concatenate([s_ref[0] + h_ref[0], s_ref[1] + h_ref[1]], axis=1)
    h1 = jnp.maximum(dinv * t + b1_ref[...], 0.0)
    hs = jnp.dot(h1, w2_ref[...], preferred_element_type=F32,
                 precision=_PREC) * dinv
    out_ref[0] = hs[:, :DHH]
    out_ref[1] = hs[:, DHH:]


def _pool_body(s_ref, h_ref, dega_ref, degb_ref, b2_ref, batch_ref,
               gsum_ref, cnt_ref):
    i = pl.program_id(0)
    dinv = _dinv(dega_ref[...], degb_ref[...])
    t = jnp.concatenate([s_ref[0] + h_ref[0], s_ref[1] + h_ref[1]], axis=1)
    h2 = jnp.maximum(dinv * t + b2_ref[...], 0.0)
    ids = lax.broadcasted_iota(I32, (1, G), 1).astype(F32)
    oh = (batch_ref[...] == ids).astype(F32)

    @pl.when(i == 0)
    def _():
        gsum_ref[...] = jnp.zeros_like(gsum_ref)
        cnt_ref[...] = jnp.zeros_like(cnt_ref)

    dn = (((0,), (0,)), ((), ()))
    gsum_ref[...] += lax.dot_general(oh, h2, dn, preferred_element_type=F32,
                                     precision=_PREC)
    cnt_ref[...] += lax.dot_general(oh, jnp.ones((NB, 1), F32), dn,
                                    preferred_element_type=F32,
                                    precision=_PREC)


def _cls_body(gsum_ref, cnt_ref, wc_ref, bc_ref, out_ref):
    g = gsum_ref[...] / jnp.maximum(cnt_ref[...], 1.0)
    out_ref[...] = jnp.dot(g, wc_ref[...], preferred_element_type=F32,
                           precision=_PREC) + bc_ref[...]


def _hs1_call(xf, dega, degb, embp, w1):
    return pl.pallas_call(
        _hs1_body,
        grid=(NP // NB,),
        in_specs=[
            pl.BlockSpec((NB, 1), lambda i: (i, 0)),
            pl.BlockSpec((NB, 1), lambda i: (i, 0)),
            pl.BlockSpec((NB, 1), lambda i: (i, 0)),
            pl.BlockSpec((32, 128), lambda i: (0, 0)),
            pl.BlockSpec((128, DH), lambda i: (0, 0)),
        ],
        out_specs=pl.BlockSpec((2, NB, DHH), lambda i: (0, i, 0)),
        out_shape=jax.ShapeDtypeStruct((2, NP, DHH), F32),
    )(xf, dega, degb, embp, w1)


def _layer2_call(s1, hs1, dega, degb, b1r, w2):
    return pl.pallas_call(
        _layer2_body,
        grid=(NP // NB,),
        in_specs=[
            pl.BlockSpec((2, NB, DHH), lambda i: (0, i, 0)),
            pl.BlockSpec((2, NB, DHH), lambda i: (0, i, 0)),
            pl.BlockSpec((NB, 1), lambda i: (i, 0)),
            pl.BlockSpec((NB, 1), lambda i: (i, 0)),
            pl.BlockSpec((1, DH), lambda i: (0, 0)),
            pl.BlockSpec((DH, DH), lambda i: (0, 0)),
        ],
        out_specs=pl.BlockSpec((2, NB, DHH), lambda i: (0, i, 0)),
        out_shape=jax.ShapeDtypeStruct((2, NP, DHH), F32),
    )(s1, hs1, dega, degb, b1r, w2)


def _pool_call(s2, hs2, dega, degb, b2r, batchf):
    return pl.pallas_call(
        _pool_body,
        grid=(NP // NB,),
        in_specs=[
            pl.BlockSpec((2, NB, DHH), lambda i: (0, i, 0)),
            pl.BlockSpec((2, NB, DHH), lambda i: (0, i, 0)),
            pl.BlockSpec((NB, 1), lambda i: (i, 0)),
            pl.BlockSpec((NB, 1), lambda i: (i, 0)),
            pl.BlockSpec((1, DH), lambda i: (0, 0)),
            pl.BlockSpec((NB, 1), lambda i: (i, 0)),
        ],
        out_specs=[
            pl.BlockSpec((G, DH), lambda i: (0, 0)),
            pl.BlockSpec((G, 1), lambda i: (0, 0)),
        ],
        out_shape=[
            jax.ShapeDtypeStruct((G, DH), F32),
            jax.ShapeDtypeStruct((G, 1), F32),
        ],
    )(s2, hs2, dega, degb, b2r, batchf)


def _cls_call(gsum, cnt, wcp, bcp):
    return pl.pallas_call(
        _cls_body,
        grid=((OD + OB - 1) // OB,),
        in_specs=[
            pl.BlockSpec((G, DH), lambda i: (0, 0)),
            pl.BlockSpec((G, 1), lambda i: (0, 0)),
            pl.BlockSpec((DH, OB), lambda i: (0, i)),
            pl.BlockSpec((1, OB), lambda i: (0, i)),
        ],
        out_specs=pl.BlockSpec((G, OB), lambda i: (0, i)),
        out_shape=jax.ShapeDtypeStruct((G, OD), F32),
    )(gsum, cnt, wcp, bcp)



def kernel(x, edge_index, batch, emb_table, W1, b1, W2, b2, Wc, bc):
    xf = jnp.pad(x.astype(F32), ((0, NP - N), (0, 0)),
                 constant_values=float(VSZ))
    batchf = jnp.pad(batch.astype(F32)[:, None], ((0, NP - N), (0, 0)),
                     constant_values=float(G))
    src = jnp.concatenate(
        [edge_index[0], jnp.zeros((EP - E,), I32)]).reshape(ROWS, EC)
    dst = jnp.concatenate(
        [edge_index[1], jnp.full((EP - E,), N, I32)]).reshape(ROWS, EC)
    embp = jnp.pad(emb_table, ((0, 32 - VSZ), (0, 0)))
    b1r = b1[None, :]
    b2r = b2[None, :]
    bcr = bc[None, :]

    deg2 = _deg_kernel(dst)
    dega = deg2[0].reshape(NP, 1)
    degb = deg2[1].reshape(NP, 1)

    hs1 = _hs1_call(xf, dega, degb, embp, W1)
    s1 = _msg_kernel(hs1, src, dst)
    hs2 = _layer2_call(s1, hs1, dega, degb, b1r, W2)
    s2 = _msg_kernel(hs2, src, dst)
    gsum, cnt = _pool_call(s2, hs2, dega, degb, b2r, batchf)
    return _cls_call(gsum, cnt, Wc, bcr)

# --- scband reference (transcript-rebuilt; emitter-appended) ---
"""Pipeline reference for scband-prot-bert-gcn-82841329205683 (READ-ONLY COPY).

The authoritative reference and input builder live on the scoring server;
editing this copy changes nothing except your own understanding.
"""

import jax, jax.numpy as jnp
import numpy as np

N_NODES = 10000
N_EDGES = 320000
VOCAB = 30
D_EMB = 128
D_H = 256
OUT_DIM = 30954
N_GRAPHS = 128


def setup_inputs(seed: int = 0) -> dict:
    key = jax.random.key(seed)
    ks = jax.random.split(key, 10)
    x = jax.random.randint(ks[0], (N_NODES, 1), 0, VOCAB, dtype=jnp.int64) if jax.config.jax_enable_x64 else jax.random.randint(ks[0], (N_NODES, 1), 0, VOCAB).astype(jnp.int32)
    edge_index = jax.random.randint(ks[1], (2, N_EDGES), 0, N_NODES).astype(jnp.int32)
    batch = jnp.sort(jax.random.randint(ks[2], (N_NODES,), 0, N_GRAPHS)).astype(jnp.int32)
    emb_table = jax.random.normal(ks[3], (VOCAB, D_EMB), dtype=jnp.float32)
    W1 = jax.random.normal(ks[4], (D_EMB, D_H), dtype=jnp.float32) * (1.0 / np.sqrt(D_EMB))
    b1 = jnp.zeros((D_H,), dtype=jnp.float32)
    W2 = jax.random.normal(ks[5], (D_H, D_H), dtype=jnp.float32) * (1.0 / np.sqrt(D_H))
    b2 = jnp.zeros((D_H,), dtype=jnp.float32)
    Wc = jax.random.normal(ks[6], (D_H, OUT_DIM), dtype=jnp.float32) * (1.0 / np.sqrt(D_H))
    bc = jnp.zeros((OUT_DIM,), dtype=jnp.float32)
    return {"x": x, "edge_index": edge_index, "batch": batch, "emb_table": emb_table,
            "W1": W1, "b1": b1, "W2": W2, "b2": b2, "Wc": Wc, "bc": bc}


def gcn_conv(h, edge_index, W, b, num_nodes):
    # PyG GCNConv: h' = D^{-1/2} (A + I) D^{-1/2} (h W) + b
    loop = jnp.arange(num_nodes, dtype=edge_index.dtype)
    src = jnp.concatenate([edge_index[0], loop])
    dst = jnp.concatenate([edge_index[1], loop])
    h = h @ W
    deg = jnp.zeros((num_nodes,), dtype=h.dtype).at[dst].add(1.0)
    dinv = jnp.where(deg > 0, deg ** -0.5, 0.0)
    norm = dinv[src] * dinv[dst]
    msg = jnp.take(h, src, axis=0) * norm[:, None]
    out = jnp.zeros((num_nodes, h.shape[1]), dtype=h.dtype).at[dst].add(msg)
    return out + b


def global_mean_pool(h, batch, num_graphs):
    summed = jax.ops.segment_sum(h, batch, num_segments=num_graphs)
    cnt = jax.ops.segment_sum(jnp.ones((h.shape[0],), dtype=h.dtype), batch, num_segments=num_graphs)
    return summed / jnp.maximum(cnt, 1.0)[:, None]


def reference(x, edge_index, batch, emb_table, W1, b1, W2, b2, Wc, bc):
    num_nodes = x.shape[0]
    h = jnp.take(emb_table, x[:, 0], axis=0)  # embedding + squeeze(1)
    h = jax.nn.relu(gcn_conv(h, edge_index, W1, b1, num_nodes))
    # dropout is identity at inference
    h = jax.nn.relu(gcn_conv(h, edge_index, W2, b2, num_nodes))
    g = global_mean_pool(h, batch, N_GRAPHS)
    return g @ Wc + bc

if __name__ == "__main__":
    import jax
    _d = setup_inputs()
    print(jax.jit(kernel)(*tuple(_d.values())))

</pallas_src>

<mosaic_0001>
#map = affine_map<(d0, d1) -> (0, 0, 0)>
#map1 = affine_map<(d0, d1) -> (0, 0)>
module attributes {stable_mosaic.version = 14 : i64} {
  func.func @_msg_kernel(%arg0: i32, %arg1: i32, %arg2: memref<2x10240x128xf32, #tpu.memory_space<hbm>>, %arg3: memref<2560x128xi32, #tpu.memory_space<hbm>>, %arg4: memref<2560x128xi32, #tpu.memory_space<hbm>>, %arg5: memref<2x10240x128xf32, #tpu.memory_space<hbm>>, %arg6: memref<2x8x128xi32, #tpu.memory_space<vmem>>, %arg7: memref<2x8x128xi32, #tpu.memory_space<vmem>>, %arg8: memref<2x128x128xf32, #tpu.memory_space<vmem>>, %arg9: memref<10240x128xf32, #tpu.memory_space<vmem_shared>>, %arg10: memref<!tpu.dma_semaphore, #tpu.memory_space<semaphore_mem>>, %arg11: memref<!tpu.dma_semaphore, #tpu.memory_space<semaphore_mem>>) attributes {dimension_semantics = [#tpu.dimension_semantics<core_parallel>, #tpu.dimension_semantics<subcore_parallel>], iteration_bounds = array<i64: 2, 16>, scalar_prefetch = 0 : i64, scratch_operands = 6 : i64, tpu.core_type = #tpu.core_type<sc_vector_subcore>, window_params = [{transform_indices = #map}, {transform_indices = #map1}, {transform_indices = #map1}, {transform_indices = #map}]} {
    %scan3A = arith.constant 0 : i32
    %scan3A_0 = arith.constant 0 : i32
    %scan3A_1 = arith.constant 1024 : i32
    %scan3A_2 = arith.addi %scan3A_0, %scan3A_1 : i32
    %scan3A_3 = arith.constant 1 : i32
    %scan3A_4 = scf.for %scan3A_70 = %scan3A_0 to %scan3A_2 step %scan3A_3 iter_args(%scan3A_71 = %scan3A) -> (i32)  : i32 {
      %broadcast_in_dim3A = arith.constant 0.000000e+00 : f32
      %broadcast_in_dim3A_72 = vector.broadcast %broadcast_in_dim3A : f32 to vector<16xf32>
      %jit3A = arith.constant 8 : i32
      %div3A = arith.divsi %scan3A_70, %jit3A : i32
      %sign3A = arith.constant 0 : i32
      %sign3A_73 = arith.cmpi sgt, %scan3A_70, %sign3A : i32
      %sign3A_74 = arith.extui %sign3A_73 : i1 to i32
      %sign3A_75 = arith.constant 0 : i32
      %sign3A_76 = arith.cmpi slt, %scan3A_70, %sign3A_75 : i32
      %sign3A_77 = arith.extui %sign3A_76 : i1 to i32
      %sign3A_78 = arith.subi %sign3A_74, %sign3A_77 : i32
      %sign3A_79 = arith.constant 0 : i32
      %sign3A_80 = arith.cmpi sgt, %jit3A, %sign3A_79 : i32
      %sign3A_81 = arith.extui %sign3A_80 : i1 to i32
      %sign3A_82 = arith.constant 0 : i32
      %sign3A_83 = arith.cmpi slt, %jit3A, %sign3A_82 : i32
      %sign3A_84 = arith.extui %sign3A_83 : i1 to i32
      %sign3A_85 = arith.subi %sign3A_81, %sign3A_84 : i32
      %ne3A = arith.cmpi ne, %sign3A_78, %sign3A_85 : i32
      %rem3A_86 = arith.remsi %scan3A_70, %jit3A : i32
      %ne3A_87 = arith.constant 0 : i32
      %ne3A_88 = arith.cmpi ne, %rem3A_86, %ne3A_87 : i32
      %and3A = arith.andi %ne3A, %ne3A_88 : i1
      %sub3A = arith.constant 1 : i32
      %sub3A_89 = arith.subi %div3A, %sub3A : i32
      %select_n3A = arith.select %and3A, %sub3A_89, %div3A : i32
      %jit3A_90 = arith.constant 8 : i32
      %eq3A = arith.constant 0 : i32
      %eq3A_91 = arith.cmpi eq, %jit3A_90, %eq3A : i32
      %jit3A_92 = arith.constant 1 : i32
      %select_n3A_93 = arith.select %eq3A_91, %jit3A_92, %jit3A_90 : i32
      %rem3A_94 = arith.remsi %scan3A_70, %select_n3A_93 : i32
      %ne3A_95 = arith.constant 0 : i32
      %ne3A_96 = arith.cmpi ne, %rem3A_94, %ne3A_95 : i32
      %lt3A = arith.constant 0 : i32
      %lt3A_97 = arith.cmpi slt, %rem3A_94, %lt3A : i32
      %lt3A_98 = arith.constant 0 : i32
      %lt3A_99 = arith.cmpi slt, %select_n3A_93, %lt3A_98 : i32
      %ne3A_100 = arith.xori %lt3A_97, %lt3A_99 : i1
      %and3A_101 = arith.andi %ne3A_100, %ne3A_96 : i1
      %add3A_102 = arith.addi %rem3A_94, %select_n3A_93 : i32
      %select_n3A_103 = arith.select %and3A_101, %add3A_102, %rem3A_94 : i32
      %mul3A_104 = arith.constant 16 : i32
      %mul3A_105 = arith.muli %select_n3A_103, %mul3A_104 : i32
      %swap3A = arith.constant 0 : i32
      %swap3A_106 = arith.index_cast %swap3A : i32 to index
      %swap3A_107 = arith.index_cast %select_n3A : i32 to index
      %swap3A_108 = arith.index_cast %mul3A_105 : i32 to index
      %swap3A_109 = tpu.vector_load %arg8[%swap3A_106, %swap3A_107, %swap3A_108] {strides = array<i32>} : memref<2x128x128xf32, #tpu.memory_space<vmem>>, vector<1x1x16xf32>,
      %swap3A_110 = vector.shape_cast %swap3A_109 : vector<1x1x16xf32> to vector<16xf32>
      %swap3A_111 = vector.shape_cast %broadcast_in_dim3A_72 : vector<16xf32> to vector<1x1x16xf32>
      tpu.vector_store %arg8[%swap3A_106, %swap3A_107, %swap3A_108], %swap3A_111 {strides = array<i32>} : memref<2x128x128xf32, #tpu.memory_space<vmem>>, vector<1x1x16xf32>,
      %scan3A_112 = arith.constant 0 : i32
      scf.yield %scan3A_112 : i32
    }
    %scan3A_5 = arith.constant 1024 : i32
    %scan3A_6 = arith.constant 0 : i32
    %scan3A_7 = arith.constant 0 : i32
    %scan3A_8 = arith.constant 5 : i32
    %scan3A_9 = arith.addi %scan3A_7, %scan3A_8 : i32
    %scan3A_10 = arith.constant 1 : i32
    %scan3A_11 = scf.for %scan3A_70 = %scan3A_7 to %scan3A_9 step %scan3A_10 iter_args(%scan3A_71 = %scan3A_6) -> (i32)  : i32 {
      %mul3A_72 = arith.constant 640 : i32
      %mul3A_73 = arith.muli %arg1, %mul3A_72 : i32
      %mul3A_74 = arith.constant 128 : i32
      %mul3A_75 = arith.muli %scan3A_70, %mul3A_74 : i32
      %add3A_76 = arith.addi %mul3A_73, %mul3A_75 : i32
      %run_scoped3A = arith.constant 0 : i32
      "tpu.region"() ({
        %run_scoped3A_78 = tpu.sem_alloc : memref<!tpu.dma_semaphore, #tpu.memory_space<semaphore_mem>>
        %dma_start3A_79 = arith.constant 0 : i32
        %dma_start3A_80 = arith.constant 0 : i32
        %dma_start3A_81 = tpu.memref_slice %arg8[%run_scoped3A, %dma_start3A_79, %dma_start3A_80] : memref<2x128x128xf32, #tpu.memory_space<vmem>> -> memref<1x128x128xf32, #tpu.memory_space<vmem>>
        %dma_start3A_82 = tpu.memref_squeeze %dma_start3A_81 : memref<1x128x128xf32, #tpu.memory_space<vmem>> -> memref<128x128xf32, #tpu.memory_space<vmem>>
        %dma_start3A_83 = arith.constant 0 : i32
        %dma_start3A_84 = tpu.memref_slice %arg9[%add3A_76, %dma_start3A_83] : memref<10240x128xf32, #tpu.memory_space<vmem_shared>> -> memref<128x128xf32, #tpu.memory_space<vmem_shared>>
        %dma_start3A_85 = arith.constant 0 : i32
        %dma_start3A_86 = tpu.memref_slice %arg9[%add3A_76, %dma_start3A_85] : memref<10240x128xf32, #tpu.memory_space<vmem_shared>> -> memref<128x128xf32, #tpu.memory_space<vmem_shared>>
        %dma_start3A_87 = arith.constant 0 : i32
        %dma_start3A_88 = arith.constant 0 : i32
        %dma_start3A_89 = tpu.memref_slice %arg8[%run_scoped3A, %dma_start3A_87, %dma_start3A_88] : memref<2x128x128xf32, #tpu.memory_space<vmem>> -> memref<1x128x128xf32, #tpu.memory_space<vmem>>
        %dma_start3A_90 = tpu.memref_squeeze %dma_start3A_89 : memref<1x128x128xf32, #tpu.memory_space<vmem>> -> memref<128x128xf32, #tpu.memory_space<vmem>>
        tpu.enqueue_dma source(%dma_start3A_90 : memref<128x128xf32, #tpu.memory_space<vmem>>) target(%dma_start3A_86 : memref<128x128xf32, #tpu.memory_space<vmem_shared>>) target_semaphore(%run_scoped3A_78 : memref<!tpu.dma_semaphore, #tpu.memory_space<semaphore_mem>>)
        %dma_wait3A_91 = arith.constant 0 : i32
        %dma_wait3A_92 = arith.constant 0 : i32
        %dma_wait3A_93 = tpu.memref_slice %arg8[%run_scoped3A, %dma_wait3A_91, %dma_wait3A_92] : memref<2x128x128xf32, #tpu.memory_space<vmem>> -> memref<1x128x128xf32, #tpu.memory_space<vmem>>
        %dma_wait3A_94 = tpu.memref_squeeze %dma_wait3A_93 : memref<1x128x128xf32, #tpu.memory_space<vmem>> -> memref<128x128xf32, #tpu.memory_space<vmem>>
        %dma_wait3A_95 = arith.constant 0 : i32
        %dma_wait3A_96 = tpu.memref_slice %arg9[%add3A_76, %dma_wait3A_95] : memref<10240x128xf32, #tpu.memory_space<vmem_shared>> -> memref<128x128xf32, #tpu.memory_space<vmem_shared>>
        %dma_wait3A_97 = arith.constant 0 : i32
        %dma_wait3A_98 = tpu.memref_slice %arg9[%add3A_76, %dma_wait3A_97] : memref<10240x128xf32, #tpu.memory_space<vmem_shared>> -> memref<128x128xf32, #tpu.memory_space<vmem_shared>>
        %dma_wait3A_99 = arith.constant 0 : i32
        %dma_wait3A_100 = arith.constant 0 : i32
        %dma_wait3A_101 = tpu.memref_slice %arg8[%run_scoped3A, %dma_wait3A_99, %dma_wait3A_100] : memref<2x128x128xf32, #tpu.memory_space<vmem>> -> memref<1x128x128xf32, #tpu.memory_space<vmem>>
        %dma_wait3A_102 = tpu.memref_squeeze %dma_wait3A_101 : memref<1x128x128xf32, #tpu.memory_space<vmem>> -> memref<128x128xf32, #tpu.memory_space<vmem>>
        tpu.wait_dma2 semaphore(%run_scoped3A_78 : memref<!tpu.dma_semaphore, #tpu.memory_space<semaphore_mem>>) src(%dma_wait3A_102 : memref<128x128xf32, #tpu.memory_space<vmem>>) dst(%dma_wait3A_98 : memref<128x128xf32, #tpu.memory_space<vmem_shared>>)
        tpu.yield
      }) : () -> ()
      %scan3A_77 = arith.constant 0 : i32
      scf.yield %scan3A_77 : i32
    }
    %scan3A_12 = arith.constant 5 : i32
    %barrier3A = arith.constant 0 : index
    tpu.barrier barrier_id(%barrier3A)
    %rem3A = arith.constant 0 : i32
    %rem3A_13 = arith.constant 2 : i32
    %rem3A_14 = arith.remsi %rem3A, %rem3A_13 : i32
    %mul3A = arith.constant 160 : i32
    %mul3A_15 = arith.muli %arg1, %mul3A : i32
    %add3A = arith.constant 0 : i32
    %add3A_16 = arith.addi %mul3A_15, %add3A : i32
    "tpu.region"() ({
      %run_scoped3A = tpu.sem_alloc : memref<!tpu.dma_semaphore, #tpu.memory_space<semaphore_mem>>
      %dma_start3A_70 = arith.constant 0 : i32
      %dma_start3A_71 = arith.constant 0 : i32
      %dma_start3A_72 = tpu.memref_slice %arg6[%rem3A_14, %dma_start3A_70, %dma_start3A_71] : memref<2x8x128xi32, #tpu.memory_space<vmem>> -> memref<1x8x128xi32, #tpu.memory_space<vmem>>
      %dma_start3A_73 = tpu.memref_squeeze %dma_start3A_72 : memref<1x8x128xi32, #tpu.memory_space<vmem>> -> memref<8x128xi32, #tpu.memory_space<vmem>>
      %dma_start3A_74 = arith.constant 0 : i32
      %dma_start3A_75 = tpu.memref_slice %arg3[%add3A_16, %dma_start3A_74] : memref<2560x128xi32, #tpu.memory_space<hbm>> -> memref<8x128xi32, #tpu.memory_space<hbm>>
      %dma_start3A_76 = arith.constant 0 : i32
      %dma_start3A_77 = arith.constant 0 : i32
      %dma_start3A_78 = tpu.memref_slice %arg6[%rem3A_14, %dma_start3A_76, %dma_start3A_77] : memref<2x8x128xi32, #tpu.memory_space<vmem>> -> memref<1x8x128xi32, #tpu.memory_space<vmem>>
      %dma_start3A_79 = tpu.memref_squeeze %dma_start3A_78 : memref<1x8x128xi32, #tpu.memory_space<vmem>> -> memref<8x128xi32, #tpu.memory_space<vmem>>
      %dma_start3A_80 = arith.constant 0 : i32
      %dma_start3A_81 = tpu.memref_slice %arg3[%add3A_16, %dma_start3A_80] : memref<2560x128xi32, #tpu.memory_space<hbm>> -> memref<8x128xi32, #tpu.memory_space<hbm>>
      tpu.enqueue_dma source(%dma_start3A_81 : memref<8x128xi32, #tpu.memory_space<hbm>>) target(%dma_start3A_79 : memref<8x128xi32, #tpu.memory_space<vmem>>) target_semaphore(%run_scoped3A : memref<!tpu.dma_semaphore, #tpu.memory_space<semaphore_mem>>)
      %dma_wait3A_82 = arith.constant 0 : i32
      %dma_wait3A_83 = arith.constant 0 : i32
      %dma_wait3A_84 = tpu.memref_slice %arg6[%rem3A_14, %dma_wait3A_82, %dma_wait3A_83] : memref<2x8x128xi32, #tpu.memory_space<vmem>> -> memref<1x8x128xi32, #tpu.memory_space<vmem>>
      %dma_wait3A_85 = tpu.memref_squeeze %dma_wait3A_84 : memref<1x8x128xi32, #tpu.memory_space<vmem>> -> memref<8x128xi32, #tpu.memory_space<vmem>>
      %dma_wait3A_86 = arith.constant 0 : i32
      %dma_wait3A_87 = tpu.memref_slice %arg3[%add3A_16, %dma_wait3A_86] : memref<2560x128xi32, #tpu.memory_space<hbm>> -> memref<8x128xi32, #tpu.memory_space<hbm>>
      %dma_wait3A_88 = arith.constant 0 : i32
      %dma_wait3A_89 = arith.constant 0 : i32
      %dma_wait3A_90 = tpu.memref_slice %arg6[%rem3A_14, %dma_wait3A_88, %dma_wait3A_89] : memref<2x8x128xi32, #tpu.memory_space<vmem>> -> memref<1x8x128xi32, #tpu.memory_space<vmem>>
      %dma_wait3A_91 = tpu.memref_squeeze %dma_wait3A_90 : memref<1x8x128xi32, #tpu.memory_space<vmem>> -> memref<8x128xi32, #tpu.memory_space<vmem>>
      %dma_wait3A_92 = arith.constant 0 : i32
      %dma_wait3A_93 = tpu.memref_slice %arg3[%add3A_16, %dma_wait3A_92] : memref<2560x128xi32, #tpu.memory_space<hbm>> -> memref<8x128xi32, #tpu.memory_space<hbm>>
      tpu.wait_dma2 semaphore(%run_scoped3A : memref<!tpu.dma_semaphore, #tpu.memory_space<semaphore_mem>>) src(%dma_wait3A_93 : memref<8x128xi32, #tpu.memory_space<hbm>>) dst(%dma_wait3A_91 : memref<8x128xi32, #tpu.memory_space<vmem>>)
      tpu.yield
    }) : () -> ()
    "tpu.region"() ({
      %run_scoped3A = tpu.sem_alloc : memref<!tpu.dma_semaphore, #tpu.memory_space<semaphore_mem>>
      %dma_start3A_70 = arith.constant 0 : i32
      %dma_start3A_71 = arith.constant 0 : i32
      %dma_start3A_72 = tpu.memref_slice %arg7[%rem3A_14, %dma_start3A_70, %dma_start3A_71] : memref<2x8x128xi32, #tpu.memory_space<vmem>> -> memref<1x8x128xi32, #tpu.memory_space<vmem>>
      %dma_start3A_73 = tpu.memref_squeeze %dma_start3A_72 : memref<1x8x128xi32, #tpu.memory_space<vmem>> -> memref<8x128xi32, #tpu.memory_space<vmem>>
      %dma_start3A_74 = arith.constant 0 : i32
      %dma_start3A_75 = tpu.memref_slice %arg4[%add3A_16, %dma_start3A_74] : memref<2560x128xi32, #tpu.memory_space<hbm>> -> memref<8x128xi32, #tpu.memory_space<hbm>>
      %dma_start3A_76 = arith.constant 0 : i32
      %dma_start3A_77 = arith.constant 0 : i32
      %dma_start3A_78 = tpu.memref_slice %arg7[%rem3A_14, %dma_start3A_76, %dma_start3A_77] : memref<2x8x128xi32, #tpu.memory_space<vmem>> -> memref<1x8x128xi32, #tpu.memory_space<vmem>>
      %dma_start3A_79 = tpu.memref_squeeze %dma_start3A_78 : memref<1x8x128xi32, #tpu.memory_space<vmem>> -> memref<8x128xi32, #tpu.memory_space<vmem>>
      %dma_start3A_80 = arith.constant 0 : i32
      %dma_start3A_81 = tpu.memref_slice %arg4[%add3A_16, %dma_start3A_80] : memref<2560x128xi32, #tpu.memory_space<hbm>> -> memref<8x128xi32, #tpu.memory_space<hbm>>
      tpu.enqueue_dma source(%dma_start3A_81 : memref<8x128xi32, #tpu.memory_space<hbm>>) target(%dma_start3A_79 : memref<8x128xi32, #tpu.memory_space<vmem>>) target_semaphore(%run_scoped3A : memref<!tpu.dma_semaphore, #tpu.memory_space<semaphore_mem>>)
      %dma_wait3A_82 = arith.constant 0 : i32
      %dma_wait3A_83 = arith.constant 0 : i32
      %dma_wait3A_84 = tpu.memref_slice %arg7[%rem3A_14, %dma_wait3A_82, %dma_wait3A_83] : memref<2x8x128xi32, #tpu.memory_space<vmem>> -> memref<1x8x128xi32, #tpu.memory_space<vmem>>
      %dma_wait3A_85 = tpu.memref_squeeze %dma_wait3A_84 : memref<1x8x128xi32, #tpu.memory_space<vmem>> -> memref<8x128xi32, #tpu.memory_space<vmem>>
      %dma_wait3A_86 = arith.constant 0 : i32
      %dma_wait3A_87 = tpu.memref_slice %arg4[%add3A_16, %dma_wait3A_86] : memref<2560x128xi32, #tpu.memory_space<hbm>> -> memref<8x128xi32, #tpu.memory_space<hbm>>
      %dma_wait3A_88 = arith.constant 0 : i32
      %dma_wait3A_89 = arith.constant 0 : i32
      %dma_wait3A_90 = tpu.memref_slice %arg7[%rem3A_14, %dma_wait3A_88, %dma_wait3A_89] : memref<2x8x128xi32, #tpu.memory_space<vmem>> -> memref<1x8x128xi32, #tpu.memory_space<vmem>>
      %dma_wait3A_91 = tpu.memref_squeeze %dma_wait3A_90 : memref<1x8x128xi32, #tpu.memory_space<vmem>> -> memref<8x128xi32, #tpu.memory_space<vmem>>
      %dma_wait3A_92 = arith.constant 0 : i32
      %dma_wait3A_93 = tpu.memref_slice %arg4[%add3A_16, %dma_wait3A_92] : memref<2560x128xi32, #tpu.memory_space<hbm>> -> memref<8x128xi32, #tpu.memory_space<hbm>>
      tpu.wait_dma2 semaphore(%run_scoped3A : memref<!tpu.dma_semaphore, #tpu.memory_space<semaphore_mem>>) src(%dma_wait3A_93 : memref<8x128xi32, #tpu.memory_space<hbm>>) dst(%dma_wait3A_91 : memref<8x128xi32, #tpu.memory_space<vmem>>)
      tpu.yield
    }) : () -> ()
    %rem3A_17 = arith.constant 0 : i32
    %rem3A_18 = arith.constant 2 : i32
    %rem3A_19 = arith.remsi %rem3A_17, %rem3A_18 : i32
    %rem3A_20 = arith.constant 0 : i32
    %rem3A_21 = arith.constant 8 : i32
    %rem3A_22 = arith.remsi %rem3A_20, %rem3A_21 : i32
    %dma_start3A = arith.constant 0 : i32
    %dma_start3A_23 = arith.constant 0 : i32
    %dma_start3A_24 = arith.constant 0 : i32
    %dma_start3A_25 = tpu.memref_slice %arg8[%dma_start3A, %dma_start3A_23, %dma_start3A_24] : memref<2x128x128xf32, #tpu.memory_space<vmem>> -> memref<1x128x128xf32, #tpu.memory_space<vmem>>
    %dma_start3A_26 = tpu.memref_squeeze %dma_start3A_25 : memref<1x128x128xf32, #tpu.memory_space<vmem>> -> memref<128x128xf32, #tpu.memory_space<vmem>>
    %dma_start3A_27 = arith.constant 0 : i32
    %dma_start3A_28 = tpu.memref_slice %arg6[%rem3A_19, %rem3A_22, %dma_start3A_27] : memref<2x8x128xi32, #tpu.memory_space<vmem>> -> memref<1x1x128xi32, #tpu.memory_space<vmem>>
    %dma_start3A_29 = tpu.memref_squeeze %dma_start3A_28 : memref<1x1x128xi32, #tpu.memory_space<vmem>> -> memref<128xi32, #tpu.memory_space<vmem>>
    %dma_start3A_30 = arith.constant 0 : i32
    %dma_start3A_31 = arith.constant 0 : i32
    %dma_start3A_32 = tpu.memref_slice %arg2[%arg0, %dma_start3A_30, %dma_start3A_31] : memref<2x10240x128xf32, #tpu.memory_space<hbm>> -> memref<1x10240x128xf32, #tpu.memory_space<hbm>>
    %dma_start3A_33 = tpu.memref_squeeze %dma_start3A_32 : memref<1x10240x128xf32, #tpu.memory_space<hbm>> -> memref<10240x128xf32, #tpu.memory_space<hbm>>
    %dma_start3A_34 = arith.constant 0 : i32
    %dma_start3A_35 = arith.constant 0 : i32
    %dma_start3A_36 = tpu.memref_slice %dma_start3A_33[%dma_start3A_34, %dma_start3A_35] : memref<10240x128xf32, #tpu.memory_space<hbm>> -> memref<10240x128xf32, #tpu.memory_space<hbm>>
    tpu.enqueue_indirect_dma source(%dma_start3A_36 : memref<10240x128xf32, #tpu.memory_space<hbm>>) target(%dma_start3A_26 : memref<128x128xf32, #tpu.memory_space<vmem>>) offsets(%dma_start3A_29 : memref<128xi32, #tpu.memory_space<vmem>>) semaphore(%arg10 : memref<!tpu.dma_semaphore, #tpu.memory_space<semaphore_mem>>)
    %scan3A_37 = arith.constant 0 : i32
    %scan3A_38 = arith.constant 0 : i32
    %scan3A_39 = arith.constant 160 : i32
    %scan3A_40 = arith.addi %scan3A_38, %scan3A_39 : i32
    %scan3A_41 = arith.constant 1 : i32
    %scan3A_42 = scf.for %scan3A_70 = %scan3A_38 to %scan3A_40 step %scan3A_41 iter_args(%scan3A_71 = %scan3A_37) -> (i32)  : i32 {
      %rem3A_72 = arith.constant 2 : i32
      %rem3A_73 = arith.remsi %scan3A_70, %rem3A_72 : i32
      %add3A_74 = arith.constant 1 : i32
      %add3A_75 = arith.addi %scan3A_70, %add3A_74 : i32
      %rem3A_76 = arith.constant 2 : i32
      %rem3A_77 = arith.remsi %add3A_75, %rem3A_76 : i32
      %rem3A_78 = arith.constant 8 : i32
      %rem3A_79 = arith.remsi %scan3A_70, %rem3A_78 : i32
      %jit3A = arith.constant 8 : i32
      %div3A = arith.divsi %scan3A_70, %jit3A : i32
      %sign3A = arith.constant 0 : i32
      %sign3A_80 = arith.cmpi sgt, %scan3A_70, %sign3A : i32
      %sign3A_81 = arith.extui %sign3A_80 : i1 to i32
      %sign3A_82 = arith.constant 0 : i32
      %sign3A_83 = arith.cmpi slt, %scan3A_70, %sign3A_82 : i32
      %sign3A_84 = arith.extui %sign3A_83 : i1 to i32
      %sign3A_85 = arith.subi %sign3A_81, %sign3A_84 : i32
      %sign3A_86 = arith.constant 0 : i32
      %sign3A_87 = arith.cmpi sgt, %jit3A, %sign3A_86 : i32
      %sign3A_88 = arith.extui %sign3A_87 : i1 to i32
      %sign3A_89 = arith.constant 0 : i32
      %sign3A_90 = arith.cmpi slt, %jit3A, %sign3A_89 : i32
      %sign3A_91 = arith.extui %sign3A_90 : i1 to i32
      %sign3A_92 = arith.subi %sign3A_88, %sign3A_91 : i32
      %ne3A = arith.cmpi ne, %sign3A_85, %sign3A_92 : i32
      %rem3A_93 = arith.remsi %scan3A_70, %jit3A : i32
      %ne3A_94 = arith.constant 0 : i32
      %ne3A_95 = arith.cmpi ne, %rem3A_93, %ne3A_94 : i32
      %and3A = arith.andi %ne3A, %ne3A_95 : i1
      %sub3A = arith.constant 1 : i32
      %sub3A_96 = arith.subi %div3A, %sub3A : i32
      %select_n3A = arith.select %and3A, %sub3A_96, %div3A : i32
      %rem3A_97 = arith.constant 2 : i32
      %rem3A_98 = arith.remsi %select_n3A, %rem3A_97 : i32
      %rem3A_99 = arith.constant 8 : i32
      %rem3A_100 = arith.remsi %scan3A_70, %rem3A_99 : i32
      %dma_wait3A_101 = arith.constant 0 : i32
      %dma_wait3A_102 = arith.constant 0 : i32
      %dma_wait3A_103 = tpu.memref_slice %arg8[%rem3A_73, %dma_wait3A_101, %dma_wait3A_102] : memref<2x128x128xf32, #tpu.memory_space<vmem>> -> memref<1x128x128xf32, #tpu.memory_space<vmem>>
      %dma_wait3A_104 = tpu.memref_squeeze %dma_wait3A_103 : memref<1x128x128xf32, #tpu.memory_space<vmem>> -> memref<128x128xf32, #tpu.memory_space<vmem>>
      %dma_wait3A_105 = arith.constant 0 : i32
      %dma_wait3A_106 = tpu.memref_slice %arg6[%rem3A_98, %rem3A_100, %dma_wait3A_105] : memref<2x8x128xi32, #tpu.memory_space<vmem>> -> memref<1x1x128xi32, #tpu.memory_space<vmem>>
      %dma_wait3A_107 = tpu.memref_squeeze %dma_wait3A_106 : memref<1x1x128xi32, #tpu.memory_space<vmem>> -> memref<128xi32, #tpu.memory_space<vmem>>
      %dma_wait3A_108 = arith.constant 0 : i32
      %dma_wait3A_109 = arith.constant 0 : i32
      %dma_wait3A_110 = tpu.memref_slice %arg2[%arg0, %dma_wait3A_108, %dma_wait3A_109] : memref<2x10240x128xf32, #tpu.memory_space<hbm>> -> memref<1x10240x128xf32, #tpu.memory_space<hbm>>
      %dma_wait3A_111 = tpu.memref_squeeze %dma_wait3A_110 : memref<1x10240x128xf32, #tpu.memory_space<hbm>> -> memref<10240x128xf32, #tpu.memory_space<hbm>>
      %dma_wait3A_112 = arith.constant 0 : i32
      %dma_wait3A_113 = arith.constant 0 : i32
      %dma_wait3A_114 = tpu.memref_slice %dma_wait3A_111[%dma_wait3A_112, %dma_wait3A_113] : memref<10240x128xf32, #tpu.memory_space<hbm>> -> memref<10240x128xf32, #tpu.memory_space<hbm>>
      tpu.wait_indirect_dma semaphore(%arg10 : memref<!tpu.dma_semaphore, #tpu.memory_space<semaphore_mem>>) src(%dma_wait3A_114 : memref<10240x128xf32, #tpu.memory_space<hbm>>) dst(%dma_wait3A_104 : memref<128x128xf32, #tpu.memory_space<vmem>>)
      %ge3A = arith.constant 1 : i32
      %ge3A_115 = arith.cmpi sge, %scan3A_70, %ge3A : i32
      %convert_element_type3A = arith.extui %ge3A_115 : i1 to i32
      %cond3A = arith.constant 0 : i32
      %cond3A_116 = arith.cmpi ne, %convert_element_type3A, %cond3A : i32
      scf.if %cond3A_116 {
        %sub3A_171 = arith.constant 1 : i32
        %sub3A_172 = arith.subi %scan3A_70, %sub3A_171 : i32
        %jit3A_173 = arith.constant 8 : i32
        %div3A_174 = arith.divsi %sub3A_172, %jit3A_173 : i32
        %sign3A_175 = arith.constant 0 : i32
        %sign3A_176 = arith.cmpi sgt, %sub3A_172, %sign3A_175 : i32
        %sign3A_177 = arith.extui %sign3A_176 : i1 to i32
        %sign3A_178 = arith.constant 0 : i32
        %sign3A_179 = arith.cmpi slt, %sub3A_172, %sign3A_178 : i32
        %sign3A_180 = arith.extui %sign3A_179 : i1 to i32
        %sign3A_181 = arith.subi %sign3A_177, %sign3A_180 : i32
        %sign3A_182 = arith.constant 0 : i32
        %sign3A_183 = arith.cmpi sgt, %jit3A_173, %sign3A_182 : i32
        %sign3A_184 = arith.extui %sign3A_183 : i1 to i32
        %sign3A_185 = arith.constant 0 : i32
        %sign3A_186 = arith.cmpi slt, %jit3A_173, %sign3A_185 : i32
        %sign3A_187 = arith.extui %sign3A_186 : i1 to i32
        %sign3A_188 = arith.subi %sign3A_184, %sign3A_187 : i32
        %ne3A_189 = arith.cmpi ne, %sign3A_181, %sign3A_188 : i32
        %rem3A_190 = arith.remsi %sub3A_172, %jit3A_173 : i32
        %ne3A_191 = arith.constant 0 : i32
        %ne3A_192 = arith.cmpi ne, %rem3A_190, %ne3A_191 : i32
        %and3A_193 = arith.andi %ne3A_189, %ne3A_192 : i1
        %sub3A_194 = arith.constant 1 : i32
        %sub3A_195 = arith.subi %div3A_174, %sub3A_194 : i32
        %select_n3A_196 = arith.select %and3A_193, %sub3A_195, %div3A_174 : i32
        %rem3A_197 = arith.constant 2 : i32
        %rem3A_198 = arith.remsi %select_n3A_196, %rem3A_197 : i32
        %rem3A_199 = arith.constant 8 : i32
        %rem3A_200 = arith.remsi %sub3A_172, %rem3A_199 : i32
        %dma_wait3A_201 = arith.constant 0 : i32
        %dma_wait3A_202 = arith.constant 0 : i32
        %dma_wait3A_203 = tpu.memref_slice %arg8[%rem3A_77, %dma_wait3A_201, %dma_wait3A_202] : memref<2x128x128xf32, #tpu.memory_space<vmem>> -> memref<1x128x128xf32, #tpu.memory_space<vmem>>
        %dma_wait3A_204 = tpu.memref_squeeze %dma_wait3A_203 : memref<1x128x128xf32, #tpu.memory_space<vmem>> -> memref<128x128xf32, #tpu.memory_space<vmem>>
        %dma_wait3A_205 = arith.constant 0 : i32
        %dma_wait3A_206 = tpu.memref_slice %arg7[%rem3A_198, %rem3A_200, %dma_wait3A_205] : memref<2x8x128xi32, #tpu.memory_space<vmem>> -> memref<1x1x128xi32, #tpu.memory_space<vmem>>
        %dma_wait3A_207 = tpu.memref_squeeze %dma_wait3A_206 : memref<1x1x128xi32, #tpu.memory_space<vmem>> -> memref<128xi32, #tpu.memory_space<vmem>>
        %dma_wait3A_208 = arith.constant 0 : i32
        %dma_wait3A_209 = arith.constant 0 : i32
        %dma_wait3A_210 = tpu.memref_slice %arg9[%dma_wait3A_208, %dma_wait3A_209] : memref<10240x128xf32, #tpu.memory_space<vmem_shared>> -> memref<10240x128xf32, #tpu.memory_space<vmem_shared>>
        tpu.wait_indirect_dma semaphore(%arg11 : memref<!tpu.dma_semaphore, #tpu.memory_space<semaphore_mem>>) src(%dma_wait3A_204 : memref<128x128xf32, #tpu.memory_space<vmem>>) dst(%dma_wait3A_210 : memref<10240x128xf32, #tpu.memory_space<vmem_shared>>)
      } else {
      }
      %eq3A = arith.constant 7 : i32
      %eq3A_117 = arith.cmpi eq, %rem3A_79, %eq3A : i32
      %add3A_118 = arith.constant 1 : i32
      %add3A_119 = arith.addi %scan3A_70, %add3A_118 : i32
      %lt3A = arith.constant 160 : i32
      %lt3A_120 = arith.cmpi slt, %add3A_119, %lt3A : i32
      %and3A_121 = arith.andi %eq3A_117, %lt3A_120 : i1
      %convert_element_type3A_122 = arith.extui %and3A_121 : i1 to i32
      %cond3A_123 = arith.constant 0 : i32
      %cond3A_124 = arith.cmpi ne, %convert_element_type3A_122, %cond3A_123 : i32
      scf.if %cond3A_124 {
        %jit3A_171 = arith.constant 8 : i32
        %div3A_172 = arith.divsi %scan3A_70, %jit3A_171 : i32
        %sign3A_173 = arith.constant 0 : i32
        %sign3A_174 = arith.cmpi sgt, %scan3A_70, %sign3A_173 : i32
        %sign3A_175 = arith.extui %sign3A_174 : i1 to i32
        %sign3A_176 = arith.constant 0 : i32
        %sign3A_177 = arith.cmpi slt, %scan3A_70, %sign3A_176 : i32
        %sign3A_178 = arith.extui %sign3A_177 : i1 to i32
        %sign3A_179 = arith.subi %sign3A_175, %sign3A_178 : i32
        %sign3A_180 = arith.constant 0 : i32
        %sign3A_181 = arith.cmpi sgt, %jit3A_171, %sign3A_180 : i32
        %sign3A_182 = arith.extui %sign3A_181 : i1 to i32
        %sign3A_183 = arith.constant 0 : i32
        %sign3A_184 = arith.cmpi slt, %jit3A_171, %sign3A_183 : i32
        %sign3A_185 = arith.extui %sign3A_184 : i1 to i32
        %sign3A_186 = arith.subi %sign3A_182, %sign3A_185 : i32
        %ne3A_187 = arith.cmpi ne, %sign3A_179, %sign3A_186 : i32
        %rem3A_188 = arith.remsi %scan3A_70, %jit3A_171 : i32
        %ne3A_189 = arith.constant 0 : i32
        %ne3A_190 = arith.cmpi ne, %rem3A_188, %ne3A_189 : i32
        %and3A_191 = arith.andi %ne3A_187, %ne3A_190 : i1
        %sub3A_192 = arith.constant 1 : i32
        %sub3A_193 = arith.subi %div3A_172, %sub3A_192 : i32
        %select_n3A_194 = arith.select %and3A_191, %sub3A_193, %div3A_172 : i32
        %add3A_195 = arith.constant 1 : i32
        %add3A_196 = arith.addi %select_n3A_194, %add3A_195 : i32
        %rem3A_197 = arith.constant 2 : i32
        %rem3A_198 = arith.remsi %add3A_196, %rem3A_197 : i32
        %mul3A_199 = arith.constant 160 : i32
        %mul3A_200 = arith.muli %arg1, %mul3A_199 : i32
        %mul3A_201 = arith.constant 8 : i32
        %mul3A_202 = arith.muli %add3A_196, %mul3A_201 : i32
        %add3A_203 = arith.addi %mul3A_200, %mul3A_202 : i32
        "tpu.region"() ({
          %run_scoped3A = tpu.sem_alloc : memref<!tpu.dma_semaphore, #tpu.memory_space<semaphore_mem>>
          %dma_start3A_204 = arith.constant 0 : i32
          %dma_start3A_205 = arith.constant 0 : i32
          %dma_start3A_206 = tpu.memref_slice %arg6[%rem3A_198, %dma_start3A_204, %dma_start3A_205] : memref<2x8x128xi32, #tpu.memory_space<vmem>> -> memref<1x8x128xi32, #tpu.memory_space<vmem>>
          %dma_start3A_207 = tpu.memref_squeeze %dma_start3A_206 : memref<1x8x128xi32, #tpu.memory_space<vmem>> -> memref<8x128xi32, #tpu.memory_space<vmem>>
          %dma_start3A_208 = arith.constant 0 : i32
          %dma_start3A_209 = tpu.memref_slice %arg3[%add3A_203, %dma_start3A_208] : memref<2560x128xi32, #tpu.memory_space<hbm>> -> memref<8x128xi32, #tpu.memory_space<hbm>>
          %dma_start3A_210 = arith.constant 0 : i32
          %dma_start3A_211 = arith.constant 0 : i32
          %dma_start3A_212 = tpu.memref_slice %arg6[%rem3A_198, %dma_start3A_210, %dma_start3A_211] : memref<2x8x128xi32, #tpu.memory_space<vmem>> -> memref<1x8x128xi32, #tpu.memory_space<vmem>>
          %dma_start3A_213 = tpu.memref_squeeze %dma_start3A_212 : memref<1x8x128xi32, #tpu.memory_space<vmem>> -> memref<8x128xi32, #tpu.memory_space<vmem>>
          %dma_start3A_214 = arith.constant 0 : i32
          %dma_start3A_215 = tpu.memref_slice %arg3[%add3A_203, %dma_start3A_214] : memref<2560x128xi32, #tpu.memory_space<hbm>> -> memref<8x128xi32, #tpu.memory_space<hbm>>
          tpu.enqueue_dma source(%dma_start3A_215 : memref<8x128xi32, #tpu.memory_space<hbm>>) target(%dma_start3A_213 : memref<8x128xi32, #tpu.memory_space<vmem>>) target_semaphore(%run_scoped3A : memref<!tpu.dma_semaphore, #tpu.memory_space<semaphore_mem>>)
          %dma_wait3A_216 = arith.constant 0 : i32
          %dma_wait3A_217 = arith.constant 0 : i32
          %dma_wait3A_218 = tpu.memref_slice %arg6[%rem3A_198, %dma_wait3A_216, %dma_wait3A_217] : memref<2x8x128xi32, #tpu.memory_space<vmem>> -> memref<1x8x128xi32, #tpu.memory_space<vmem>>
          %dma_wait3A_219 = tpu.memref_squeeze %dma_wait3A_218 : memref<1x8x128xi32, #tpu.memory_space<vmem>> -> memref<8x128xi32, #tpu.memory_space<vmem>>
          %dma_wait3A_220 = arith.constant 0 : i32
          %dma_wait3A_221 = tpu.memref_slice %arg3[%add3A_203, %dma_wait3A_220] : memref<2560x128xi32, #tpu.memory_space<hbm>> -> memref<8x128xi32, #tpu.memory_space<hbm>>
          %dma_wait3A_222 = arith.constant 0 : i32
          %dma_wait3A_223 = arith.constant 0 : i32
          %dma_wait3A_224 = tpu.memref_slice %arg6[%rem3A_198, %dma_wait3A_222, %dma_wait3A_223] : memref<2x8x128xi32, #tpu.memory_space<vmem>> -> memref<1x8x128xi32, #tpu.memory_space<vmem>>
          %dma_wait3A_225 = tpu.memref_squeeze %dma_wait3A_224 : memref<1x8x128xi32, #tpu.memory_space<vmem>> -> memref<8x128xi32, #tpu.memory_space<vmem>>
          %dma_wait3A_226 = arith.constant 0 : i32
          %dma_wait3A_227 = tpu.memref_slice %arg3[%add3A_203, %dma_wait3A_226] : memref<2560x128xi32, #tpu.memory_space<hbm>> -> memref<8x128xi32, #tpu.memory_space<hbm>>
          tpu.wait_dma2 semaphore(%run_scoped3A : memref<!tpu.dma_semaphore, #tpu.memory_space<semaphore_mem>>) src(%dma_wait3A_227 : memref<8x128xi32, #tpu.memory_space<hbm>>) dst(%dma_wait3A_225 : memref<8x128xi32, #tpu.memory_space<vmem>>)
          tpu.yield
        }) : () -> ()
        "tpu.region"() ({
          %run_scoped3A = tpu.sem_alloc : memref<!tpu.dma_semaphore, #tpu.memory_space<semaphore_mem>>
          %dma_start3A_204 = arith.constant 0 : i32
          %dma_start3A_205 = arith.constant 0 : i32
          %dma_start3A_206 = tpu.memref_slice %arg7[%rem3A_198, %dma_start3A_204, %dma_start3A_205] : memref<2x8x128xi32, #tpu.memory_space<vmem>> -> memref<1x8x128xi32, #tpu.memory_space<vmem>>
          %dma_start3A_207 = tpu.memref_squeeze %dma_start3A_206 : memref<1x8x128xi32, #tpu.memory_space<vmem>> -> memref<8x128xi32, #tpu.memory_space<vmem>>
          %dma_start3A_208 = arith.constant 0 : i32
          %dma_start3A_209 = tpu.memref_slice %arg4[%add3A_203, %dma_start3A_208] : memref<2560x128xi32, #tpu.memory_space<hbm>> -> memref<8x128xi32, #tpu.memory_space<hbm>>
          %dma_start3A_210 = arith.constant 0 : i32
          %dma_start3A_211 = arith.constant 0 : i32
          %dma_start3A_212 = tpu.memref_slice %arg7[%rem3A_198, %dma_start3A_210, %dma_start3A_211] : memref<2x8x128xi32, #tpu.memory_space<vmem>> -> memref<1x8x128xi32, #tpu.memory_space<vmem>>
          %dma_start3A_213 = tpu.memref_squeeze %dma_start3A_212 : memref<1x8x128xi32, #tpu.memory_space<vmem>> -> memref<8x128xi32, #tpu.memory_space<vmem>>
          %dma_start3A_214 = arith.constant 0 : i32
          %dma_start3A_215 = tpu.memref_slice %arg4[%add3A_203, %dma_start3A_214] : memref<2560x128xi32, #tpu.memory_space<hbm>> -> memref<8x128xi32, #tpu.memory_space<hbm>>
          tpu.enqueue_dma source(%dma_start3A_215 : memref<8x128xi32, #tpu.memory_space<hbm>>) target(%dma_start3A_213 : memref<8x128xi32, #tpu.memory_space<vmem>>) target_semaphore(%run_scoped3A : memref<!tpu.dma_semaphore, #tpu.memory_space<semaphore_mem>>)
          %dma_wait3A_216 = arith.constant 0 : i32
          %dma_wait3A_217 = arith.constant 0 : i32
          %dma_wait3A_218 = tpu.memref_slice %arg7[%rem3A_198, %dma_wait3A_216, %dma_wait3A_217] : memref<2x8x128xi32, #tpu.memory_space<vmem>> -> memref<1x8x128xi32, #tpu.memory_space<vmem>>
          %dma_wait3A_219 = tpu.memref_squeeze %dma_wait3A_218 : memref<1x8x128xi32, #tpu.memory_space<vmem>> -> memref<8x128xi32, #tpu.memory_space<vmem>>
          %dma_wait3A_220 = arith.constant 0 : i32
          %dma_wait3A_221 = tpu.memref_slice %arg4[%add3A_203, %dma_wait3A_220] : memref<2560x128xi32, #tpu.memory_space<hbm>> -> memref<8x128xi32, #tpu.memory_space<hbm>>
          %dma_wait3A_222 = arith.constant 0 : i32
          %dma_wait3A_223 = arith.constant 0 : i32
          %dma_wait3A_224 = tpu.memref_slice %arg7[%rem3A_198, %dma_wait3A_222, %dma_wait3A_223] : memref<2x8x128xi32, #tpu.memory_space<vmem>> -> memref<1x8x128xi32, #tpu.memory_space<vmem>>
          %dma_wait3A_225 = tpu.memref_squeeze %dma_wait3A_224 : memref<1x8x128xi32, #tpu.memory_space<vmem>> -> memref<8x128xi32, #tpu.memory_space<vmem>>
          %dma_wait3A_226 = arith.constant 0 : i32
          %dma_wait3A_227 = tpu.memref_slice %arg4[%add3A_203, %dma_wait3A_226] : memref<2560x128xi32, #tpu.memory_space<hbm>> -> memref<8x128xi32, #tpu.memory_space<hbm>>
          tpu.wait_dma2 semaphore(%run_scoped3A : memref<!tpu.dma_semaphore, #tpu.memory_space<semaphore_mem>>) src(%dma_wait3A_227 : memref<8x128xi32, #tpu.memory_space<hbm>>) dst(%dma_wait3A_225 : memref<8x128xi32, #tpu.memory_space<vmem>>)
          tpu.yield
        }) : () -> ()
      } else {
      }
      %add3A_125 = arith.constant 1 : i32
      %add3A_126 = arith.addi %scan3A_70, %add3A_125 : i32
      %lt3A_127 = arith.constant 160 : i32
      %lt3A_128 = arith.cmpi slt, %add3A_126, %lt3A_127 : i32
      %convert_element_type3A_129 = arith.extui %lt3A_128 : i1 to i32
      %cond3A_130 = arith.constant 0 : i32
      %cond3A_131 = arith.cmpi ne, %convert_element_type3A_129, %cond3A_130 : i32
      scf.if %cond3A_131 {
        %add3A_171 = arith.constant 1 : i32
        %add3A_172 = arith.addi %scan3A_70, %add3A_171 : i32
        %jit3A_173 = arith.constant 8 : i32
        %div3A_174 = arith.divsi %add3A_172, %jit3A_173 : i32
        %sign3A_175 = arith.constant 0 : i32
        %sign3A_176 = arith.cmpi sgt, %add3A_172, %sign3A_175 : i32
        %sign3A_177 = arith.extui %sign3A_176 : i1 to i32
        %sign3A_178 = arith.constant 0 : i32
        %sign3A_179 = arith.cmpi slt, %add3A_172, %sign3A_178 : i32
        %sign3A_180 = arith.extui %sign3A_179 : i1 to i32
        %sign3A_181 = arith.subi %sign3A_177, %sign3A_180 : i32
        %sign3A_182 = arith.constant 0 : i32
        %sign3A_183 = arith.cmpi sgt, %jit3A_173, %sign3A_182 : i32
        %sign3A_184 = arith.extui %sign3A_183 : i1 to i32
        %sign3A_185 = arith.constant 0 : i32
        %sign3A_186 = arith.cmpi slt, %jit3A_173, %sign3A_185 : i32
        %sign3A_187 = arith.extui %sign3A_186 : i1 to i32
        %sign3A_188 = arith.subi %sign3A_184, %sign3A_187 : i32
        %ne3A_189 = arith.cmpi ne, %sign3A_181, %sign3A_188 : i32
        %rem3A_190 = arith.remsi %add3A_172, %jit3A_173 : i32
        %ne3A_191 = arith.constant 0 : i32
        %ne3A_192 = arith.cmpi ne, %rem3A_190, %ne3A_191 : i32
        %and3A_193 = arith.andi %ne3A_189, %ne3A_192 : i1
        %sub3A_194 = arith.constant 1 : i32
        %sub3A_195 = arith.subi %div3A_174, %sub3A_194 : i32
        %select_n3A_196 = arith.select %and3A_193, %sub3A_195, %div3A_174 : i32
        %rem3A_197 = arith.constant 2 : i32
        %rem3A_198 = arith.remsi %select_n3A_196, %rem3A_197 : i32
        %rem3A_199 = arith.constant 8 : i32
        %rem3A_200 = arith.remsi %add3A_172, %rem3A_199 : i32
        %dma_start3A_201 = arith.constant 0 : i32
        %dma_start3A_202 = arith.constant 0 : i32
        %dma_start3A_203 = tpu.memref_slice %arg8[%rem3A_77, %dma_start3A_201, %dma_start3A_202] : memref<2x128x128xf32, #tpu.memory_space<vmem>> -> memref<1x128x128xf32, #tpu.memory_space<vmem>>
        %dma_start3A_204 = tpu.memref_squeeze %dma_start3A_203 : memref<1x128x128xf32, #tpu.memory_space<vmem>> -> memref<128x128xf32, #tpu.memory_space<vmem>>
        %dma_start3A_205 = arith.constant 0 : i32
        %dma_start3A_206 = tpu.memref_slice %arg6[%rem3A_198, %rem3A_200, %dma_start3A_205] : memref<2x8x128xi32, #tpu.memory_space<vmem>> -> memref<1x1x128xi32, #tpu.memory_space<vmem>>
        %dma_start3A_207 = tpu.memref_squeeze %dma_start3A_206 : memref<1x1x128xi32, #tpu.memory_space<vmem>> -> memref<128xi32, #tpu.memory_space<vmem>>
        %dma_start3A_208 = arith.constant 0 : i32
        %dma_start3A_209 = arith.constant 0 : i32
        %dma_start3A_210 = tpu.memref_slice %arg2[%arg0, %dma_start3A_208, %dma_start3A_209] : memref<2x10240x128xf32, #tpu.memory_space<hbm>> -> memref<1x10240x128xf32, #tpu.memory_space<hbm>>
        %dma_start3A_211 = tpu.memref_squeeze %dma_start3A_210 : memref<1x10240x128xf32, #tpu.memory_space<hbm>> -> memref<10240x128xf32, #tpu.memory_space<hbm>>
        %dma_start3A_212 = arith.constant 0 : i32
        %dma_start3A_213 = arith.constant 0 : i32
        %dma_start3A_214 = tpu.memref_slice %dma_start3A_211[%dma_start3A_212, %dma_start3A_213] : memref<10240x128xf32, #tpu.memory_space<hbm>> -> memref<10240x128xf32, #tpu.memory_space<hbm>>
        tpu.enqueue_indirect_dma source(%dma_start3A_214 : memref<10240x128xf32, #tpu.memory_space<hbm>>) target(%dma_start3A_204 : memref<128x128xf32, #tpu.memory_space<vmem>>) offsets(%dma_start3A_207 : memref<128xi32, #tpu.memory_space<vmem>>) semaphore(%arg10 : memref<!tpu.dma_semaphore, #tpu.memory_space<semaphore_mem>>)
      } else {
      }
      %jit3A_132 = arith.constant 8 : i32
      %div3A_133 = arith.divsi %scan3A_70, %jit3A_132 : i32
      %sign3A_134 = arith.constant 0 : i32
      %sign3A_135 = arith.cmpi sgt, %scan3A_70, %sign3A_134 : i32
      %sign3A_136 = arith.extui %sign3A_135 : i1 to i32
      %sign3A_137 = arith.constant 0 : i32
      %sign3A_138 = arith.cmpi slt, %scan3A_70, %sign3A_137 : i32
      %sign3A_139 = arith.extui %sign3A_138 : i1 to i32
      %sign3A_140 = arith.subi %sign3A_136, %sign3A_139 : i32
      %sign3A_141 = arith.constant 0 : i32
      %sign3A_142 = arith.cmpi sgt, %jit3A_132, %sign3A_141 : i32
      %sign3A_143 = arith.extui %sign3A_142 : i1 to i32
      %sign3A_144 = arith.constant 0 : i32
      %sign3A_145 = arith.cmpi slt, %jit3A_132, %sign3A_144 : i32
      %sign3A_146 = arith.extui %sign3A_145 : i1 to i32
      %sign3A_147 = arith.subi %sign3A_143, %sign3A_146 : i32
      %ne3A_148 = arith.cmpi ne, %sign3A_140, %sign3A_147 : i32
      %rem3A_149 = arith.remsi %scan3A_70, %jit3A_132 : i32
      %ne3A_150 = arith.constant 0 : i32
      %ne3A_151 = arith.cmpi ne, %rem3A_149, %ne3A_150 : i32
      %and3A_152 = arith.andi %ne3A_148, %ne3A_151 : i1
      %sub3A_153 = arith.constant 1 : i32
      %sub3A_154 = arith.subi %div3A_133, %sub3A_153 : i32
      %select_n3A_155 = arith.select %and3A_152, %sub3A_154, %div3A_133 : i32
      %rem3A_156 = arith.constant 2 : i32
      %rem3A_157 = arith.remsi %select_n3A_155, %rem3A_156 : i32
      %rem3A_158 = arith.constant 8 : i32
      %rem3A_159 = arith.remsi %scan3A_70, %rem3A_158 : i32
      %dma_start3A_160 = arith.constant 0 : i32
      %dma_start3A_161 = arith.constant 0 : i32
      %dma_start3A_162 = tpu.memref_slice %arg8[%rem3A_73, %dma_start3A_160, %dma_start3A_161] : memref<2x128x128xf32, #tpu.memory_space<vmem>> -> memref<1x128x128xf32, #tpu.memory_space<vmem>>
      %dma_start3A_163 = tpu.memref_squeeze %dma_start3A_162 : memref<1x128x128xf32, #tpu.memory_space<vmem>> -> memref<128x128xf32, #tpu.memory_space<vmem>>
      %dma_start3A_164 = arith.constant 0 : i32
      %dma_start3A_165 = tpu.memref_slice %arg7[%rem3A_157, %rem3A_159, %dma_start3A_164] : memref<2x8x128xi32, #tpu.memory_space<vmem>> -> memref<1x1x128xi32, #tpu.memory_space<vmem>>
      %dma_start3A_166 = tpu.memref_squeeze %dma_start3A_165 : memref<1x1x128xi32, #tpu.memory_space<vmem>> -> memref<128xi32, #tpu.memory_space<vmem>>
      %dma_start3A_167 = arith.constant 0 : i32
      %dma_start3A_168 = arith.constant 0 : i32
      %dma_start3A_169 = tpu.memref_slice %arg9[%dma_start3A_167, %dma_start3A_168] : memref<10240x128xf32, #tpu.memory_space<vmem_shared>> -> memref<10240x128xf32, #tpu.memory_space<vmem_shared>>
      tpu.enqueue_indirect_dma source(%dma_start3A_163 : memref<128x128xf32, #tpu.memory_space<vmem>>) target(%dma_start3A_169 : memref<10240x128xf32, #tpu.memory_space<vmem_shared>>) offsets(%dma_start3A_166 : memref<128xi32, #tpu.memory_space<vmem>>) semaphore(%arg11 : memref<!tpu.dma_semaphore, #tpu.memory_space<semaphore_mem>>) {add = true}
      %scan3A_170 = arith.constant 0 : i32
      scf.yield %scan3A_170 : i32
    }
    %scan3A_43 = arith.constant 160 : i32
    %rem3A_44 = arith.constant 159 : i32
    %rem3A_45 = arith.constant 2 : i32
    %rem3A_46 = arith.remsi %rem3A_44, %rem3A_45 : i32
    %rem3A_47 = arith.constant 19 : i32
    %rem3A_48 = arith.constant 2 : i32
    %rem3A_49 = arith.remsi %rem3A_47, %rem3A_48 : i32
    %rem3A_50 = arith.constant 159 : i32
    %rem3A_51 = arith.constant 8 : i32
    %rem3A_52 = arith.remsi %rem3A_50, %rem3A_51 : i32
    %dma_wait3A = arith.constant 0 : i32
    %dma_wait3A_53 = arith.constant 0 : i32
    %dma_wait3A_54 = tpu.memref_slice %arg8[%rem3A_46, %dma_wait3A, %dma_wait3A_53] : memref<2x128x128xf32, #tpu.memory_space<vmem>> -> memref<1x128x128xf32, #tpu.memory_space<vmem>>
    %dma_wait3A_55 = tpu.memref_squeeze %dma_wait3A_54 : memref<1x128x128xf32, #tpu.memory_space<vmem>> -> memref<128x128xf32, #tpu.memory_space<vmem>>
    %dma_wait3A_56 = arith.constant 0 : i32
    %dma_wait3A_57 = tpu.memref_slice %arg7[%rem3A_49, %rem3A_52, %dma_wait3A_56] : memref<2x8x128xi32, #tpu.memory_space<vmem>> -> memref<1x1x128xi32, #tpu.memory_space<vmem>>
    %dma_wait3A_58 = tpu.memref_squeeze %dma_wait3A_57 : memref<1x1x128xi32, #tpu.memory_space<vmem>> -> memref<128xi32, #tpu.memory_space<vmem>>
    %dma_wait3A_59 = arith.constant 0 : i32
    %dma_wait3A_60 = arith.constant 0 : i32
    %dma_wait3A_61 = tpu.memref_slice %arg9[%dma_wait3A_59, %dma_wait3A_60] : memref<10240x128xf32, #tpu.memory_space<vmem_shared>> -> memref<10240x128xf32, #tpu.memory_space<vmem_shared>>
    tpu.wait_indirect_dma semaphore(%arg11 : memref<!tpu.dma_semaphore, #tpu.memory_space<semaphore_mem>>) src(%dma_wait3A_55 : memref<128x128xf32, #tpu.memory_space<vmem>>) dst(%dma_wait3A_61 : memref<10240x128xf32, #tpu.memory_space<vmem_shared>>)
    %barrier3A_62 = arith.constant 0 : index
    tpu.barrier barrier_id(%barrier3A_62)
    %scan3A_63 = arith.constant 0 : i32
    %scan3A_64 = arith.constant 0 : i32
    %scan3A_65 = arith.constant 5 : i32
    %scan3A_66 = arith.addi %scan3A_64, %scan3A_65 : i32
    %scan3A_67 = arith.constant 1 : i32
    %scan3A_68 = scf.for %scan3A_70 = %scan3A_64 to %scan3A_66 step %scan3A_67 iter_args(%scan3A_71 = %scan3A_63) -> (i32)  : i32 {
      %mul3A_72 = arith.constant 640 : i32
      %mul3A_73 = arith.muli %arg1, %mul3A_72 : i32
      %mul3A_74 = arith.constant 128 : i32
      %mul3A_75 = arith.muli %scan3A_70, %mul3A_74 : i32
      %add3A_76 = arith.addi %mul3A_73, %mul3A_75 : i32
      %run_scoped3A = arith.constant 0 : i32
      "tpu.region"() ({
        %run_scoped3A_79 = tpu.sem_alloc : memref<!tpu.dma_semaphore, #tpu.memory_space<semaphore_mem>>
        %dma_start3A_80 = arith.constant 0 : i32
        %dma_start3A_81 = arith.constant 0 : i32
        %dma_start3A_82 = tpu.memref_slice %arg8[%run_scoped3A, %dma_start3A_80, %dma_start3A_81] : memref<2x128x128xf32, #tpu.memory_space<vmem>> -> memref<1x128x128xf32, #tpu.memory_space<vmem>>
        %dma_start3A_83 = tpu.memref_squeeze %dma_start3A_82 : memref<1x128x128xf32, #tpu.memory_space<vmem>> -> memref<128x128xf32, #tpu.memory_space<vmem>>
        %dma_start3A_84 = arith.constant 0 : i32
        %dma_start3A_85 = tpu.memref_slice %arg9[%add3A_76, %dma_start3A_84] : memref<10240x128xf32, #tpu.memory_space<vmem_shared>> -> memref<128x128xf32, #tpu.memory_space<vmem_shared>>
        %dma_start3A_86 = arith.constant 0 : i32
        %dma_start3A_87 = arith.constant 0 : i32
        %dma_start3A_88 = tpu.memref_slice %arg8[%run_scoped3A, %dma_start3A_86, %dma_start3A_87] : memref<2x128x128xf32, #tpu.memory_space<vmem>> -> memref<1x128x128xf32, #tpu.memory_space<vmem>>
        %dma_start3A_89 = tpu.memref_squeeze %dma_start3A_88 : memref<1x128x128xf32, #tpu.memory_space<vmem>> -> memref<128x128xf32, #tpu.memory_space<vmem>>
        %dma_start3A_90 = arith.constant 0 : i32
        %dma_start3A_91 = tpu.memref_slice %arg9[%add3A_76, %dma_start3A_90] : memref<10240x128xf32, #tpu.memory_space<vmem_shared>> -> memref<128x128xf32, #tpu.memory_space<vmem_shared>>
        tpu.enqueue_dma source(%dma_start3A_91 : memref<128x128xf32, #tpu.memory_space<vmem_shared>>) target(%dma_start3A_89 : memref<128x128xf32, #tpu.memory_space<vmem>>) target_semaphore(%run_scoped3A_79 : memref<!tpu.dma_semaphore, #tpu.memory_space<semaphore_mem>>)
        %dma_wait3A_92 = arith.constant 0 : i32
        %dma_wait3A_93 = arith.constant 0 : i32
        %dma_wait3A_94 = tpu.memref_slice %arg8[%run_scoped3A, %dma_wait3A_92, %dma_wait3A_93] : memref<2x128x128xf32, #tpu.memory_space<vmem>> -> memref<1x128x128xf32, #tpu.memory_space<vmem>>
        %dma_wait3A_95 = tpu.memref_squeeze %dma_wait3A_94 : memref<1x128x128xf32, #tpu.memory_space<vmem>> -> memref<128x128xf32, #tpu.memory_space<vmem>>
        %dma_wait3A_96 = arith.constant 0 : i32
        %dma_wait3A_97 = tpu.memref_slice %arg9[%add3A_76, %dma_wait3A_96] : memref<10240x128xf32, #tpu.memory_space<vmem_shared>> -> memref<128x128xf32, #tpu.memory_space<vmem_shared>>
        %dma_wait3A_98 = arith.constant 0 : i32
        %dma_wait3A_99 = arith.constant 0 : i32
        %dma_wait3A_100 = tpu.memref_slice %arg8[%run_scoped3A, %dma_wait3A_98, %dma_wait3A_99] : memref<2x128x128xf32, #tpu.memory_space<vmem>> -> memref<1x128x128xf32, #tpu.memory_space<vmem>>
        %dma_wait3A_101 = tpu.memref_squeeze %dma_wait3A_100 : memref<1x128x128xf32, #tpu.memory_space<vmem>> -> memref<128x128xf32, #tpu.memory_space<vmem>>
        %dma_wait3A_102 = arith.constant 0 : i32
        %dma_wait3A_103 = tpu.memref_slice %arg9[%add3A_76, %dma_wait3A_102] : memref<10240x128xf32, #tpu.memory_space<vmem_shared>> -> memref<128x128xf32, #tpu.memory_space<vmem_shared>>
        tpu.wait_dma2 semaphore(%run_scoped3A_79 : memref<!tpu.dma_semaphore, #tpu.memory_space<semaphore_mem>>) src(%dma_wait3A_103 : memref<128x128xf32, #tpu.memory_space<vmem_shared>>) dst(%dma_wait3A_101 : memref<128x128xf32, #tpu.memory_space<vmem>>)
        tpu.yield
      }) : () -> ()
      %run_scoped3A_77 = arith.constant 0 : i32
      "tpu.region"() ({
        %run_scoped3A_79 = tpu.sem_alloc : memref<!tpu.dma_semaphore, #tpu.memory_space<semaphore_mem>>
        %dma_start3A_80 = arith.constant 0 : i32
        %dma_start3A_81 = arith.constant 0 : i32
        %dma_start3A_82 = tpu.memref_slice %arg8[%run_scoped3A_77, %dma_start3A_80, %dma_start3A_81] : memref<2x128x128xf32, #tpu.memory_space<vmem>> -> memref<1x128x128xf32, #tpu.memory_space<vmem>>
        %dma_start3A_83 = tpu.memref_squeeze %dma_start3A_82 : memref<1x128x128xf32, #tpu.memory_space<vmem>> -> memref<128x128xf32, #tpu.memory_space<vmem>>
        %dma_start3A_84 = arith.constant 0 : i32
        %dma_start3A_85 = arith.constant 0 : i32
        %dma_start3A_86 = tpu.memref_slice %arg5[%arg0, %dma_start3A_84, %dma_start3A_85] : memref<2x10240x128xf32, #tpu.memory_space<hbm>> -> memref<1x10240x128xf32, #tpu.memory_space<hbm>>
        %dma_start3A_87 = tpu.memref_squeeze %dma_start3A_86 : memref<1x10240x128xf32, #tpu.memory_space<hbm>> -> memref<10240x128xf32, #tpu.memory_space<hbm>>
        %dma_start3A_88 = arith.constant 0 : i32
        %dma_start3A_89 = tpu.memref_slice %dma_start3A_87[%add3A_76, %dma_start3A_88] : memref<10240x128xf32, #tpu.memory_space<hbm>> -> memref<128x128xf32, #tpu.memory_space<hbm>>
        %dma_start3A_90 = arith.constant 0 : i32
        %dma_start3A_91 = arith.constant 0 : i32
        %dma_start3A_92 = tpu.memref_slice %arg5[%arg0, %dma_start3A_90, %dma_start3A_91] : memref<2x10240x128xf32, #tpu.memory_space<hbm>> -> memref<1x10240x128xf32, #tpu.memory_space<hbm>>
        %dma_start3A_93 = tpu.memref_squeeze %dma_start3A_92 : memref<1x10240x128xf32, #tpu.memory_space<hbm>> -> memref<10240x128xf32, #tpu.memory_space<hbm>>
        %dma_start3A_94 = arith.constant 0 : i32
        %dma_start3A_95 = tpu.memref_slice %dma_start3A_93[%add3A_76, %dma_start3A_94] : memref<10240x128xf32, #tpu.memory_space<hbm>> -> memref<128x128xf32, #tpu.memory_space<hbm>>
        %dma_start3A_96 = arith.constant 0 : i32
        %dma_start3A_97 = arith.constant 0 : i32
        %dma_start3A_98 = tpu.memref_slice %arg8[%run_scoped3A_77, %dma_start3A_96, %dma_start3A_97] : memref<2x128x128xf32, #tpu.memory_space<vmem>> -> memref<1x128x128xf32, #tpu.memory_space<vmem>>
        %dma_start3A_99 = tpu.memref_squeeze %dma_start3A_98 : memref<1x128x128xf32, #tpu.memory_space<vmem>> -> memref<128x128xf32, #tpu.memory_space<vmem>>
        tpu.enqueue_dma source(%dma_start3A_99 : memref<128x128xf32, #tpu.memory_space<vmem>>) target(%dma_start3A_95 : memref<128x128xf32, #tpu.memory_space<hbm>>) target_semaphore(%run_scoped3A_79 : memref<!tpu.dma_semaphore, #tpu.memory_space<semaphore_mem>>)
        %dma_wait3A_100 = arith.constant 0 : i32
        %dma_wait3A_101 = arith.constant 0 : i32
        %dma_wait3A_102 = tpu.memref_slice %arg8[%run_scoped3A_77, %dma_wait3A_100, %dma_wait3A_101] : memref<2x128x128xf32, #tpu.memory_space<vmem>> -> memref<1x128x128xf32, #tpu.memory_space<vmem>>
        %dma_wait3A_103 = tpu.memref_squeeze %dma_wait3A_102 : memref<1x128x128xf32, #tpu.memory_space<vmem>> -> memref<128x128xf32, #tpu.memory_space<vmem>>
        %dma_wait3A_104 = arith.constant 0 : i32
        %dma_wait3A_105 = arith.constant 0 : i32
        %dma_wait3A_106 = tpu.memref_slice %arg5[%arg0, %dma_wait3A_104, %dma_wait3A_105] : memref<2x10240x128xf32, #tpu.memory_space<hbm>> -> memref<1x10240x128xf32, #tpu.memory_space<hbm>>
        %dma_wait3A_107 = tpu.memref_squeeze %dma_wait3A_106 : memref<1x10240x128xf32, #tpu.memory_space<hbm>> -> memref<10240x128xf32, #tpu.memory_space<hbm>>
        %dma_wait3A_108 = arith.constant 0 : i32
        %dma_wait3A_109 = tpu.memref_slice %dma_wait3A_107[%add3A_76, %dma_wait3A_108] : memref<10240x128xf32, #tpu.memory_space<hbm>> -> memref<128x128xf32, #tpu.memory_space<hbm>>
        %dma_wait3A_110 = arith.constant 0 : i32
        %dma_wait3A_111 = arith.constant 0 : i32
        %dma_wait3A_112 = tpu.memref_slice %arg5[%arg0, %dma_wait3A_110, %dma_wait3A_111] : memref<2x10240x128xf32, #tpu.memory_space<hbm>> -> memref<1x10240x128xf32, #tpu.memory_space<hbm>>
        %dma_wait3A_113 = tpu.memref_squeeze %dma_wait3A_112 : memref<1x10240x128xf32, #tpu.memory_space<hbm>> -> memref<10240x128xf32, #tpu.memory_space<hbm>>
        %dma_wait3A_114 = arith.constant 0 : i32
        %dma_wait3A_115 = tpu.memref_slice %dma_wait3A_113[%add3A_76, %dma_wait3A_114] : memref<10240x128xf32, #tpu.memory_space<hbm>> -> memref<128x128xf32, #tpu.memory_space<hbm>>
        %dma_wait3A_116 = arith.constant 0 : i32
        %dma_wait3A_117 = arith.constant 0 : i32
        %dma_wait3A_118 = tpu.memref_slice %arg8[%run_scoped3A_77, %dma_wait3A_116, %dma_wait3A_117] : memref<2x128x128xf32, #tpu.memory_space<vmem>> -> memref<1x128x128xf32, #tpu.memory_space<vmem>>
        %dma_wait3A_119 = tpu.memref_squeeze %dma_wait3A_118 : memref<1x128x128xf32, #tpu.memory_space<vmem>> -> memref<128x128xf32, #tpu.memory_space<vmem>>
        tpu.wait_dma2 semaphore(%run_scoped3A_79 : memref<!tpu.dma_semaphore, #tpu.memory_space<semaphore_mem>>) src(%dma_wait3A_119 : memref<128x128xf32, #tpu.memory_space<vmem>>) dst(%dma_wait3A_115 : memref<128x128xf32, #tpu.memory_space<hbm>>)
        tpu.yield
      }) : () -> ()
      %scan3A_78 = arith.constant 0 : i32
      scf.yield %scan3A_78 : i32
    }
    %scan3A_69 = arith.constant 5 : i32
    return
  }
}

#map = affine_map<(d0, d1) -> (0, 0)>
module attributes {stable_mosaic.version = 14 : i64} {
  func.func @_deg_kernel(%arg0: i32, %arg1: i32, %arg2: memref<2560x128xi32, #tpu.memory_space<hbm>>, %arg3: memref<2x10240xf32, #tpu.memory_space<hbm>>, %arg4: memref<80x128xi32, #tpu.memory_space<vmem>>, %arg5: memref<128xf32, #tpu.memory_space<vmem>>, %arg6: memref<640xf32, #tpu.memory_space<vmem>>, %arg7: memref<10240xf32, #tpu.memory_space<vmem_shared>>) attributes {dimension_semantics = [#tpu.dimension_semantics<core_parallel>, #tpu.dimension_semantics<subcore_parallel>], iteration_bounds = array<i64: 2, 16>, scalar_prefetch = 0 : i64, scratch_operands = 4 : i64, tpu.core_type = #tpu.core_type<sc_vector_subcore>, window_params = [{transform_indices = #map}, {transform_indices = #map}]} {
    %mul3A = arith.constant 2 : i32
    %mul3A_0 = arith.muli %arg1, %mul3A : i32
    %add3A = arith.addi %mul3A_0, %arg0 : i32
    %scan3A = arith.constant 0 : i32
    %scan3A_1 = arith.constant 0 : i32
    %scan3A_2 = arith.constant 8 : i32
    %scan3A_3 = arith.addi %scan3A_1, %scan3A_2 : i32
    %scan3A_4 = arith.constant 1 : i32
    %scan3A_5 = scf.for %scan3A_30 = %scan3A_1 to %scan3A_3 step %scan3A_4 iter_args(%scan3A_31 = %scan3A) -> (i32)  : i32 {
      %broadcast_in_dim3A = arith.constant 1.000000e+00 : f32
      %broadcast_in_dim3A_32 = vector.broadcast %broadcast_in_dim3A : f32 to vector<16xf32>
      %mul3A_33 = arith.constant 16 : i32
      %mul3A_34 = arith.muli %scan3A_30, %mul3A_33 : i32
      %swap3A = arith.index_cast %mul3A_34 : i32 to index
      %swap3A_35 = tpu.vector_load %arg5[%swap3A] {strides = array<i32>} : memref<128xf32, #tpu.memory_space<vmem>>, vector<16xf32>,
      %swap3A_36 = vector.shape_cast %swap3A_35 : vector<16xf32> to vector<16xf32>
      %swap3A_37 = vector.shape_cast %broadcast_in_dim3A_32 : vector<16xf32> to vector<16xf32>
      tpu.vector_store %arg5[%swap3A], %swap3A_37 {strides = array<i32>} : memref<128xf32, #tpu.memory_space<vmem>>, vector<16xf32>,
      %scan3A_38 = arith.constant 0 : i32
      scf.yield %scan3A_38 : i32
    }
    %scan3A_6 = arith.constant 8 : i32
    %scan3A_7 = arith.constant 0 : i32
    %scan3A_8 = arith.constant 0 : i32
    %scan3A_9 = arith.constant 40 : i32
    %scan3A_10 = arith.addi %scan3A_8, %scan3A_9 : i32
    %scan3A_11 = arith.constant 1 : i32
    %scan3A_12 = scf.for %scan3A_30 = %scan3A_8 to %scan3A_10 step %scan3A_11 iter_args(%scan3A_31 = %scan3A_7) -> (i32)  : i32 {
      %broadcast_in_dim3A = arith.constant 0.000000e+00 : f32
      %broadcast_in_dim3A_32 = vector.broadcast %broadcast_in_dim3A : f32 to vector<16xf32>
      %mul3A_33 = arith.constant 16 : i32
      %mul3A_34 = arith.muli %scan3A_30, %mul3A_33 : i32
      %swap3A = arith.index_cast %mul3A_34 : i32 to index
      %swap3A_35 = tpu.vector_load %arg6[%swap3A] {strides = array<i32>} : memref<640xf32, #tpu.memory_space<vmem>>, vector<16xf32>,
      %swap3A_36 = vector.shape_cast %swap3A_35 : vector<16xf32> to vector<16xf32>
      %swap3A_37 = vector.shape_cast %broadcast_in_dim3A_32 : vector<16xf32> to vector<16xf32>
      tpu.vector_store %arg6[%swap3A], %swap3A_37 {strides = array<i32>} : memref<640xf32, #tpu.memory_space<vmem>>, vector<16xf32>,
      %scan3A_38 = arith.constant 0 : i32
      scf.yield %scan3A_38 : i32
    }
    %scan3A_13 = arith.constant 40 : i32
    %mul3A_14 = arith.constant 640 : i32
    %mul3A_15 = arith.muli %arg1, %mul3A_14 : i32
    "tpu.region"() ({
      %run_scoped3A = tpu.sem_alloc : memref<!tpu.dma_semaphore, #tpu.memory_space<semaphore_mem>>
      %dma_start3A = tpu.memref_slice %arg7[%mul3A_15] : memref<10240xf32, #tpu.memory_space<vmem_shared>> -> memref<640xf32, #tpu.memory_space<vmem_shared>>
      %dma_start3A_30 = tpu.memref_slice %arg7[%mul3A_15] : memref<10240xf32, #tpu.memory_space<vmem_shared>> -> memref<640xf32, #tpu.memory_space<vmem_shared>>
      tpu.enqueue_dma source(%arg6 : memref<640xf32, #tpu.memory_space<vmem>>) target(%dma_start3A_30 : memref<640xf32, #tpu.memory_space<vmem_shared>>) target_semaphore(%run_scoped3A : memref<!tpu.dma_semaphore, #tpu.memory_space<semaphore_mem>>)
      %dma_wait3A = tpu.memref_slice %arg7[%mul3A_15] : memref<10240xf32, #tpu.memory_space<vmem_shared>> -> memref<640xf32, #tpu.memory_space<vmem_shared>>
      %dma_wait3A_31 = tpu.memref_slice %arg7[%mul3A_15] : memref<10240xf32, #tpu.memory_space<vmem_shared>> -> memref<640xf32, #tpu.memory_space<vmem_shared>>
      tpu.wait_dma2 semaphore(%run_scoped3A : memref<!tpu.dma_semaphore, #tpu.memory_space<semaphore_mem>>) src(%arg6 : memref<640xf32, #tpu.memory_space<vmem>>) dst(%dma_wait3A_31 : memref<640xf32, #tpu.memory_space<vmem_shared>>)
      tpu.yield
    }) : () -> ()
    %barrier3A = arith.constant 0 : index
    tpu.barrier barrier_id(%barrier3A)
    %mul3A_16 = arith.constant 80 : i32
    %mul3A_17 = arith.muli %add3A, %mul3A_16 : i32
    "tpu.region"() ({
      %run_scoped3A = tpu.sem_alloc : memref<!tpu.dma_semaphore, #tpu.memory_space<semaphore_mem>>
      %dma_start3A = arith.constant 0 : i32
      %dma_start3A_30 = tpu.memref_slice %arg2[%mul3A_17, %dma_start3A] : memref<2560x128xi32, #tpu.memory_space<hbm>> -> memref<80x128xi32, #tpu.memory_space<hbm>>
      %dma_start3A_31 = arith.constant 0 : i32
      %dma_start3A_32 = tpu.memref_slice %arg2[%mul3A_17, %dma_start3A_31] : memref<2560x128xi32, #tpu.memory_space<hbm>> -> memref<80x128xi32, #tpu.memory_space<hbm>>
      tpu.enqueue_dma source(%dma_start3A_32 : memref<80x128xi32, #tpu.memory_space<hbm>>) target(%arg4 : memref<80x128xi32, #tpu.memory_space<vmem>>) target_semaphore(%run_scoped3A : memref<!tpu.dma_semaphore, #tpu.memory_space<semaphore_mem>>)
      %dma_wait3A = arith.constant 0 : i32
      %dma_wait3A_33 = tpu.memref_slice %arg2[%mul3A_17, %dma_wait3A] : memref<2560x128xi32, #tpu.memory_space<hbm>> -> memref<80x128xi32, #tpu.memory_space<hbm>>
      %dma_wait3A_34 = arith.constant 0 : i32
      %dma_wait3A_35 = tpu.memref_slice %arg2[%mul3A_17, %dma_wait3A_34] : memref<2560x128xi32, #tpu.memory_space<hbm>> -> memref<80x128xi32, #tpu.memory_space<hbm>>
      tpu.wait_dma2 semaphore(%run_scoped3A : memref<!tpu.dma_semaphore, #tpu.memory_space<semaphore_mem>>) src(%dma_wait3A_35 : memref<80x128xi32, #tpu.memory_space<hbm>>) dst(%arg4 : memref<80x128xi32, #tpu.memory_space<vmem>>)
      tpu.yield
    }) : () -> ()
    %scan3A_18 = arith.constant 0 : i32
    %scan3A_19 = arith.constant 0 : i32
    %scan3A_20 = arith.constant 80 : i32
    %scan3A_21 = arith.addi %scan3A_19, %scan3A_20 : i32
    %scan3A_22 = arith.constant 1 : i32
    %scan3A_23 = scf.for %scan3A_30 = %scan3A_19 to %scan3A_21 step %scan3A_22 iter_args(%scan3A_31 = %scan3A_18) -> (i32)  : i32 {
      "tpu.region"() ({
        %run_scoped3A = tpu.sem_alloc : memref<!tpu.dma_semaphore, #tpu.memory_space<semaphore_mem>>
        %dma_start3A = arith.constant 0 : i32
        %dma_start3A_33 = tpu.memref_slice %arg4[%scan3A_30, %dma_start3A] : memref<80x128xi32, #tpu.memory_space<vmem>> -> memref<1x128xi32, #tpu.memory_space<vmem>>
        %dma_start3A_34 = tpu.memref_squeeze %dma_start3A_33 : memref<1x128xi32, #tpu.memory_space<vmem>> -> memref<128xi32, #tpu.memory_space<vmem>>
        %dma_start3A_35 = arith.constant 0 : i32
        %dma_start3A_36 = tpu.memref_slice %arg7[%dma_start3A_35] : memref<10240xf32, #tpu.memory_space<vmem_shared>> -> memref<10240xf32, #tpu.memory_space<vmem_shared>>
        tpu.enqueue_indirect_dma source(%arg5 : memref<128xf32, #tpu.memory_space<vmem>>) target(%dma_start3A_36 : memref<10240xf32, #tpu.memory_space<vmem_shared>>) offsets(%dma_start3A_34 : memref<128xi32, #tpu.memory_space<vmem>>) semaphore(%run_scoped3A : memref<!tpu.dma_semaphore, #tpu.memory_space<semaphore_mem>>) {add = true}
        %dma_wait3A = arith.constant 0 : i32
        %dma_wait3A_37 = tpu.memref_slice %arg4[%scan3A_30, %dma_wait3A] : memref<80x128xi32, #tpu.memory_space<vmem>> -> memref<1x128xi32, #tpu.memory_space<vmem>>
        %dma_wait3A_38 = tpu.memref_squeeze %dma_wait3A_37 : memref<1x128xi32, #tpu.memory_space<vmem>> -> memref<128xi32, #tpu.memory_space<vmem>>
        %dma_wait3A_39 = arith.constant 0 : i32
        %dma_wait3A_40 = tpu.memref_slice %arg7[%dma_wait3A_39] : memref<10240xf32, #tpu.memory_space<vmem_shared>> -> memref<10240xf32, #tpu.memory_space<vmem_shared>>
        tpu.wait_indirect_dma semaphore(%run_scoped3A : memref<!tpu.dma_semaphore, #tpu.memory_space<semaphore_mem>>) src(%arg5 : memref<128xf32, #tpu.memory_space<vmem>>) dst(%dma_wait3A_40 : memref<10240xf32, #tpu.memory_space<vmem_shared>>)
        tpu.yield
      }) : () -> ()
      %scan3A_32 = arith.constant 0 : i32
      scf.yield %scan3A_32 : i32
    }
    %scan3A_24 = arith.constant 80 : i32
    %barrier3A_25 = arith.constant 0 : index
    tpu.barrier barrier_id(%barrier3A_25)
    %mul3A_26 = arith.constant 640 : i32
    %mul3A_27 = arith.muli %arg1, %mul3A_26 : i32
    "tpu.region"() ({
      %run_scoped3A = tpu.sem_alloc : memref<!tpu.dma_semaphore, #tpu.memory_space<semaphore_mem>>
      %dma_start3A = tpu.memref_slice %arg7[%mul3A_27] : memref<10240xf32, #tpu.memory_space<vmem_shared>> -> memref<640xf32, #tpu.memory_space<vmem_shared>>
      %dma_start3A_30 = tpu.memref_slice %arg7[%mul3A_27] : memref<10240xf32, #tpu.memory_space<vmem_shared>> -> memref<640xf32, #tpu.memory_space<vmem_shared>>
      tpu.enqueue_dma source(%dma_start3A_30 : memref<640xf32, #tpu.memory_space<vmem_shared>>) target(%arg6 : memref<640xf32, #tpu.memory_space<vmem>>) target_semaphore(%run_scoped3A : memref<!tpu.dma_semaphore, #tpu.memory_space<semaphore_mem>>)
      %dma_wait3A = tpu.memref_slice %arg7[%mul3A_27] : memref<10240xf32, #tpu.memory_space<vmem_shared>> -> memref<640xf32, #tpu.memory_space<vmem_shared>>
      %dma_wait3A_31 = tpu.memref_slice %arg7[%mul3A_27] : memref<10240xf32, #tpu.memory_space<vmem_shared>> -> memref<640xf32, #tpu.memory_space<vmem_shared>>
      tpu.wait_dma2 semaphore(%run_scoped3A : memref<!tpu.dma_semaphore, #tpu.memory_space<semaphore_mem>>) src(%dma_wait3A_31 : memref<640xf32, #tpu.memory_space<vmem_shared>>) dst(%arg6 : memref<640xf32, #tpu.memory_space<vmem>>)
      tpu.yield
    }) : () -> ()
    %mul3A_28 = arith.constant 640 : i32
    %mul3A_29 = arith.muli %arg1, %mul3A_28 : i32
    "tpu.region"() ({
      %run_scoped3A = tpu.sem_alloc : memref<!tpu.dma_semaphore, #tpu.memory_space<semaphore_mem>>
      %dma_start3A = arith.constant 0 : i32
      %dma_start3A_30 = tpu.memref_slice %arg3[%arg0, %dma_start3A] : memref<2x10240xf32, #tpu.memory_space<hbm>> -> memref<1x10240xf32, #tpu.memory_space<hbm>>
      %dma_start3A_31 = tpu.memref_squeeze %dma_start3A_30 : memref<1x10240xf32, #tpu.memory_space<hbm>> -> memref<10240xf32, #tpu.memory_space<hbm>>
      %dma_start3A_32 = tpu.memref_slice %dma_start3A_31[%mul3A_29] : memref<10240xf32, #tpu.memory_space<hbm>> -> memref<640xf32, #tpu.memory_space<hbm>>
      %dma_start3A_33 = arith.constant 0 : i32
      %dma_start3A_34 = tpu.memref_slice %arg3[%arg0, %dma_start3A_33] : memref<2x10240xf32, #tpu.memory_space<hbm>> -> memref<1x10240xf32, #tpu.memory_space<hbm>>
      %dma_start3A_35 = tpu.memref_squeeze %dma_start3A_34 : memref<1x10240xf32, #tpu.memory_space<hbm>> -> memref<10240xf32, #tpu.memory_space<hbm>>
      %dma_start3A_36 = tpu.memref_slice %dma_start3A_35[%mul3A_29] : memref<10240xf32, #tpu.memory_space<hbm>> -> memref<640xf32, #tpu.memory_space<hbm>>
      tpu.enqueue_dma source(%arg6 : memref<640xf32, #tpu.memory_space<vmem>>) target(%dma_start3A_36 : memref<640xf32, #tpu.memory_space<hbm>>) target_semaphore(%run_scoped3A : memref<!tpu.dma_semaphore, #tpu.memory_space<semaphore_mem>>)
      %dma_wait3A = arith.constant 0 : i32
      %dma_wait3A_37 = tpu.memref_slice %arg3[%arg0, %dma_wait3A] : memref<2x10240xf32, #tpu.memory_space<hbm>> -> memref<1x10240xf32, #tpu.memory_space<hbm>>
      %dma_wait3A_38 = tpu.memref_squeeze %dma_wait3A_37 : memref<1x10240xf32, #tpu.memory_space<hbm>> -> memref<10240xf32, #tpu.memory_space<hbm>>
      %dma_wait3A_39 = tpu.memref_slice %dma_wait3A_38[%mul3A_29] : memref<10240xf32, #tpu.memory_space<hbm>> -> memref<640xf32, #tpu.memory_space<hbm>>
      %dma_wait3A_40 = arith.constant 0 : i32
      %dma_wait3A_41 = tpu.memref_slice %arg3[%arg0, %dma_wait3A_40] : memref<2x10240xf32, #tpu.memory_space<hbm>> -> memref<1x10240xf32, #tpu.memory_space<hbm>>
      %dma_wait3A_42 = tpu.memref_squeeze %dma_wait3A_41 : memref<1x10240xf32, #tpu.memory_space<hbm>> -> memref<10240xf32, #tpu.memory_space<hbm>>
      %dma_wait3A_43 = tpu.memref_slice %dma_wait3A_42[%mul3A_29] : memref<10240xf32, #tpu.memory_space<hbm>> -> memref<640xf32, #tpu.memory_space<hbm>>
      tpu.wait_dma2 semaphore(%run_scoped3A : memref<!tpu.dma_semaphore, #tpu.memory_space<semaphore_mem>>) src(%arg6 : memref<640xf32, #tpu.memory_space<vmem>>) dst(%dma_wait3A_43 : memref<640xf32, #tpu.memory_space<hbm>>)
      tpu.yield
    }) : () -> ()
    return
  }
}

#map = affine_map<(d0, d1) -> (0, 0, 0)>
#map1 = affine_map<(d0, d1) -> (0, 0)>
module attributes {stable_mosaic.version = 14 : i64} {
  func.func @_msg_kernel(%arg0: i32, %arg1: i32, %arg2: memref<2x10240x128xf32, #tpu.memory_space<hbm>>, %arg3: memref<2560x128xi32, #tpu.memory_space<hbm>>, %arg4: memref<2560x128xi32, #tpu.memory_space<hbm>>, %arg5: memref<2x10240x128xf32, #tpu.memory_space<hbm>>, %arg6: memref<2x8x128xi32, #tpu.memory_space<vmem>>, %arg7: memref<2x8x128xi32, #tpu.memory_space<vmem>>, %arg8: memref<2x128x128xf32, #tpu.memory_space<vmem>>, %arg9: memref<10240x128xf32, #tpu.memory_space<vmem_shared>>, %arg10: memref<!tpu.dma_semaphore, #tpu.memory_space<semaphore_mem>>, %arg11: memref<!tpu.dma_semaphore, #tpu.memory_space<semaphore_mem>>) attributes {dimension_semantics = [#tpu.dimension_semantics<core_parallel>, #tpu.dimension_semantics<subcore_parallel>], iteration_bounds = array<i64: 2, 16>, scalar_prefetch = 0 : i64, scratch_operands = 6 : i64, tpu.core_type = #tpu.core_type<sc_vector_subcore>, window_params = [{transform_indices = #map}, {transform_indices = #map1}, {transform_indices = #map1}, {transform_indices = #map}]} {
    %scan3A = arith.constant 0 : i32
    %scan3A_0 = arith.constant 0 : i32
    %scan3A_1 = arith.constant 1024 : i32
    %scan3A_2 = arith.addi %scan3A_0, %scan3A_1 : i32
    %scan3A_3 = arith.constant 1 : i32
    %scan3A_4 = scf.for %scan3A_70 = %scan3A_0 to %scan3A_2 step %scan3A_3 iter_args(%scan3A_71 = %scan3A) -> (i32)  : i32 {
      %broadcast_in_dim3A = arith.constant 0.000000e+00 : f32
      %broadcast_in_dim3A_72 = vector.broadcast %broadcast_in_dim3A : f32 to vector<16xf32>
      %jit3A = arith.constant 8 : i32
      %div3A = arith.divsi %scan3A_70, %jit3A : i32
      %sign3A = arith.constant 0 : i32
      %sign3A_73 = arith.cmpi sgt, %scan3A_70, %sign3A : i32
      %sign3A_74 = arith.extui %sign3A_73 : i1 to i32
      %sign3A_75 = arith.constant 0 : i32
      %sign3A_76 = arith.cmpi slt, %scan3A_70, %sign3A_75 : i32
      %sign3A_77 = arith.extui %sign3A_76 : i1 to i32
      %sign3A_78 = arith.subi %sign3A_74, %sign3A_77 : i32
      %sign3A_79 = arith.constant 0 : i32
      %sign3A_80 = arith.cmpi sgt, %jit3A, %sign3A_79 : i32
      %sign3A_81 = arith.extui %sign3A_80 : i1 to i32
      %sign3A_82 = arith.constant 0 : i32
      %sign3A_83 = arith.cmpi slt, %jit3A, %sign3A_82 : i32
      %sign3A_84 = arith.extui %sign3A_83 : i1 to i32
      %sign3A_85 = arith.subi %sign3A_81, %sign3A_84 : i32
      %ne3A = arith.cmpi ne, %sign3A_78, %sign3A_85 : i32
      %rem3A_86 = arith.remsi %scan3A_70, %jit3A : i32
      %ne3A_87 = arith.constant 0 : i32
      %ne3A_88 = arith.cmpi ne, %rem3A_86, %ne3A_87 : i32
      %and3A = arith.andi %ne3A, %ne3A_88 : i1
      %sub3A = arith.constant 1 : i32
      %sub3A_89 = arith.subi %div3A, %sub3A : i32
      %select_n3A = arith.select %and3A, %sub3A_89, %div3A : i32
      %jit3A_90 = arith.constant 8 : i32
      %eq3A = arith.constant 0 : i32
      %eq3A_91 = arith.cmpi eq, %jit3A_90, %eq3A : i32
      %jit3A_92 = arith.constant 1 : i32
      %select_n3A_93 = arith.select %eq3A_91, %jit3A_92, %jit3A_90 : i32
      %rem3A_94 = arith.remsi %scan3A_70, %select_n3A_93 : i32
      %ne3A_95 = arith.constant 0 : i32
      %ne3A_96 = arith.cmpi ne, %rem3A_94, %ne3A_95 : i32
      %lt3A = arith.constant 0 : i32
      %lt3A_97 = arith.cmpi slt, %rem3A_94, %lt3A : i32
      %lt3A_98 = arith.constant 0 : i32
      %lt3A_99 = arith.cmpi slt, %select_n3A_93, %lt3A_98 : i32
      %ne3A_100 = arith.xori %lt3A_97, %lt3A_99 : i1
      %and3A_101 = arith.andi %ne3A_100, %ne3A_96 : i1
      %add3A_102 = arith.addi %rem3A_94, %select_n3A_93 : i32
      %select_n3A_103 = arith.select %and3A_101, %add3A_102, %rem3A_94 : i32
      %mul3A_104 = arith.constant 16 : i32
      %mul3A_105 = arith.muli %select_n3A_103, %mul3A_104 : i32
      %swap3A = arith.constant 0 : i32
      %swap3A_106 = arith.index_cast %swap3A : i32 to index
      %swap3A_107 = arith.index_cast %select_n3A : i32 to index
      %swap3A_108 = arith.index_cast %mul3A_105 : i32 to index
      %swap3A_109 = tpu.vector_load %arg8[%swap3A_106, %swap3A_107, %swap3A_108] {strides = array<i32>} : memref<2x128x128xf32, #tpu.memory_space<vmem>>, vector<1x1x16xf32>,
      %swap3A_110 = vector.shape_cast %swap3A_109 : vector<1x1x16xf32> to vector<16xf32>
      %swap3A_111 = vector.shape_cast %broadcast_in_dim3A_72 : vector<16xf32> to vector<1x1x16xf32>
      tpu.vector_store %arg8[%swap3A_106, %swap3A_107, %swap3A_108], %swap3A_111 {strides = array<i32>} : memref<2x128x128xf32, #tpu.memory_space<vmem>>, vector<1x1x16xf32>,
      %scan3A_112 = arith.constant 0 : i32
      scf.yield %scan3A_112 : i32
    }
    %scan3A_5 = arith.constant 1024 : i32
    %scan3A_6 = arith.constant 0 : i32
    %scan3A_7 = arith.constant 0 : i32
    %scan3A_8 = arith.constant 5 : i32
    %scan3A_9 = arith.addi %scan3A_7, %scan3A_8 : i32
    %scan3A_10 = arith.constant 1 : i32
    %scan3A_11 = scf.for %scan3A_70 = %scan3A_7 to %scan3A_9 step %scan3A_10 iter_args(%scan3A_71 = %scan3A_6) -> (i32)  : i32 {
      %mul3A_72 = arith.constant 640 : i32
      %mul3A_73 = arith.muli %arg1, %mul3A_72 : i32
      %mul3A_74 = arith.constant 128 : i32
      %mul3A_75 = arith.muli %scan3A_70, %mul3A_74 : i32
      %add3A_76 = arith.addi %mul3A_73, %mul3A_75 : i32
      %run_scoped3A = arith.constant 0 : i32
      "tpu.region"() ({
        %run_scoped3A_78 = tpu.sem_alloc : memref<!tpu.dma_semaphore, #tpu.memory_space<semaphore_mem>>
        %dma_start3A_79 = arith.constant 0 : i32
        %dma_start3A_80 = arith.constant 0 : i32
        %dma_start3A_81 = tpu.memref_slice %arg8[%run_scoped3A, %dma_start3A_79, %dma_start3A_80] : memref<2x128x128xf32, #tpu.memory_space<vmem>> -> memref<1x128x128xf32, #tpu.memory_space<vmem>>
        %dma_start3A_82 = tpu.memref_squeeze %dma_start3A_81 : memref<1x128x128xf32, #tpu.memory_space<vmem>> -> memref<128x128xf32, #tpu.memory_space<vmem>>
        %dma_start3A_83 = arith.constant 0 : i32
        %dma_start3A_84 = tpu.memref_slice %arg9[%add3A_76, %dma_start3A_83] : memref<10240x128xf32, #tpu.memory_space<vmem_shared>> -> memref<128x128xf32, #tpu.memory_space<vmem_shared>>
        %dma_start3A_85 = arith.constant 0 : i32
        %dma_start3A_86 = tpu.memref_slice %arg9[%add3A_76, %dma_start3A_85] : memref<10240x128xf32, #tpu.memory_space<vmem_shared>> -> memref<128x128xf32, #tpu.memory_space<vmem_shared>>
        %dma_start3A_87 = arith.constant 0 : i32
        %dma_start3A_88 = arith.constant 0 : i32
        %dma_start3A_89 = tpu.memref_slice %arg8[%run_scoped3A, %dma_start3A_87, %dma_start3A_88] : memref<2x128x128xf32, #tpu.memory_space<vmem>> -> memref<1x128x128xf32, #tpu.memory_space<vmem>>
        %dma_start3A_90 = tpu.memref_squeeze %dma_start3A_89 : memref<1x128x128xf32, #tpu.memory_space<vmem>> -> memref<128x128xf32, #tpu.memory_space<vmem>>
        tpu.enqueue_dma source(%dma_start3A_90 : memref<128x128xf32, #tpu.memory_space<vmem>>) target(%dma_start3A_86 : memref<128x128xf32, #tpu.memory_space<vmem_shared>>) target_semaphore(%run_scoped3A_78 : memref<!tpu.dma_semaphore, #tpu.memory_space<semaphore_mem>>)
        %dma_wait3A_91 = arith.constant 0 : i32
        %dma_wait3A_92 = arith.constant 0 : i32
        %dma_wait3A_93 = tpu.memref_slice %arg8[%run_scoped3A, %dma_wait3A_91, %dma_wait3A_92] : memref<2x128x128xf32, #tpu.memory_space<vmem>> -> memref<1x128x128xf32, #tpu.memory_space<vmem>>
        %dma_wait3A_94 = tpu.memref_squeeze %dma_wait3A_93 : memref<1x128x128xf32, #tpu.memory_space<vmem>> -> memref<128x128xf32, #tpu.memory_space<vmem>>
        %dma_wait3A_95 = arith.constant 0 : i32
        %dma_wait3A_96 = tpu.memref_slice %arg9[%add3A_76, %dma_wait3A_95] : memref<10240x128xf32, #tpu.memory_space<vmem_shared>> -> memref<128x128xf32, #tpu.memory_space<vmem_shared>>
        %dma_wait3A_97 = arith.constant 0 : i32
        %dma_wait3A_98 = tpu.memref_slice %arg9[%add3A_76, %dma_wait3A_97] : memref<10240x128xf32, #tpu.memory_space<vmem_shared>> -> memref<128x128xf32, #tpu.memory_space<vmem_shared>>
        %dma_wait3A_99 = arith.constant 0 : i32
        %dma_wait3A_100 = arith.constant 0 : i32
        %dma_wait3A_101 = tpu.memref_slice %arg8[%run_scoped3A, %dma_wait3A_99, %dma_wait3A_100] : memref<2x128x128xf32, #tpu.memory_space<vmem>> -> memref<1x128x128xf32, #tpu.memory_space<vmem>>
        %dma_wait3A_102 = tpu.memref_squeeze %dma_wait3A_101 : memref<1x128x128xf32, #tpu.memory_space<vmem>> -> memref<128x128xf32, #tpu.memory_space<vmem>>
        tpu.wait_dma2 semaphore(%run_scoped3A_78 : memref<!tpu.dma_semaphore, #tpu.memory_space<semaphore_mem>>) src(%dma_wait3A_102 : memref<128x128xf32, #tpu.memory_space<vmem>>) dst(%dma_wait3A_98 : memref<128x128xf32, #tpu.memory_space<vmem_shared>>)
        tpu.yield
      }) : () -> ()
      %scan3A_77 = arith.constant 0 : i32
      scf.yield %scan3A_77 : i32
    }
    %scan3A_12 = arith.constant 5 : i32
    %barrier3A = arith.constant 0 : index
    tpu.barrier barrier_id(%barrier3A)
    %rem3A = arith.constant 0 : i32
    %rem3A_13 = arith.constant 2 : i32
    %rem3A_14 = arith.remsi %rem3A, %rem3A_13 : i32
    %mul3A = arith.constant 160 : i32
    %mul3A_15 = arith.muli %arg1, %mul3A : i32
    %add3A = arith.constant 0 : i32
    %add3A_16 = arith.addi %mul3A_15, %add3A : i32
    "tpu.region"() ({
      %run_scoped3A = tpu.sem_alloc : memref<!tpu.dma_semaphore, #tpu.memory_space<semaphore_mem>>
      %dma_start3A_70 = arith.constant 0 : i32
      %dma_start3A_71 = arith.constant 0 : i32
      %dma_start3A_72 = tpu.memref_slice %arg6[%rem3A_14, %dma_start3A_70, %dma_start3A_71] : memref<2x8x128xi32, #tpu.memory_space<vmem>> -> memref<1x8x128xi32, #tpu.memory_space<vmem>>
      %dma_start3A_73 = tpu.memref_squeeze %dma_start3A_72 : memref<1x8x128xi32, #tpu.memory_space<vmem>> -> memref<8x128xi32, #tpu.memory_space<vmem>>
      %dma_start3A_74 = arith.constant 0 : i32
      %dma_start3A_75 = tpu.memref_slice %arg3[%add3A_16, %dma_start3A_74] : memref<2560x128xi32, #tpu.memory_space<hbm>> -> memref<8x128xi32, #tpu.memory_space<hbm>>
      %dma_start3A_76 = arith.constant 0 : i32
      %dma_start3A_77 = arith.constant 0 : i32
      %dma_start3A_78 = tpu.memref_slice %arg6[%rem3A_14, %dma_start3A_76, %dma_start3A_77] : memref<2x8x128xi32, #tpu.memory_space<vmem>> -> memref<1x8x128xi32, #tpu.memory_space<vmem>>
      %dma_start3A_79 = tpu.memref_squeeze %dma_start3A_78 : memref<1x8x128xi32, #tpu.memory_space<vmem>> -> memref<8x128xi32, #tpu.memory_space<vmem>>
      %dma_start3A_80 = arith.constant 0 : i32
      %dma_start3A_81 = tpu.memref_slice %arg3[%add3A_16, %dma_start3A_80] : memref<2560x128xi32, #tpu.memory_space<hbm>> -> memref<8x128xi32, #tpu.memory_space<hbm>>
      tpu.enqueue_dma source(%dma_start3A_81 : memref<8x128xi32, #tpu.memory_space<hbm>>) target(%dma_start3A_79 : memref<8x128xi32, #tpu.memory_space<vmem>>) target_semaphore(%run_scoped3A : memref<!tpu.dma_semaphore, #tpu.memory_space<semaphore_mem>>)
      %dma_wait3A_82 = arith.constant 0 : i32
      %dma_wait3A_83 = arith.constant 0 : i32
      %dma_wait3A_84 = tpu.memref_slice %arg6[%rem3A_14, %dma_wait3A_82, %dma_wait3A_83] : memref<2x8x128xi32, #tpu.memory_space<vmem>> -> memref<1x8x128xi32, #tpu.memory_space<vmem>>
      %dma_wait3A_85 = tpu.memref_squeeze %dma_wait3A_84 : memref<1x8x128xi32, #tpu.memory_space<vmem>> -> memref<8x128xi32, #tpu.memory_space<vmem>>
      %dma_wait3A_86 = arith.constant 0 : i32
      %dma_wait3A_87 = tpu.memref_slice %arg3[%add3A_16, %dma_wait3A_86] : memref<2560x128xi32, #tpu.memory_space<hbm>> -> memref<8x128xi32, #tpu.memory_space<hbm>>
      %dma_wait3A_88 = arith.constant 0 : i32
      %dma_wait3A_89 = arith.constant 0 : i32
      %dma_wait3A_90 = tpu.memref_slice %arg6[%rem3A_14, %dma_wait3A_88, %dma_wait3A_89] : memref<2x8x128xi32, #tpu.memory_space<vmem>> -> memref<1x8x128xi32, #tpu.memory_space<vmem>>
      %dma_wait3A_91 = tpu.memref_squeeze %dma_wait3A_90 : memref<1x8x128xi32, #tpu.memory_space<vmem>> -> memref<8x128xi32, #tpu.memory_space<vmem>>
      %dma_wait3A_92 = arith.constant 0 : i32
      %dma_wait3A_93 = tpu.memref_slice %arg3[%add3A_16, %dma_wait3A_92] : memref<2560x128xi32, #tpu.memory_space<hbm>> -> memref<8x128xi32, #tpu.memory_space<hbm>>
      tpu.wait_dma2 semaphore(%run_scoped3A : memref<!tpu.dma_semaphore, #tpu.memory_space<semaphore_mem>>) src(%dma_wait3A_93 : memref<8x128xi32, #tpu.memory_space<hbm>>) dst(%dma_wait3A_91 : memref<8x128xi32, #tpu.memory_space<vmem>>)
      tpu.yield
    }) : () -> ()
    "tpu.region"() ({
      %run_scoped3A = tpu.sem_alloc : memref<!tpu.dma_semaphore, #tpu.memory_space<semaphore_mem>>
      %dma_start3A_70 = arith.constant 0 : i32
      %dma_start3A_71 = arith.constant 0 : i32
      %dma_start3A_72 = tpu.memref_slice %arg7[%rem3A_14, %dma_start3A_70, %dma_start3A_71] : memref<2x8x128xi32, #tpu.memory_space<vmem>> -> memref<1x8x128xi32, #tpu.memory_space<vmem>>
      %dma_start3A_73 = tpu.memref_squeeze %dma_start3A_72 : memref<1x8x128xi32, #tpu.memory_space<vmem>> -> memref<8x128xi32, #tpu.memory_space<vmem>>
      %dma_start3A_74 = arith.constant 0 : i32
      %dma_start3A_75 = tpu.memref_slice %arg4[%add3A_16, %dma_start3A_74] : memref<2560x128xi32, #tpu.memory_space<hbm>> -> memref<8x128xi32, #tpu.memory_space<hbm>>
      %dma_start3A_76 = arith.constant 0 : i32
      %dma_start3A_77 = arith.constant 0 : i32
      %dma_start3A_78 = tpu.memref_slice %arg7[%rem3A_14, %dma_start3A_76, %dma_start3A_77] : memref<2x8x128xi32, #tpu.memory_space<vmem>> -> memref<1x8x128xi32, #tpu.memory_space<vmem>>
      %dma_start3A_79 = tpu.memref_squeeze %dma_start3A_78 : memref<1x8x128xi32, #tpu.memory_space<vmem>> -> memref<8x128xi32, #tpu.memory_space<vmem>>
      %dma_start3A_80 = arith.constant 0 : i32
      %dma_start3A_81 = tpu.memref_slice %arg4[%add3A_16, %dma_start3A_80] : memref<2560x128xi32, #tpu.memory_space<hbm>> -> memref<8x128xi32, #tpu.memory_space<hbm>>
      tpu.enqueue_dma source(%dma_start3A_81 : memref<8x128xi32, #tpu.memory_space<hbm>>) target(%dma_start3A_79 : memref<8x128xi32, #tpu.memory_space<vmem>>) target_semaphore(%run_scoped3A : memref<!tpu.dma_semaphore, #tpu.memory_space<semaphore_mem>>)
      %dma_wait3A_82 = arith.constant 0 : i32
      %dma_wait3A_83 = arith.constant 0 : i32
      %dma_wait3A_84 = tpu.memref_slice %arg7[%rem3A_14, %dma_wait3A_82, %dma_wait3A_83] : memref<2x8x128xi32, #tpu.memory_space<vmem>> -> memref<1x8x128xi32, #tpu.memory_space<vmem>>
      %dma_wait3A_85 = tpu.memref_squeeze %dma_wait3A_84 : memref<1x8x128xi32, #tpu.memory_space<vmem>> -> memref<8x128xi32, #tpu.memory_space<vmem>>
      %dma_wait3A_86 = arith.constant 0 : i32
      %dma_wait3A_87 = tpu.memref_slice %arg4[%add3A_16, %dma_wait3A_86] : memref<2560x128xi32, #tpu.memory_space<hbm>> -> memref<8x128xi32, #tpu.memory_space<hbm>>
      %dma_wait3A_88 = arith.constant 0 : i32
      %dma_wait3A_89 = arith.constant 0 : i32
      %dma_wait3A_90 = tpu.memref_slice %arg7[%rem3A_14, %dma_wait3A_88, %dma_wait3A_89] : memref<2x8x128xi32, #tpu.memory_space<vmem>> -> memref<1x8x128xi32, #tpu.memory_space<vmem>>
      %dma_wait3A_91 = tpu.memref_squeeze %dma_wait3A_90 : memref<1x8x128xi32, #tpu.memory_space<vmem>> -> memref<8x128xi32, #tpu.memory_space<vmem>>
      %dma_wait3A_92 = arith.constant 0 : i32
      %dma_wait3A_93 = tpu.memref_slice %arg4[%add3A_16, %dma_wait3A_92] : memref<2560x128xi32, #tpu.memory_space<hbm>> -> memref<8x128xi32, #tpu.memory_space<hbm>>
      tpu.wait_dma2 semaphore(%run_scoped3A : memref<!tpu.dma_semaphore, #tpu.memory_space<semaphore_mem>>) src(%dma_wait3A_93 : memref<8x128xi32, #tpu.memory_space<hbm>>) dst(%dma_wait3A_91 : memref<8x128xi32, #tpu.memory_space<vmem>>)
      tpu.yield
    }) : () -> ()
    %rem3A_17 = arith.constant 0 : i32
    %rem3A_18 = arith.constant 2 : i32
    %rem3A_19 = arith.remsi %rem3A_17, %rem3A_18 : i32
    %rem3A_20 = arith.constant 0 : i32
    %rem3A_21 = arith.constant 8 : i32
    %rem3A_22 = arith.remsi %rem3A_20, %rem3A_21 : i32
    %dma_start3A = arith.constant 0 : i32
    %dma_start3A_23 = arith.constant 0 : i32
    %dma_start3A_24 = arith.constant 0 : i32
    %dma_start3A_25 = tpu.memref_slice %arg8[%dma_start3A, %dma_start3A_23, %dma_start3A_24] : memref<2x128x128xf32, #tpu.memory_space<vmem>> -> memref<1x128x128xf32, #tpu.memory_space<vmem>>
    %dma_start3A_26 = tpu.memref_squeeze %dma_start3A_25 : memref<1x128x128xf32, #tpu.memory_space<vmem>> -> memref<128x128xf32, #tpu.memory_space<vmem>>
    %dma_start3A_27 = arith.constant 0 : i32
    %dma_start3A_28 = tpu.memref_slice %arg6[%rem3A_19, %rem3A_22, %dma_start3A_27] : memref<2x8x128xi32, #tpu.memory_space<vmem>> -> memref<1x1x128xi32, #tpu.memory_space<vmem>>
    %dma_start3A_29 = tpu.memref_squeeze %dma_start3A_28 : memref<1x1x128xi32, #tpu.memory_space<vmem>> -> memref<128xi32, #tpu.memory_space<vmem>>
    %dma_start3A_30 = arith.constant 0 : i32
    %dma_start3A_31 = arith.constant 0 : i32
    %dma_start3A_32 = tpu.memref_slice %arg2[%arg0, %dma_start3A_30, %dma_start3A_31] : memref<2x10240x128xf32, #tpu.memory_space<hbm>> -> memref<1x10240x128xf32, #tpu.memory_space<hbm>>
    %dma_start3A_33 = tpu.memref_squeeze %dma_start3A_32 : memref<1x10240x128xf32, #tpu.memory_space<hbm>> -> memref<10240x128xf32, #tpu.memory_space<hbm>>
    %dma_start3A_34 = arith.constant 0 : i32
    %dma_start3A_35 = arith.constant 0 : i32
    %dma_start3A_36 = tpu.memref_slice %dma_start3A_33[%dma_start3A_34, %dma_start3A_35] : memref<10240x128xf32, #tpu.memory_space<hbm>> -> memref<10240x128xf32, #tpu.memory_space<hbm>>
    tpu.enqueue_indirect_dma source(%dma_start3A_36 : memref<10240x128xf32, #tpu.memory_space<hbm>>) target(%dma_start3A_26 : memref<128x128xf32, #tpu.memory_space<vmem>>) offsets(%dma_start3A_29 : memref<128xi32, #tpu.memory_space<vmem>>) semaphore(%arg10 : memref<!tpu.dma_semaphore, #tpu.memory_space<semaphore_mem>>)
    %scan3A_37 = arith.constant 0 : i32
    %scan3A_38 = arith.constant 0 : i32
    %scan3A_39 = arith.constant 160 : i32
    %scan3A_40 = arith.addi %scan3A_38, %scan3A_39 : i32
    %scan3A_41 = arith.constant 1 : i32
    %scan3A_42 = scf.for %scan3A_70 = %scan3A_38 to %scan3A_40 step %scan3A_41 iter_args(%scan3A_71 = %scan3A_37) -> (i32)  : i32 {
      %rem3A_72 = arith.constant 2 : i32
      %rem3A_73 = arith.remsi %scan3A_70, %rem3A_72 : i32
      %add3A_74 = arith.constant 1 : i32
      %add3A_75 = arith.addi %scan3A_70, %add3A_74 : i32
      %rem3A_76 = arith.constant 2 : i32
      %rem3A_77 = arith.remsi %add3A_75, %rem3A_76 : i32
      %rem3A_78 = arith.constant 8 : i32
      %rem3A_79 = arith.remsi %scan3A_70, %rem3A_78 : i32
      %jit3A = arith.constant 8 : i32
      %div3A = arith.divsi %scan3A_70, %jit3A : i32
      %sign3A = arith.constant 0 : i32
      %sign3A_80 = arith.cmpi sgt, %scan3A_70, %sign3A : i32
      %sign3A_81 = arith.extui %sign3A_80 : i1 to i32
      %sign3A_82 = arith.constant 0 : i32
      %sign3A_83 = arith.cmpi slt, %scan3A_70, %sign3A_82 : i32
      %sign3A_84 = arith.extui %sign3A_83 : i1 to i32
      %sign3A_85 = arith.subi %sign3A_81, %sign3A_84 : i32
      %sign3A_86 = arith.constant 0 : i32
      %sign3A_87 = arith.cmpi sgt, %jit3A, %sign3A_86 : i32
      %sign3A_88 = arith.extui %sign3A_87 : i1 to i32
      %sign3A_89 = arith.constant 0 : i32
      %sign3A_90 = arith.cmpi slt, %jit3A, %sign3A_89 : i32
      %sign3A_91 = arith.extui %sign3A_90 : i1 to i32
      %sign3A_92 = arith.subi %sign3A_88, %sign3A_91 : i32
      %ne3A = arith.cmpi ne, %sign3A_85, %sign3A_92 : i32
      %rem3A_93 = arith.remsi %scan3A_70, %jit3A : i32
      %ne3A_94 = arith.constant 0 : i32
      %ne3A_95 = arith.cmpi ne, %rem3A_93, %ne3A_94 : i32
      %and3A = arith.andi %ne3A, %ne3A_95 : i1
      %sub3A = arith.constant 1 : i32
      %sub3A_96 = arith.subi %div3A, %sub3A : i32
      %select_n3A = arith.select %and3A, %sub3A_96, %div3A : i32
      %rem3A_97 = arith.constant 2 : i32
      %rem3A_98 = arith.remsi %select_n3A, %rem3A_97 : i32
      %rem3A_99 = arith.constant 8 : i32
      %rem3A_100 = arith.remsi %scan3A_70, %rem3A_99 : i32
      %dma_wait3A_101 = arith.constant 0 : i32
      %dma_wait3A_102 = arith.constant 0 : i32
      %dma_wait3A_103 = tpu.memref_slice %arg8[%rem3A_73, %dma_wait3A_101, %dma_wait3A_102] : memref<2x128x128xf32, #tpu.memory_space<vmem>> -> memref<1x128x128xf32, #tpu.memory_space<vmem>>
      %dma_wait3A_104 = tpu.memref_squeeze %dma_wait3A_103 : memref<1x128x128xf32, #tpu.memory_space<vmem>> -> memref<128x128xf32, #tpu.memory_space<vmem>>
      %dma_wait3A_105 = arith.constant 0 : i32
      %dma_wait3A_106 = tpu.memref_slice %arg6[%rem3A_98, %rem3A_100, %dma_wait3A_105] : memref<2x8x128xi32, #tpu.memory_space<vmem>> -> memref<1x1x128xi32, #tpu.memory_space<vmem>>
      %dma_wait3A_107 = tpu.memref_squeeze %dma_wait3A_106 : memref<1x1x128xi32, #tpu.memory_space<vmem>> -> memref<128xi32, #tpu.memory_space<vmem>>
      %dma_wait3A_108 = arith.constant 0 : i32
      %dma_wait3A_109 = arith.constant 0 : i32
      %dma_wait3A_110 = tpu.memref_slice %arg2[%arg0, %dma_wait3A_108, %dma_wait3A_109] : memref<2x10240x128xf32, #tpu.memory_space<hbm>> -> memref<1x10240x128xf32, #tpu.memory_space<hbm>>
      %dma_wait3A_111 = tpu.memref_squeeze %dma_wait3A_110 : memref<1x10240x128xf32, #tpu.memory_space<hbm>> -> memref<10240x128xf32, #tpu.memory_space<hbm>>
      %dma_wait3A_112 = arith.constant 0 : i32
      %dma_wait3A_113 = arith.constant 0 : i32
      %dma_wait3A_114 = tpu.memref_slice %dma_wait3A_111[%dma_wait3A_112, %dma_wait3A_113] : memref<10240x128xf32, #tpu.memory_space<hbm>> -> memref<10240x128xf32, #tpu.memory_space<hbm>>
      tpu.wait_indirect_dma semaphore(%arg10 : memref<!tpu.dma_semaphore, #tpu.memory_space<semaphore_mem>>) src(%dma_wait3A_114 : memref<10240x128xf32, #tpu.memory_space<hbm>>) dst(%dma_wait3A_104 : memref<128x128xf32, #tpu.memory_space<vmem>>)
      %ge3A = arith.constant 1 : i32
      %ge3A_115 = arith.cmpi sge, %scan3A_70, %ge3A : i32
      %convert_element_type3A = arith.extui %ge3A_115 : i1 to i32
      %cond3A = arith.constant 0 : i32
      %cond3A_116 = arith.cmpi ne, %convert_element_type3A, %cond3A : i32
      scf.if %cond3A_116 {
        %sub3A_171 = arith.constant 1 : i32
        %sub3A_172 = arith.subi %scan3A_70, %sub3A_171 : i32
        %jit3A_173 = arith.constant 8 : i32
        %div3A_174 = arith.divsi %sub3A_172, %jit3A_173 : i32
        %sign3A_175 = arith.constant 0 : i32
        %sign3A_176 = arith.cmpi sgt, %sub3A_172, %sign3A_175 : i32
        %sign3A_177 = arith.extui %sign3A_176 : i1 to i32
        %sign3A_178 = arith.constant 0 : i32
        %sign3A_179 = arith.cmpi slt, %sub3A_172, %sign3A_178 : i32
        %sign3A_180 = arith.extui %sign3A_179 : i1 to i32
        %sign3A_181 = arith.subi %sign3A_177, %sign3A_180 : i32
        %sign3A_182 = arith.constant 0 : i32
        %sign3A_183 = arith.cmpi sgt, %jit3A_173, %sign3A_182 : i32
        %sign3A_184 = arith.extui %sign3A_183 : i1 to i32
        %sign3A_185 = arith.constant 0 : i32
        %sign3A_186 = arith.cmpi slt, %jit3A_173, %sign3A_185 : i32
        %sign3A_187 = arith.extui %sign3A_186 : i1 to i32
        %sign3A_188 = arith.subi %sign3A_184, %sign3A_187 : i32
        %ne3A_189 = arith.cmpi ne, %sign3A_181, %sign3A_188 : i32
        %rem3A_190 = arith.remsi %sub3A_172, %jit3A_173 : i32
        %ne3A_191 = arith.constant 0 : i32
        %ne3A_192 = arith.cmpi ne, %rem3A_190, %ne3A_191 : i32
        %and3A_193 = arith.andi %ne3A_189, %ne3A_192 : i1
        %sub3A_194 = arith.constant 1 : i32
        %sub3A_195 = arith.subi %div3A_174, %sub3A_194 : i32
        %select_n3A_196 = arith.select %and3A_193, %sub3A_195, %div3A_174 : i32
        %rem3A_197 = arith.constant 2 : i32
        %rem3A_198 = arith.remsi %select_n3A_196, %rem3A_197 : i32
        %rem3A_199 = arith.constant 8 : i32
        %rem3A_200 = arith.remsi %sub3A_172, %rem3A_199 : i32
        %dma_wait3A_201 = arith.constant 0 : i32
        %dma_wait3A_202 = arith.constant 0 : i32
        %dma_wait3A_203 = tpu.memref_slice %arg8[%rem3A_77, %dma_wait3A_201, %dma_wait3A_202] : memref<2x128x128xf32, #tpu.memory_space<vmem>> -> memref<1x128x128xf32, #tpu.memory_space<vmem>>
        %dma_wait3A_204 = tpu.memref_squeeze %dma_wait3A_203 : memref<1x128x128xf32, #tpu.memory_space<vmem>> -> memref<128x128xf32, #tpu.memory_space<vmem>>
        %dma_wait3A_205 = arith.constant 0 : i32
        %dma_wait3A_206 = tpu.memref_slice %arg7[%rem3A_198, %rem3A_200, %dma_wait3A_205] : memref<2x8x128xi32, #tpu.memory_space<vmem>> -> memref<1x1x128xi32, #tpu.memory_space<vmem>>
        %dma_wait3A_207 = tpu.memref_squeeze %dma_wait3A_206 : memref<1x1x128xi32, #tpu.memory_space<vmem>> -> memref<128xi32, #tpu.memory_space<vmem>>
        %dma_wait3A_208 = arith.constant 0 : i32
        %dma_wait3A_209 = arith.constant 0 : i32
        %dma_wait3A_210 = tpu.memref_slice %arg9[%dma_wait3A_208, %dma_wait3A_209] : memref<10240x128xf32, #tpu.memory_space<vmem_shared>> -> memref<10240x128xf32, #tpu.memory_space<vmem_shared>>
        tpu.wait_indirect_dma semaphore(%arg11 : memref<!tpu.dma_semaphore, #tpu.memory_space<semaphore_mem>>) src(%dma_wait3A_204 : memref<128x128xf32, #tpu.memory_space<vmem>>) dst(%dma_wait3A_210 : memref<10240x128xf32, #tpu.memory_space<vmem_shared>>)
      } else {
      }
      %eq3A = arith.constant 7 : i32
      %eq3A_117 = arith.cmpi eq, %rem3A_79, %eq3A : i32
      %add3A_118 = arith.constant 1 : i32
      %add3A_119 = arith.addi %scan3A_70, %add3A_118 : i32
      %lt3A = arith.constant 160 : i32
      %lt3A_120 = arith.cmpi slt, %add3A_119, %lt3A : i32
      %and3A_121 = arith.andi %eq3A_117, %lt3A_120 : i1
      %convert_element_type3A_122 = arith.extui %and3A_121 : i1 to i32
      %cond3A_123 = arith.constant 0 : i32
      %cond3A_124 = arith.cmpi ne, %convert_element_type3A_122, %cond3A_123 : i32
      scf.if %cond3A_124 {
        %jit3A_171 = arith.constant 8 : i32
        %div3A_172 = arith.divsi %scan3A_70, %jit3A_171 : i32
        %sign3A_173 = arith.constant 0 : i32
        %sign3A_174 = arith.cmpi sgt, %scan3A_70, %sign3A_173 : i32
        %sign3A_175 = arith.extui %sign3A_174 : i1 to i32
        %sign3A_176 = arith.constant 0 : i32
        %sign3A_177 = arith.cmpi slt, %scan3A_70, %sign3A_176 : i32
        %sign3A_178 = arith.extui %sign3A_177 : i1 to i32
        %sign3A_179 = arith.subi %sign3A_175, %sign3A_178 : i32
        %sign3A_180 = arith.constant 0 : i32
        %sign3A_181 = arith.cmpi sgt, %jit3A_171, %sign3A_180 : i32
        %sign3A_182 = arith.extui %sign3A_181 : i1 to i32
        %sign3A_183 = arith.constant 0 : i32
        %sign3A_184 = arith.cmpi slt, %jit3A_171, %sign3A_183 : i32
        %sign3A_185 = arith.extui %sign3A_184 : i1 to i32
        %sign3A_186 = arith.subi %sign3A_182, %sign3A_185 : i32
        %ne3A_187 = arith.cmpi ne, %sign3A_179, %sign3A_186 : i32
        %rem3A_188 = arith.remsi %scan3A_70, %jit3A_171 : i32
        %ne3A_189 = arith.constant 0 : i32
        %ne3A_190 = arith.cmpi ne, %rem3A_188, %ne3A_189 : i32
        %and3A_191 = arith.andi %ne3A_187, %ne3A_190 : i1
        %sub3A_192 = arith.constant 1 : i32
        %sub3A_193 = arith.subi %div3A_172, %sub3A_192 : i32
        %select_n3A_194 = arith.select %and3A_191, %sub3A_193, %div3A_172 : i32
        %add3A_195 = arith.constant 1 : i32
        %add3A_196 = arith.addi %select_n3A_194, %add3A_195 : i32
        %rem3A_197 = arith.constant 2 : i32
        %rem3A_198 = arith.remsi %add3A_196, %rem3A_197 : i32
        %mul3A_199 = arith.constant 160 : i32
        %mul3A_200 = arith.muli %arg1, %mul3A_199 : i32
        %mul3A_201 = arith.constant 8 : i32
        %mul3A_202 = arith.muli %add3A_196, %mul3A_201 : i32
        %add3A_203 = arith.addi %mul3A_200, %mul3A_202 : i32
        "tpu.region"() ({
          %run_scoped3A = tpu.sem_alloc : memref<!tpu.dma_semaphore, #tpu.memory_space<semaphore_mem>>
          %dma_start3A_204 = arith.constant 0 : i32
          %dma_start3A_205 = arith.constant 0 : i32
          %dma_start3A_206 = tpu.memref_slice %arg6[%rem3A_198, %dma_start3A_204, %dma_start3A_205] : memref<2x8x128xi32, #tpu.memory_space<vmem>> -> memref<1x8x128xi32, #tpu.memory_space<vmem>>
          %dma_start3A_207 = tpu.memref_squeeze %dma_start3A_206 : memref<1x8x128xi32, #tpu.memory_space<vmem>> -> memref<8x128xi32, #tpu.memory_space<vmem>>
          %dma_start3A_208 = arith.constant 0 : i32
          %dma_start3A_209 = tpu.memref_slice %arg3[%add3A_203, %dma_start3A_208] : memref<2560x128xi32, #tpu.memory_space<hbm>> -> memref<8x128xi32, #tpu.memory_space<hbm>>
          %dma_start3A_210 = arith.constant 0 : i32
          %dma_start3A_211 = arith.constant 0 : i32
          %dma_start3A_212 = tpu.memref_slice %arg6[%rem3A_198, %dma_start3A_210, %dma_start3A_211] : memref<2x8x128xi32, #tpu.memory_space<vmem>> -> memref<1x8x128xi32, #tpu.memory_space<vmem>>
          %dma_start3A_213 = tpu.memref_squeeze %dma_start3A_212 : memref<1x8x128xi32, #tpu.memory_space<vmem>> -> memref<8x128xi32, #tpu.memory_space<vmem>>
          %dma_start3A_214 = arith.constant 0 : i32
          %dma_start3A_215 = tpu.memref_slice %arg3[%add3A_203, %dma_start3A_214] : memref<2560x128xi32, #tpu.memory_space<hbm>> -> memref<8x128xi32, #tpu.memory_space<hbm>>
          tpu.enqueue_dma source(%dma_start3A_215 : memref<8x128xi32, #tpu.memory_space<hbm>>) target(%dma_start3A_213 : memref<8x128xi32, #tpu.memory_space<vmem>>) target_semaphore(%run_scoped3A : memref<!tpu.dma_semaphore, #tpu.memory_space<semaphore_mem>>)
          %dma_wait3A_216 = arith.constant 0 : i32
          %dma_wait3A_217 = arith.constant 0 : i32
          %dma_wait3A_218 = tpu.memref_slice %arg6[%rem3A_198, %dma_wait3A_216, %dma_wait3A_217] : memref<2x8x128xi32, #tpu.memory_space<vmem>> -> memref<1x8x128xi32, #tpu.memory_space<vmem>>
          %dma_wait3A_219 = tpu.memref_squeeze %dma_wait3A_218 : memref<1x8x128xi32, #tpu.memory_space<vmem>> -> memref<8x128xi32, #tpu.memory_space<vmem>>
          %dma_wait3A_220 = arith.constant 0 : i32
          %dma_wait3A_221 = tpu.memref_slice %arg3[%add3A_203, %dma_wait3A_220] : memref<2560x128xi32, #tpu.memory_space<hbm>> -> memref<8x128xi32, #tpu.memory_space<hbm>>
          %dma_wait3A_222 = arith.constant 0 : i32
          %dma_wait3A_223 = arith.constant 0 : i32
          %dma_wait3A_224 = tpu.memref_slice %arg6[%rem3A_198, %dma_wait3A_222, %dma_wait3A_223] : memref<2x8x128xi32, #tpu.memory_space<vmem>> -> memref<1x8x128xi32, #tpu.memory_space<vmem>>
          %dma_wait3A_225 = tpu.memref_squeeze %dma_wait3A_224 : memref<1x8x128xi32, #tpu.memory_space<vmem>> -> memref<8x128xi32, #tpu.memory_space<vmem>>
          %dma_wait3A_226 = arith.constant 0 : i32
          %dma_wait3A_227 = tpu.memref_slice %arg3[%add3A_203, %dma_wait3A_226] : memref<2560x128xi32, #tpu.memory_space<hbm>> -> memref<8x128xi32, #tpu.memory_space<hbm>>
          tpu.wait_dma2 semaphore(%run_scoped3A : memref<!tpu.dma_semaphore, #tpu.memory_space<semaphore_mem>>) src(%dma_wait3A_227 : memref<8x128xi32, #tpu.memory_space<hbm>>) dst(%dma_wait3A_225 : memref<8x128xi32, #tpu.memory_space<vmem>>)
          tpu.yield
        }) : () -> ()
        "tpu.region"() ({
          %run_scoped3A = tpu.sem_alloc : memref<!tpu.dma_semaphore, #tpu.memory_space<semaphore_mem>>
          %dma_start3A_204 = arith.constant 0 : i32
          %dma_start3A_205 = arith.constant 0 : i32
          %dma_start3A_206 = tpu.memref_slice %arg7[%rem3A_198, %dma_start3A_204, %dma_start3A_205] : memref<2x8x128xi32, #tpu.memory_space<vmem>> -> memref<1x8x128xi32, #tpu.memory_space<vmem>>
          %dma_start3A_207 = tpu.memref_squeeze %dma_start3A_206 : memref<1x8x128xi32, #tpu.memory_space<vmem>> -> memref<8x128xi32, #tpu.memory_space<vmem>>
          %dma_start3A_208 = arith.constant 0 : i32
          %dma_start3A_209 = tpu.memref_slice %arg4[%add3A_203, %dma_start3A_208] : memref<2560x128xi32, #tpu.memory_space<hbm>> -> memref<8x128xi32, #tpu.memory_space<hbm>>
          %dma_start3A_210 = arith.constant 0 : i32
          %dma_start3A_211 = arith.constant 0 : i32
          %dma_start3A_212 = tpu.memref_slice %arg7[%rem3A_198, %dma_start3A_210, %dma_start3A_211] : memref<2x8x128xi32, #tpu.memory_space<vmem>> -> memref<1x8x128xi32, #tpu.memory_space<vmem>>
          %dma_start3A_213 = tpu.memref_squeeze %dma_start3A_212 : memref<1x8x128xi32, #tpu.memory_space<vmem>> -> memref<8x128xi32, #tpu.memory_space<vmem>>
          %dma_start3A_214 = arith.constant 0 : i32
          %dma_start3A_215 = tpu.memref_slice %arg4[%add3A_203, %dma_start3A_214] : memref<2560x128xi32, #tpu.memory_space<hbm>> -> memref<8x128xi32, #tpu.memory_space<hbm>>
          tpu.enqueue_dma source(%dma_start3A_215 : memref<8x128xi32, #tpu.memory_space<hbm>>) target(%dma_start3A_213 : memref<8x128xi32, #tpu.memory_space<vmem>>) target_semaphore(%run_scoped3A : memref<!tpu.dma_semaphore, #tpu.memory_space<semaphore_mem>>)
          %dma_wait3A_216 = arith.constant 0 : i32
          %dma_wait3A_217 = arith.constant 0 : i32
          %dma_wait3A_218 = tpu.memref_slice %arg7[%rem3A_198, %dma_wait3A_216, %dma_wait3A_217] : memref<2x8x128xi32, #tpu.memory_space<vmem>> -> memref<1x8x128xi32, #tpu.memory_space<vmem>>
          %dma_wait3A_219 = tpu.memref_squeeze %dma_wait3A_218 : memref<1x8x128xi32, #tpu.memory_space<vmem>> -> memref<8x128xi32, #tpu.memory_space<vmem>>
          %dma_wait3A_220 = arith.constant 0 : i32
          %dma_wait3A_221 = tpu.memref_slice %arg4[%add3A_203, %dma_wait3A_220] : memref<2560x128xi32, #tpu.memory_space<hbm>> -> memref<8x128xi32, #tpu.memory_space<hbm>>
          %dma_wait3A_222 = arith.constant 0 : i32
          %dma_wait3A_223 = arith.constant 0 : i32
          %dma_wait3A_224 = tpu.memref_slice %arg7[%rem3A_198, %dma_wait3A_222, %dma_wait3A_223] : memref<2x8x128xi32, #tpu.memory_space<vmem>> -> memref<1x8x128xi32, #tpu.memory_space<vmem>>
          %dma_wait3A_225 = tpu.memref_squeeze %dma_wait3A_224 : memref<1x8x128xi32, #tpu.memory_space<vmem>> -> memref<8x128xi32, #tpu.memory_space<vmem>>
          %dma_wait3A_226 = arith.constant 0 : i32
          %dma_wait3A_227 = tpu.memref_slice %arg4[%add3A_203, %dma_wait3A_226] : memref<2560x128xi32, #tpu.memory_space<hbm>> -> memref<8x128xi32, #tpu.memory_space<hbm>>
          tpu.wait_dma2 semaphore(%run_scoped3A : memref<!tpu.dma_semaphore, #tpu.memory_space<semaphore_mem>>) src(%dma_wait3A_227 : memref<8x128xi32, #tpu.memory_space<hbm>>) dst(%dma_wait3A_225 : memref<8x128xi32, #tpu.memory_space<vmem>>)
          tpu.yield
        }) : () -> ()
      } else {
      }
      %add3A_125 = arith.constant 1 : i32
      %add3A_126 = arith.addi %scan3A_70, %add3A_125 : i32
      %lt3A_127 = arith.constant 160 : i32
      %lt3A_128 = arith.cmpi slt, %add3A_126, %lt3A_127 : i32
      %convert_element_type3A_129 = arith.extui %lt3A_128 : i1 to i32
      %cond3A_130 = arith.constant 0 : i32
      %cond3A_131 = arith.cmpi ne, %convert_element_type3A_129, %cond3A_130 : i32
      scf.if %cond3A_131 {
        %add3A_171 = arith.constant 1 : i32
        %add3A_172 = arith.addi %scan3A_70, %add3A_171 : i32
        %jit3A_173 = arith.constant 8 : i32
        %div3A_174 = arith.divsi %add3A_172, %jit3A_173 : i32
        %sign3A_175 = arith.constant 0 : i32
        %sign3A_176 = arith.cmpi sgt, %add3A_172, %sign3A_175 : i32
        %sign3A_177 = arith.extui %sign3A_176 : i1 to i32
        %sign3A_178 = arith.constant 0 : i32
        %sign3A_179 = arith.cmpi slt, %add3A_172, %sign3A_178 : i32
        %sign3A_180 = arith.extui %sign3A_179 : i1 to i32
        %sign3A_181 = arith.subi %sign3A_177, %sign3A_180 : i32
        %sign3A_182 = arith.constant 0 : i32
        %sign3A_183 = arith.cmpi sgt, %jit3A_173, %sign3A_182 : i32
        %sign3A_184 = arith.extui %sign3A_183 : i1 to i32
        %sign3A_185 = arith.constant 0 : i32
        %sign3A_186 = arith.cmpi slt, %jit3A_173, %sign3A_185 : i32
        %sign3A_187 = arith.extui %sign3A_186 : i1 to i32
        %sign3A_188 = arith.subi %sign3A_184, %sign3A_187 : i32
        %ne3A_189 = arith.cmpi ne, %sign3A_181, %sign3A_188 : i32
        %rem3A_190 = arith.remsi %add3A_172, %jit3A_173 : i32
        %ne3A_191 = arith.constant 0 : i32
        %ne3A_192 = arith.cmpi ne, %rem3A_190, %ne3A_191 : i32
        %and3A_193 = arith.andi %ne3A_189, %ne3A_192 : i1
        %sub3A_194 = arith.constant 1 : i32
        %sub3A_195 = arith.subi %div3A_174, %sub3A_194 : i32
        %select_n3A_196 = arith.select %and3A_193, %sub3A_195, %div3A_174 : i32
        %rem3A_197 = arith.constant 2 : i32
        %rem3A_198 = arith.remsi %select_n3A_196, %rem3A_197 : i32
        %rem3A_199 = arith.constant 8 : i32
        %rem3A_200 = arith.remsi %add3A_172, %rem3A_199 : i32
        %dma_start3A_201 = arith.constant 0 : i32
        %dma_start3A_202 = arith.constant 0 : i32
        %dma_start3A_203 = tpu.memref_slice %arg8[%rem3A_77, %dma_start3A_201, %dma_start3A_202] : memref<2x128x128xf32, #tpu.memory_space<vmem>> -> memref<1x128x128xf32, #tpu.memory_space<vmem>>
        %dma_start3A_204 = tpu.memref_squeeze %dma_start3A_203 : memref<1x128x128xf32, #tpu.memory_space<vmem>> -> memref<128x128xf32, #tpu.memory_space<vmem>>
        %dma_start3A_205 = arith.constant 0 : i32
        %dma_start3A_206 = tpu.memref_slice %arg6[%rem3A_198, %rem3A_200, %dma_start3A_205] : memref<2x8x128xi32, #tpu.memory_space<vmem>> -> memref<1x1x128xi32, #tpu.memory_space<vmem>>
        %dma_start3A_207 = tpu.memref_squeeze %dma_start3A_206 : memref<1x1x128xi32, #tpu.memory_space<vmem>> -> memref<128xi32, #tpu.memory_space<vmem>>
        %dma_start3A_208 = arith.constant 0 : i32
        %dma_start3A_209 = arith.constant 0 : i32
        %dma_start3A_210 = tpu.memref_slice %arg2[%arg0, %dma_start3A_208, %dma_start3A_209] : memref<2x10240x128xf32, #tpu.memory_space<hbm>> -> memref<1x10240x128xf32, #tpu.memory_space<hbm>>
        %dma_start3A_211 = tpu.memref_squeeze %dma_start3A_210 : memref<1x10240x128xf32, #tpu.memory_space<hbm>> -> memref<10240x128xf32, #tpu.memory_space<hbm>>
        %dma_start3A_212 = arith.constant 0 : i32
        %dma_start3A_213 = arith.constant 0 : i32
        %dma_start3A_214 = tpu.memref_slice %dma_start3A_211[%dma_start3A_212, %dma_start3A_213] : memref<10240x128xf32, #tpu.memory_space<hbm>> -> memref<10240x128xf32, #tpu.memory_space<hbm>>
        tpu.enqueue_indirect_dma source(%dma_start3A_214 : memref<10240x128xf32, #tpu.memory_space<hbm>>) target(%dma_start3A_204 : memref<128x128xf32, #tpu.memory_space<vmem>>) offsets(%dma_start3A_207 : memref<128xi32, #tpu.memory_space<vmem>>) semaphore(%arg10 : memref<!tpu.dma_semaphore, #tpu.memory_space<semaphore_mem>>)
      } else {
      }
      %jit3A_132 = arith.constant 8 : i32
      %div3A_133 = arith.divsi %scan3A_70, %jit3A_132 : i32
      %sign3A_134 = arith.constant 0 : i32
      %sign3A_135 = arith.cmpi sgt, %scan3A_70, %sign3A_134 : i32
      %sign3A_136 = arith.extui %sign3A_135 : i1 to i32
      %sign3A_137 = arith.constant 0 : i32
      %sign3A_138 = arith.cmpi slt, %scan3A_70, %sign3A_137 : i32
      %sign3A_139 = arith.extui %sign3A_138 : i1 to i32
      %sign3A_140 = arith.subi %sign3A_136, %sign3A_139 : i32
      %sign3A_141 = arith.constant 0 : i32
      %sign3A_142 = arith.cmpi sgt, %jit3A_132, %sign3A_141 : i32
      %sign3A_143 = arith.extui %sign3A_142 : i1 to i32
      %sign3A_144 = arith.constant 0 : i32
      %sign3A_145 = arith.cmpi slt, %jit3A_132, %sign3A_144 : i32
      %sign3A_146 = arith.extui %sign3A_145 : i1 to i32
      %sign3A_147 = arith.subi %sign3A_143, %sign3A_146 : i32
      %ne3A_148 = arith.cmpi ne, %sign3A_140, %sign3A_147 : i32
      %rem3A_149 = arith.remsi %scan3A_70, %jit3A_132 : i32
      %ne3A_150 = arith.constant 0 : i32
      %ne3A_151 = arith.cmpi ne, %rem3A_149, %ne3A_150 : i32
      %and3A_152 = arith.andi %ne3A_148, %ne3A_151 : i1
      %sub3A_153 = arith.constant 1 : i32
      %sub3A_154 = arith.subi %div3A_133, %sub3A_153 : i32
      %select_n3A_155 = arith.select %and3A_152, %sub3A_154, %div3A_133 : i32
      %rem3A_156 = arith.constant 2 : i32
      %rem3A_157 = arith.remsi %select_n3A_155, %rem3A_156 : i32
      %rem3A_158 = arith.constant 8 : i32
      %rem3A_159 = arith.remsi %scan3A_70, %rem3A_158 : i32
      %dma_start3A_160 = arith.constant 0 : i32
      %dma_start3A_161 = arith.constant 0 : i32
      %dma_start3A_162 = tpu.memref_slice %arg8[%rem3A_73, %dma_start3A_160, %dma_start3A_161] : memref<2x128x128xf32, #tpu.memory_space<vmem>> -> memref<1x128x128xf32, #tpu.memory_space<vmem>>
      %dma_start3A_163 = tpu.memref_squeeze %dma_start3A_162 : memref<1x128x128xf32, #tpu.memory_space<vmem>> -> memref<128x128xf32, #tpu.memory_space<vmem>>
      %dma_start3A_164 = arith.constant 0 : i32
      %dma_start3A_165 = tpu.memref_slice %arg7[%rem3A_157, %rem3A_159, %dma_start3A_164] : memref<2x8x128xi32, #tpu.memory_space<vmem>> -> memref<1x1x128xi32, #tpu.memory_space<vmem>>
      %dma_start3A_166 = tpu.memref_squeeze %dma_start3A_165 : memref<1x1x128xi32, #tpu.memory_space<vmem>> -> memref<128xi32, #tpu.memory_space<vmem>>
      %dma_start3A_167 = arith.constant 0 : i32
      %dma_start3A_168 = arith.constant 0 : i32
      %dma_start3A_169 = tpu.memref_slice %arg9[%dma_start3A_167, %dma_start3A_168] : memref<10240x128xf32, #tpu.memory_space<vmem_shared>> -> memref<10240x128xf32, #tpu.memory_space<vmem_shared>>
      tpu.enqueue_indirect_dma source(%dma_start3A_163 : memref<128x128xf32, #tpu.memory_space<vmem>>) target(%dma_start3A_169 : memref<10240x128xf32, #tpu.memory_space<vmem_shared>>) offsets(%dma_start3A_166 : memref<128xi32, #tpu.memory_space<vmem>>) semaphore(%arg11 : memref<!tpu.dma_semaphore, #tpu.memory_space<semaphore_mem>>) {add = true}
      %scan3A_170 = arith.constant 0 : i32
      scf.yield %scan3A_170 : i32
    }
    %scan3A_43 = arith.constant 160 : i32
    %rem3A_44 = arith.constant 159 : i32
    %rem3A_45 = arith.constant 2 : i32
    %rem3A_46 = arith.remsi %rem3A_44, %rem3A_45 : i32
    %rem3A_47 = arith.constant 19 : i32
    %rem3A_48 = arith.constant 2 : i32
    %rem3A_49 = arith.remsi %rem3A_47, %rem3A_48 : i32
    %rem3A_50 = arith.constant 159 : i32
    %rem3A_51 = arith.constant 8 : i32
    %rem3A_52 = arith.remsi %rem3A_50, %rem3A_51 : i32
    %dma_wait3A = arith.constant 0 : i32
    %dma_wait3A_53 = arith.constant 0 : i32
    %dma_wait3A_54 = tpu.memref_slice %arg8[%rem3A_46, %dma_wait3A, %dma_wait3A_53] : memref<2x128x128xf32, #tpu.memory_space<vmem>> -> memref<1x128x128xf32, #tpu.memory_space<vmem>>
    %dma_wait3A_55 = tpu.memref_squeeze %dma_wait3A_54 : memref<1x128x128xf32, #tpu.memory_space<vmem>> -> memref<128x128xf32, #tpu.memory_space<vmem>>
    %dma_wait3A_56 = arith.constant 0 : i32
    %dma_wait3A_57 = tpu.memref_slice %arg7[%rem3A_49, %rem3A_52, %dma_wait3A_56] : memref<2x8x128xi32, #tpu.memory_space<vmem>> -> memref<1x1x128xi32, #tpu.memory_space<vmem>>
    %dma_wait3A_58 = tpu.memref_squeeze %dma_wait3A_57 : memref<1x1x128xi32, #tpu.memory_space<vmem>> -> memref<128xi32, #tpu.memory_space<vmem>>
    %dma_wait3A_59 = arith.constant 0 : i32
    %dma_wait3A_60 = arith.constant 0 : i32
    %dma_wait3A_61 = tpu.memref_slice %arg9[%dma_wait3A_59, %dma_wait3A_60] : memref<10240x128xf32, #tpu.memory_space<vmem_shared>> -> memref<10240x128xf32, #tpu.memory_space<vmem_shared>>
    tpu.wait_indirect_dma semaphore(%arg11 : memref<!tpu.dma_semaphore, #tpu.memory_space<semaphore_mem>>) src(%dma_wait3A_55 : memref<128x128xf32, #tpu.memory_space<vmem>>) dst(%dma_wait3A_61 : memref<10240x128xf32, #tpu.memory_space<vmem_shared>>)
    %barrier3A_62 = arith.constant 0 : index
    tpu.barrier barrier_id(%barrier3A_62)
    %scan3A_63 = arith.constant 0 : i32
    %scan3A_64 = arith.constant 0 : i32
    %scan3A_65 = arith.constant 5 : i32
    %scan3A_66 = arith.addi %scan3A_64, %scan3A_65 : i32
    %scan3A_67 = arith.constant 1 : i32
    %scan3A_68 = scf.for %scan3A_70 = %scan3A_64 to %scan3A_66 step %scan3A_67 iter_args(%scan3A_71 = %scan3A_63) -> (i32)  : i32 {
      %mul3A_72 = arith.constant 640 : i32
      %mul3A_73 = arith.muli %arg1, %mul3A_72 : i32
      %mul3A_74 = arith.constant 128 : i32
      %mul3A_75 = arith.muli %scan3A_70, %mul3A_74 : i32
      %add3A_76 = arith.addi %mul3A_73, %mul3A_75 : i32
      %run_scoped3A = arith.constant 0 : i32
      "tpu.region"() ({
        %run_scoped3A_79 = tpu.sem_alloc : memref<!tpu.dma_semaphore, #tpu.memory_space<semaphore_mem>>
        %dma_start3A_80 = arith.constant 0 : i32
        %dma_start3A_81 = arith.constant 0 : i32
        %dma_start3A_82 = tpu.memref_slice %arg8[%run_scoped3A, %dma_start3A_80, %dma_start3A_81] : memref<2x128x128xf32, #tpu.memory_space<vmem>> -> memref<1x128x128xf32, #tpu.memory_space<vmem>>
        %dma_start3A_83 = tpu.memref_squeeze %dma_start3A_82 : memref<1x128x128xf32, #tpu.memory_space<vmem>> -> memref<128x128xf32, #tpu.memory_space<vmem>>
        %dma_start3A_84 = arith.constant 0 : i32
        %dma_start3A_85 = tpu.memref_slice %arg9[%add3A_76, %dma_start3A_84] : memref<10240x128xf32, #tpu.memory_space<vmem_shared>> -> memref<128x128xf32, #tpu.memory_space<vmem_shared>>
        %dma_start3A_86 = arith.constant 0 : i32
        %dma_start3A_87 = arith.constant 0 : i32
        %dma_start3A_88 = tpu.memref_slice %arg8[%run_scoped3A, %dma_start3A_86, %dma_start3A_87] : memref<2x128x128xf32, #tpu.memory_space<vmem>> -> memref<1x128x128xf32, #tpu.memory_space<vmem>>
        %dma_start3A_89 = tpu.memref_squeeze %dma_start3A_88 : memref<1x128x128xf32, #tpu.memory_space<vmem>> -> memref<128x128xf32, #tpu.memory_space<vmem>>
        %dma_start3A_90 = arith.constant 0 : i32
        %dma_start3A_91 = tpu.memref_slice %arg9[%add3A_76, %dma_start3A_90] : memref<10240x128xf32, #tpu.memory_space<vmem_shared>> -> memref<128x128xf32, #tpu.memory_space<vmem_shared>>
        tpu.enqueue_dma source(%dma_start3A_91 : memref<128x128xf32, #tpu.memory_space<vmem_shared>>) target(%dma_start3A_89 : memref<128x128xf32, #tpu.memory_space<vmem>>) target_semaphore(%run_scoped3A_79 : memref<!tpu.dma_semaphore, #tpu.memory_space<semaphore_mem>>)
        %dma_wait3A_92 = arith.constant 0 : i32
        %dma_wait3A_93 = arith.constant 0 : i32
        %dma_wait3A_94 = tpu.memref_slice %arg8[%run_scoped3A, %dma_wait3A_92, %dma_wait3A_93] : memref<2x128x128xf32, #tpu.memory_space<vmem>> -> memref<1x128x128xf32, #tpu.memory_space<vmem>>
        %dma_wait3A_95 = tpu.memref_squeeze %dma_wait3A_94 : memref<1x128x128xf32, #tpu.memory_space<vmem>> -> memref<128x128xf32, #tpu.memory_space<vmem>>
        %dma_wait3A_96 = arith.constant 0 : i32
        %dma_wait3A_97 = tpu.memref_slice %arg9[%add3A_76, %dma_wait3A_96] : memref<10240x128xf32, #tpu.memory_space<vmem_shared>> -> memref<128x128xf32, #tpu.memory_space<vmem_shared>>
        %dma_wait3A_98 = arith.constant 0 : i32
        %dma_wait3A_99 = arith.constant 0 : i32
        %dma_wait3A_100 = tpu.memref_slice %arg8[%run_scoped3A, %dma_wait3A_98, %dma_wait3A_99] : memref<2x128x128xf32, #tpu.memory_space<vmem>> -> memref<1x128x128xf32, #tpu.memory_space<vmem>>
        %dma_wait3A_101 = tpu.memref_squeeze %dma_wait3A_100 : memref<1x128x128xf32, #tpu.memory_space<vmem>> -> memref<128x128xf32, #tpu.memory_space<vmem>>
        %dma_wait3A_102 = arith.constant 0 : i32
        %dma_wait3A_103 = tpu.memref_slice %arg9[%add3A_76, %dma_wait3A_102] : memref<10240x128xf32, #tpu.memory_space<vmem_shared>> -> memref<128x128xf32, #tpu.memory_space<vmem_shared>>
        tpu.wait_dma2 semaphore(%run_scoped3A_79 : memref<!tpu.dma_semaphore, #tpu.memory_space<semaphore_mem>>) src(%dma_wait3A_103 : memref<128x128xf32, #tpu.memory_space<vmem_shared>>) dst(%dma_wait3A_101 : memref<128x128xf32, #tpu.memory_space<vmem>>)
        tpu.yield
      }) : () -> ()
      %run_scoped3A_77 = arith.constant 0 : i32
      "tpu.region"() ({
        %run_scoped3A_79 = tpu.sem_alloc : memref<!tpu.dma_semaphore, #tpu.memory_space<semaphore_mem>>
        %dma_start3A_80 = arith.constant 0 : i32
        %dma_start3A_81 = arith.constant 0 : i32
        %dma_start3A_82 = tpu.memref_slice %arg8[%run_scoped3A_77, %dma_start3A_80, %dma_start3A_81] : memref<2x128x128xf32, #tpu.memory_space<vmem>> -> memref<1x128x128xf32, #tpu.memory_space<vmem>>
        %dma_start3A_83 = tpu.memref_squeeze %dma_start3A_82 : memref<1x128x128xf32, #tpu.memory_space<vmem>> -> memref<128x128xf32, #tpu.memory_space<vmem>>
        %dma_start3A_84 = arith.constant 0 : i32
        %dma_start3A_85 = arith.constant 0 : i32
        %dma_start3A_86 = tpu.memref_slice %arg5[%arg0, %dma_start3A_84, %dma_start3A_85] : memref<2x10240x128xf32, #tpu.memory_space<hbm>> -> memref<1x10240x128xf32, #tpu.memory_space<hbm>>
        %dma_start3A_87 = tpu.memref_squeeze %dma_start3A_86 : memref<1x10240x128xf32, #tpu.memory_space<hbm>> -> memref<10240x128xf32, #tpu.memory_space<hbm>>
        %dma_start3A_88 = arith.constant 0 : i32
        %dma_start3A_89 = tpu.memref_slice %dma_start3A_87[%add3A_76, %dma_start3A_88] : memref<10240x128xf32, #tpu.memory_space<hbm>> -> memref<128x128xf32, #tpu.memory_space<hbm>>
        %dma_start3A_90 = arith.constant 0 : i32
        %dma_start3A_91 = arith.constant 0 : i32
        %dma_start3A_92 = tpu.memref_slice %arg5[%arg0, %dma_start3A_90, %dma_start3A_91] : memref<2x10240x128xf32, #tpu.memory_space<hbm>> -> memref<1x10240x128xf32, #tpu.memory_space<hbm>>
        %dma_start3A_93 = tpu.memref_squeeze %dma_start3A_92 : memref<1x10240x128xf32, #tpu.memory_space<hbm>> -> memref<10240x128xf32, #tpu.memory_space<hbm>>
        %dma_start3A_94 = arith.constant 0 : i32
        %dma_start3A_95 = tpu.memref_slice %dma_start3A_93[%add3A_76, %dma_start3A_94] : memref<10240x128xf32, #tpu.memory_space<hbm>> -> memref<128x128xf32, #tpu.memory_space<hbm>>
        %dma_start3A_96 = arith.constant 0 : i32
        %dma_start3A_97 = arith.constant 0 : i32
        %dma_start3A_98 = tpu.memref_slice %arg8[%run_scoped3A_77, %dma_start3A_96, %dma_start3A_97] : memref<2x128x128xf32, #tpu.memory_space<vmem>> -> memref<1x128x128xf32, #tpu.memory_space<vmem>>
        %dma_start3A_99 = tpu.memref_squeeze %dma_start3A_98 : memref<1x128x128xf32, #tpu.memory_space<vmem>> -> memref<128x128xf32, #tpu.memory_space<vmem>>
        tpu.enqueue_dma source(%dma_start3A_99 : memref<128x128xf32, #tpu.memory_space<vmem>>) target(%dma_start3A_95 : memref<128x128xf32, #tpu.memory_space<hbm>>) target_semaphore(%run_scoped3A_79 : memref<!tpu.dma_semaphore, #tpu.memory_space<semaphore_mem>>)
        %dma_wait3A_100 = arith.constant 0 : i32
        %dma_wait3A_101 = arith.constant 0 : i32
        %dma_wait3A_102 = tpu.memref_slice %arg8[%run_scoped3A_77, %dma_wait3A_100, %dma_wait3A_101] : memref<2x128x128xf32, #tpu.memory_space<vmem>> -> memref<1x128x128xf32, #tpu.memory_space<vmem>>
        %dma_wait3A_103 = tpu.memref_squeeze %dma_wait3A_102 : memref<1x128x128xf32, #tpu.memory_space<vmem>> -> memref<128x128xf32, #tpu.memory_space<vmem>>
        %dma_wait3A_104 = arith.constant 0 : i32
        %dma_wait3A_105 = arith.constant 0 : i32
        %dma_wait3A_106 = tpu.memref_slice %arg5[%arg0, %dma_wait3A_104, %dma_wait3A_105] : memref<2x10240x128xf32, #tpu.memory_space<hbm>> -> memref<1x10240x128xf32, #tpu.memory_space<hbm>>
        %dma_wait3A_107 = tpu.memref_squeeze %dma_wait3A_106 : memref<1x10240x128xf32, #tpu.memory_space<hbm>> -> memref<10240x128xf32, #tpu.memory_space<hbm>>
        %dma_wait3A_108 = arith.constant 0 : i32
        %dma_wait3A_109 = tpu.memref_slice %dma_wait3A_107[%add3A_76, %dma_wait3A_108] : memref<10240x128xf32, #tpu.memory_space<hbm>> -> memref<128x128xf32, #tpu.memory_space<hbm>>
        %dma_wait3A_110 = arith.constant 0 : i32
        %dma_wait3A_111 = arith.constant 0 : i32
        %dma_wait3A_112 = tpu.memref_slice %arg5[%arg0, %dma_wait3A_110, %dma_wait3A_111] : memref<2x10240x128xf32, #tpu.memory_space<hbm>> -> memref<1x10240x128xf32, #tpu.memory_space<hbm>>
        %dma_wait3A_113 = tpu.memref_squeeze %dma_wait3A_112 : memref<1x10240x128xf32, #tpu.memory_space<hbm>> -> memref<10240x128xf32, #tpu.memory_space<hbm>>
        %dma_wait3A_114 = arith.constant 0 : i32
        %dma_wait3A_115 = tpu.memref_slice %dma_wait3A_113[%add3A_76, %dma_wait3A_114] : memref<10240x128xf32, #tpu.memory_space<hbm>> -> memref<128x128xf32, #tpu.memory_space<hbm>>
        %dma_wait3A_116 = arith.constant 0 : i32
        %dma_wait3A_117 = arith.constant 0 : i32
        %dma_wait3A_118 = tpu.memref_slice %arg8[%run_scoped3A_77, %dma_wait3A_116, %dma_wait3A_117] : memref<2x128x128xf32, #tpu.memory_space<vmem>> -> memref<1x128x128xf32, #tpu.memory_space<vmem>>
        %dma_wait3A_119 = tpu.memref_squeeze %dma_wait3A_118 : memref<1x128x128xf32, #tpu.memory_space<vmem>> -> memref<128x128xf32, #tpu.memory_space<vmem>>
        tpu.wait_dma2 semaphore(%run_scoped3A_79 : memref<!tpu.dma_semaphore, #tpu.memory_space<semaphore_mem>>) src(%dma_wait3A_119 : memref<128x128xf32, #tpu.memory_space<vmem>>) dst(%dma_wait3A_115 : memref<128x128xf32, #tpu.memory_space<hbm>>)
        tpu.yield
      }) : () -> ()
      %scan3A_78 = arith.constant 0 : i32
      scf.yield %scan3A_78 : i32
    }
    %scan3A_69 = arith.constant 5 : i32
    return
  }
}

module attributes {stable_mosaic.version = 14 : i64} {
  func.func @_hs1_body(%arg0: i32, %arg1: memref<1280x1xf32, #tpu.memory_space<vmem>>, %arg2: memref<1280x1xf32, #tpu.memory_space<vmem>>, %arg3: memref<1280x1xf32, #tpu.memory_space<vmem>>, %arg4: memref<32x128xf32, #tpu.memory_space<vmem>>, %arg5: memref<128x256xf32, #tpu.memory_space<vmem>>, %arg6: memref<2x1280x128xf32, #tpu.memory_space<vmem>>) attributes {dimension_semantics = [#tpu.dimension_semantics<arbitrary>], iteration_bounds = array<i64: 8>, scalar_prefetch = 0 : i64, scratch_operands = 0 : i64, tpu.core_type = #tpu.core_type<tc>, window_params = [{transform_indices = @transform_0, window_bounds = array<i64: 1280, 1>}, {transform_indices = @transform_1, window_bounds = array<i64: 1280, 1>}, {transform_indices = @transform_2, window_bounds = array<i64: 1280, 1>}, {pipeline_mode = #tpu.pipeline_mode<synchronous>, transform_indices = @transform_3, window_bounds = array<i64: 32, 128>}, {pipeline_mode = #tpu.pipeline_mode<synchronous>, transform_indices = @transform_4, window_bounds = array<i64: 128, 256>}, {transform_indices = @transform_5, window_bounds = array<i64: 2, 1280, 128>}]} {
    %get3A = arith.constant 0 : index
    %get3A_0 = arith.constant 0 : index
    %get3A_1 = vector.load %arg2[%get3A, %get3A_0] : memref<1280x1xf32, #tpu.memory_space<vmem>>, vector<1280x1xf32>
    %get3A_2 = arith.constant 0 : index
    %get3A_3 = arith.constant 0 : index
    %get3A_4 = vector.load %arg3[%get3A_2, %get3A_3] : memref<1280x1xf32, #tpu.memory_space<vmem>>, vector<1280x1xf32>
    %add3A = arith.addf %get3A_1, %get3A_4 : vector<1280x1xf32>
    %add3A_5 = arith.constant 1.000000e+00 : f32
    %add3A_6 = vector.broadcast %add3A_5 : f32 to vector<1280x1xf32>
    %add3A_7 = arith.addf %add3A, %add3A_6 : vector<1280x1xf32>
    %sqrt3A = math.sqrt %add3A_7 : vector<1280x1xf32>
    %div3A = arith.constant 1.000000e+00 : f32
    %div3A_8 = vector.broadcast %div3A : f32 to vector<1280x1xf32>
    %div3A_9 = arith.divf %div3A_8, %sqrt3A : vector<1280x1xf32>
    %get3A_10 = arith.constant 0 : index
    %get3A_11 = arith.constant 0 : index
    %get3A_12 = vector.load %arg4[%get3A_10, %get3A_11] : memref<32x128xf32, #tpu.memory_space<vmem>>, vector<32x128xf32>
    %get3A_13 = arith.constant 0 : index
    %get3A_14 = arith.constant 0 : index
    %get3A_15 = vector.load %arg5[%get3A_13, %get3A_14] : memref<128x256xf32, #tpu.memory_space<vmem>>, vector<128x256xf32>
    %dot_general3A = arith.constant dense<0.000000e+00> : vector<32x256xf32>
    %dot_general3A_16 = tpu.matmul %get3A_12, %get3A_15, %dot_general3A {dimension_numbers = #tpu.dot_dimension_numbers<[1], [0], [0], [1], [0, 0, 1, 1], [], []>, precision = #tpu.contract_precision<fp32>, transpose_lhs_hint = false} : vector<32x128xf32>, vector<128x256xf32>, vector<32x256xf32> -> vector<32x256xf32>
    %iota3A = tpu.iota {dimensions = array<i32: 1>} : vector<1x32xi32>
    %convert_element_type3A = arith.sitofp %iota3A : vector<1x32xi32> to vector<1x32xf32>
    %get3A_17 = arith.constant 0 : index
    %get3A_18 = arith.constant 0 : index
    %get3A_19 = vector.load %arg1[%get3A_17, %get3A_18] : memref<1280x1xf32, #tpu.memory_space<vmem>>, vector<1280x1xf32>
    %eq3A = vector.broadcast %get3A_19 : vector<1280x1xf32> to vector<1280x32xf32>
    %eq3A_20 = vector.broadcast %convert_element_type3A : vector<1x32xf32> to vector<1280x32xf32>
    %eq3A_21 = arith.cmpf oeq, %eq3A, %eq3A_20 : vector<1280x32xf32>
    %convert_element_type3A_22 = arith.extui %eq3A_21 : vector<1280x32xi1> to vector<1280x32xi32>
    %convert_element_type3A_23 = arith.sitofp %convert_element_type3A_22 : vector<1280x32xi32> to vector<1280x32xf32>
    %dot_general3A_24 = arith.constant dense<0.000000e+00> : vector<1280x256xf32>
    %dot_general3A_25 = tpu.matmul %convert_element_type3A_23, %dot_general3A_16, %dot_general3A_24 {dimension_numbers = #tpu.dot_dimension_numbers<[1], [0], [0], [1], [0, 0, 1, 1], [], []>, precision = #tpu.contract_precision<fp32>, transpose_lhs_hint = false} : vector<1280x32xf32>, vector<32x256xf32>, vector<1280x256xf32> -> vector<1280x256xf32>
    %mul3A = vector.broadcast %div3A_9 : vector<1280x1xf32> to vector<1280x256xf32>
    %mul3A_26 = arith.mulf %dot_general3A_25, %mul3A : vector<1280x256xf32>
    %slice3A = vector.extract_strided_slice %mul3A_26 {offsets = [0, 0], sizes = [1280, 128], strides = [1, 1]} : vector<1280x256xf32> to vector<1280x128xf32>
    %swap3A = arith.constant 0 : index
    %swap3A_27 = arith.constant 0 : index
    %swap3A_28 = arith.constant 0 : index
    %swap3A_29 = vector.load %arg6[%swap3A, %swap3A_27, %swap3A_28] : memref<2x1280x128xf32, #tpu.memory_space<vmem>>, vector<1x1280x128xf32>
    %swap3A_30 = vector.shape_cast %swap3A_29 : vector<1x1280x128xf32> to vector<1280x128xf32>
    %swap3A_31 = vector.shape_cast %slice3A : vector<1280x128xf32> to vector<1x1280x128xf32>
    tpu.vector_store %arg6[%swap3A, %swap3A_27, %swap3A_28], %swap3A_31 {strides = array<i32>} : memref<2x1280x128xf32, #tpu.memory_space<vmem>>, vector<1x1280x128xf32>,
    %slice3A_32 = vector.extract_strided_slice %mul3A_26 {offsets = [0, 128], sizes = [1280, 128], strides = [1, 1]} : vector<1280x256xf32> to vector<1280x128xf32>
    %swap3A_33 = arith.constant 1 : index
    %swap3A_34 = arith.constant 0 : index
    %swap3A_35 = arith.constant 0 : index
    %swap3A_36 = vector.load %arg6[%swap3A_33, %swap3A_34, %swap3A_35] : memref<2x1280x128xf32, #tpu.memory_space<vmem>>, vector<1x1280x128xf32>
    %swap3A_37 = vector.shape_cast %swap3A_36 : vector<1x1280x128xf32> to vector<1280x128xf32>
    %swap3A_38 = vector.shape_cast %slice3A_32 : vector<1280x128xf32> to vector<1x1280x128xf32>
    tpu.vector_store %arg6[%swap3A_33, %swap3A_34, %swap3A_35], %swap3A_38 {strides = array<i32>} : memref<2x1280x128xf32, #tpu.memory_space<vmem>>, vector<1x1280x128xf32>,
    return
  }
  func.func @transform_0(%arg0: i32) -> (i32, i32) {
    %c0_i32 = arith.constant 0 : i32
    %c0_i32_0 = arith.constant 0 : i32
    return %arg0, %c0_i32 : i32, i32
  }
  func.func @transform_1(%arg0: i32) -> (i32, i32) {
    %c0_i32 = arith.constant 0 : i32
    %c0_i32_0 = arith.constant 0 : i32
    return %arg0, %c0_i32 : i32, i32
  }
  func.func @transform_2(%arg0: i32) -> (i32, i32) {
    %c0_i32 = arith.constant 0 : i32
    %c0_i32_0 = arith.constant 0 : i32
    return %arg0, %c0_i32 : i32, i32
  }
  func.func @transform_3(%arg0: i32) -> (i32, i32) {
    %c0_i32 = arith.constant 0 : i32
    %c0_i32_0 = arith.constant 0 : i32
    %c0_i32_1 = arith.constant 0 : i32
    return %c0_i32, %c0_i32_0 : i32, i32
  }
  func.func @transform_4(%arg0: i32) -> (i32, i32) {
    %c0_i32 = arith.constant 0 : i32
    %c0_i32_0 = arith.constant 0 : i32
    %c0_i32_1 = arith.constant 0 : i32
    return %c0_i32, %c0_i32_0 : i32, i32
  }
  func.func @transform_5(%arg0: i32) -> (i32, i32, i32) {
    %c0_i32 = arith.constant 0 : i32
    %c0_i32_0 = arith.constant 0 : i32
    %c0_i32_1 = arith.constant 0 : i32
    return %c0_i32, %arg0, %c0_i32_0 : i32, i32, i32
  }
}

module attributes {stable_mosaic.version = 14 : i64} {
  func.func @_layer2_body(%arg0: i32, %arg1: memref<2x1280x128xf32, #tpu.memory_space<vmem>>, %arg2: memref<2x1280x128xf32, #tpu.memory_space<vmem>>, %arg3: memref<1280x1xf32, #tpu.memory_space<vmem>>, %arg4: memref<1280x1xf32, #tpu.memory_space<vmem>>, %arg5: memref<1x256xf32, #tpu.memory_space<vmem>>, %arg6: memref<256x256xf32, #tpu.memory_space<vmem>>, %arg7: memref<2x1280x128xf32, #tpu.memory_space<vmem>>) attributes {dimension_semantics = [#tpu.dimension_semantics<arbitrary>], iteration_bounds = array<i64: 8>, scalar_prefetch = 0 : i64, scratch_operands = 0 : i64, tpu.core_type = #tpu.core_type<tc>, window_params = [{transform_indices = @transform_0, window_bounds = array<i64: 2, 1280, 128>}, {transform_indices = @transform_1, window_bounds = array<i64: 2, 1280, 128>}, {transform_indices = @transform_2, window_bounds = array<i64: 1280, 1>}, {transform_indices = @transform_3, window_bounds = array<i64: 1280, 1>}, {pipeline_mode = #tpu.pipeline_mode<synchronous>, transform_indices = @transform_4, window_bounds = array<i64: 1, 256>}, {pipeline_mode = #tpu.pipeline_mode<synchronous>, transform_indices = @transform_5, window_bounds = array<i64: 256, 256>}, {transform_indices = @transform_6, window_bounds = array<i64: 2, 1280, 128>}]} {
    %get3A = arith.constant 0 : index
    %get3A_0 = arith.constant 0 : index
    %get3A_1 = vector.load %arg3[%get3A, %get3A_0] : memref<1280x1xf32, #tpu.memory_space<vmem>>, vector<1280x1xf32>
    %get3A_2 = arith.constant 0 : index
    %get3A_3 = arith.constant 0 : index
    %get3A_4 = vector.load %arg4[%get3A_2, %get3A_3] : memref<1280x1xf32, #tpu.memory_space<vmem>>, vector<1280x1xf32>
    %add3A = arith.addf %get3A_1, %get3A_4 : vector<1280x1xf32>
    %add3A_5 = arith.constant 1.000000e+00 : f32
    %add3A_6 = vector.broadcast %add3A_5 : f32 to vector<1280x1xf32>
    %add3A_7 = arith.addf %add3A, %add3A_6 : vector<1280x1xf32>
    %sqrt3A = math.sqrt %add3A_7 : vector<1280x1xf32>
    %div3A = arith.constant 1.000000e+00 : f32
    %div3A_8 = vector.broadcast %div3A : f32 to vector<1280x1xf32>
    %div3A_9 = arith.divf %div3A_8, %sqrt3A : vector<1280x1xf32>
    %get3A_10 = arith.constant 0 : index
    %get3A_11 = arith.constant 0 : index
    %get3A_12 = arith.constant 0 : index
    %get3A_13 = vector.load %arg1[%get3A_10, %get3A_11, %get3A_12] : memref<2x1280x128xf32, #tpu.memory_space<vmem>>, vector<1x1280x128xf32>
    %get3A_14 = vector.shape_cast %get3A_13 : vector<1x1280x128xf32> to vector<1280x128xf32>
    %get3A_15 = arith.constant 0 : index
    %get3A_16 = arith.constant 0 : index
    %get3A_17 = arith.constant 0 : index
    %get3A_18 = vector.load %arg2[%get3A_15, %get3A_16, %get3A_17] : memref<2x1280x128xf32, #tpu.memory_space<vmem>>, vector<1x1280x128xf32>
    %get3A_19 = vector.shape_cast %get3A_18 : vector<1x1280x128xf32> to vector<1280x128xf32>
    %add3A_20 = arith.addf %get3A_14, %get3A_19 : vector<1280x128xf32>
    %get3A_21 = arith.constant 1 : index
    %get3A_22 = arith.constant 0 : index
    %get3A_23 = arith.constant 0 : index
    %get3A_24 = vector.load %arg1[%get3A_21, %get3A_22, %get3A_23] : memref<2x1280x128xf32, #tpu.memory_space<vmem>>, vector<1x1280x128xf32>
    %get3A_25 = vector.shape_cast %get3A_24 : vector<1x1280x128xf32> to vector<1280x128xf32>
    %get3A_26 = arith.constant 1 : index
    %get3A_27 = arith.constant 0 : index
    %get3A_28 = arith.constant 0 : index
    %get3A_29 = vector.load %arg2[%get3A_26, %get3A_27, %get3A_28] : memref<2x1280x128xf32, #tpu.memory_space<vmem>>, vector<1x1280x128xf32>
    %get3A_30 = vector.shape_cast %get3A_29 : vector<1x1280x128xf32> to vector<1280x128xf32>
    %add3A_31 = arith.addf %get3A_25, %get3A_30 : vector<1280x128xf32>
    %concatenate3A = tpu.concatenate %add3A_20, %add3A_31 in 1 : vector<1280x128xf32>, vector<1280x128xf32> -> vector<1280x256xf32>
    %mul3A = vector.broadcast %div3A_9 : vector<1280x1xf32> to vector<1280x256xf32>
    %mul3A_32 = arith.mulf %mul3A, %concatenate3A : vector<1280x256xf32>
    %get3A_33 = arith.constant 0 : index
    %get3A_34 = arith.constant 0 : index
    %get3A_35 = vector.load %arg5[%get3A_33, %get3A_34] : memref<1x256xf32, #tpu.memory_space<vmem>>, vector<1x256xf32>
    %add3A_36 = vector.broadcast %get3A_35 : vector<1x256xf32> to vector<1280x256xf32>
    %add3A_37 = arith.addf %mul3A_32, %add3A_36 : vector<1280x256xf32>
    %max3A = arith.constant 0.000000e+00 : f32
    %max3A_38 = vector.broadcast %max3A : f32 to vector<1280x256xf32>
    %max3A_39 = arith.maximumf %add3A_37, %max3A_38 : vector<1280x256xf32>
    %get3A_40 = arith.constant 0 : index
    %get3A_41 = arith.constant 0 : index
    %get3A_42 = vector.load %arg6[%get3A_40, %get3A_41] : memref<256x256xf32, #tpu.memory_space<vmem>>, vector<256x256xf32>
    %dot_general3A = arith.constant dense<0.000000e+00> : vector<1280x256xf32>
    %dot_general3A_43 = tpu.matmul %max3A_39, %get3A_42, %dot_general3A {dimension_numbers = #tpu.dot_dimension_numbers<[1], [0], [0], [1], [0, 0, 1, 1], [], []>, precision = #tpu.contract_precision<fp32>, transpose_lhs_hint = false} : vector<1280x256xf32>, vector<256x256xf32>, vector<1280x256xf32> -> vector<1280x256xf32>
    %mul3A_44 = vector.broadcast %div3A_9 : vector<1280x1xf32> to vector<1280x256xf32>
    %mul3A_45 = arith.mulf %dot_general3A_43, %mul3A_44 : vector<1280x256xf32>
    %slice3A = vector.extract_strided_slice %mul3A_45 {offsets = [0, 0], sizes = [1280, 128], strides = [1, 1]} : vector<1280x256xf32> to vector<1280x128xf32>
    %swap3A = arith.constant 0 : index
    %swap3A_46 = arith.constant 0 : index
    %swap3A_47 = arith.constant 0 : index
    %swap3A_48 = vector.load %arg7[%swap3A, %swap3A_46, %swap3A_47] : memref<2x1280x128xf32, #tpu.memory_space<vmem>>, vector<1x1280x128xf32>
    %swap3A_49 = vector.shape_cast %swap3A_48 : vector<1x1280x128xf32> to vector<1280x128xf32>
    %swap3A_50 = vector.shape_cast %slice3A : vector<1280x128xf32> to vector<1x1280x128xf32>
    tpu.vector_store %arg7[%swap3A, %swap3A_46, %swap3A_47], %swap3A_50 {strides = array<i32>} : memref<2x1280x128xf32, #tpu.memory_space<vmem>>, vector<1x1280x128xf32>,
    %slice3A_51 = vector.extract_strided_slice %mul3A_45 {offsets = [0, 128], sizes = [1280, 128], strides = [1, 1]} : vector<1280x256xf32> to vector<1280x128xf32>
    %swap3A_52 = arith.constant 1 : index
    %swap3A_53 = arith.constant 0 : index
    %swap3A_54 = arith.constant 0 : index
    %swap3A_55 = vector.load %arg7[%swap3A_52, %swap3A_53, %swap3A_54] : memref<2x1280x128xf32, #tpu.memory_space<vmem>>, vector<1x1280x128xf32>
    %swap3A_56 = vector.shape_cast %swap3A_55 : vector<1x1280x128xf32> to vector<1280x128xf32>
    %swap3A_57 = vector.shape_cast %slice3A_51 : vector<1280x128xf32> to vector<1x1280x128xf32>
    tpu.vector_store %arg7[%swap3A_52, %swap3A_53, %swap3A_54], %swap3A_57 {strides = array<i32>} : memref<2x1280x128xf32, #tpu.memory_space<vmem>>, vector<1x1280x128xf32>,
    return
  }
  func.func @transform_0(%arg0: i32) -> (i32, i32, i32) {
    %c0_i32 = arith.constant 0 : i32
    %c0_i32_0 = arith.constant 0 : i32
    %c0_i32_1 = arith.constant 0 : i32
    return %c0_i32, %arg0, %c0_i32_0 : i32, i32, i32
  }
  func.func @transform_1(%arg0: i32) -> (i32, i32, i32) {
    %c0_i32 = arith.constant 0 : i32
    %c0_i32_0 = arith.constant 0 : i32
    %c0_i32_1 = arith.constant 0 : i32
    return %c0_i32, %arg0, %c0_i32_0 : i32, i32, i32
  }
  func.func @transform_2(%arg0: i32) -> (i32, i32) {
    %c0_i32 = arith.constant 0 : i32
    %c0_i32_0 = arith.constant 0 : i32
    return %arg0, %c0_i32 : i32, i32
  }
  func.func @transform_3(%arg0: i32) -> (i32, i32) {
    %c0_i32 = arith.constant 0 : i32
    %c0_i32_0 = arith.constant 0 : i32
    return %arg0, %c0_i32 : i32, i32
  }
  func.func @transform_4(%arg0: i32) -> (i32, i32) {
    %c0_i32 = arith.constant 0 : i32
    %c0_i32_0 = arith.constant 0 : i32
    %c0_i32_1 = arith.constant 0 : i32
    return %c0_i32, %c0_i32_0 : i32, i32
  }
  func.func @transform_5(%arg0: i32) -> (i32, i32) {
    %c0_i32 = arith.constant 0 : i32
    %c0_i32_0 = arith.constant 0 : i32
    %c0_i32_1 = arith.constant 0 : i32
    return %c0_i32, %c0_i32_0 : i32, i32
  }
  func.func @transform_6(%arg0: i32) -> (i32, i32, i32) {
    %c0_i32 = arith.constant 0 : i32
    %c0_i32_0 = arith.constant 0 : i32
    %c0_i32_1 = arith.constant 0 : i32
    return %c0_i32, %arg0, %c0_i32_0 : i32, i32, i32
  }
}

module attributes {stable_mosaic.version = 14 : i64} {
  func.func @_pool_body(%arg0: i32, %arg1: memref<2x1280x128xf32, #tpu.memory_space<vmem>>, %arg2: memref<2x1280x128xf32, #tpu.memory_space<vmem>>, %arg3: memref<1280x1xf32, #tpu.memory_space<vmem>>, %arg4: memref<1280x1xf32, #tpu.memory_space<vmem>>, %arg5: memref<1x256xf32, #tpu.memory_space<vmem>>, %arg6: memref<1280x1xf32, #tpu.memory_space<vmem>>, %arg7: memref<128x256xf32, #tpu.memory_space<vmem>>, %arg8: memref<128x1xf32, #tpu.memory_space<vmem>>) attributes {dimension_semantics = [#tpu.dimension_semantics<arbitrary>], iteration_bounds = array<i64: 8>, scalar_prefetch = 0 : i64, scratch_operands = 0 : i64, tpu.core_type = #tpu.core_type<tc>, window_params = [{transform_indices = @transform_0, window_bounds = array<i64: 2, 1280, 128>}, {transform_indices = @transform_1, window_bounds = array<i64: 2, 1280, 128>}, {transform_indices = @transform_2, window_bounds = array<i64: 1280, 1>}, {transform_indices = @transform_3, window_bounds = array<i64: 1280, 1>}, {pipeline_mode = #tpu.pipeline_mode<synchronous>, transform_indices = @transform_4, window_bounds = array<i64: 1, 256>}, {transform_indices = @transform_5, window_bounds = array<i64: 1280, 1>}, {pipeline_mode = #tpu.pipeline_mode<synchronous>, transform_indices = @transform_6, window_bounds = array<i64: 128, 256>}, {pipeline_mode = #tpu.pipeline_mode<synchronous>, transform_indices = @transform_7, window_bounds = array<i64: 128, 1>}]} {
    %get3A = arith.constant 0 : index
    %get3A_0 = arith.constant 0 : index
    %get3A_1 = vector.load %arg3[%get3A, %get3A_0] : memref<1280x1xf32, #tpu.memory_space<vmem>>, vector<1280x1xf32>
    %get3A_2 = arith.constant 0 : index
    %get3A_3 = arith.constant 0 : index
    %get3A_4 = vector.load %arg4[%get3A_2, %get3A_3] : memref<1280x1xf32, #tpu.memory_space<vmem>>, vector<1280x1xf32>
    %add3A = arith.addf %get3A_1, %get3A_4 : vector<1280x1xf32>
    %add3A_5 = arith.constant 1.000000e+00 : f32
    %add3A_6 = vector.broadcast %add3A_5 : f32 to vector<1280x1xf32>
    %add3A_7 = arith.addf %add3A, %add3A_6 : vector<1280x1xf32>
    %sqrt3A = math.sqrt %add3A_7 : vector<1280x1xf32>
    %div3A = arith.constant 1.000000e+00 : f32
    %div3A_8 = vector.broadcast %div3A : f32 to vector<1280x1xf32>
    %div3A_9 = arith.divf %div3A_8, %sqrt3A : vector<1280x1xf32>
    %get3A_10 = arith.constant 0 : index
    %get3A_11 = arith.constant 0 : index
    %get3A_12 = arith.constant 0 : index
    %get3A_13 = vector.load %arg1[%get3A_10, %get3A_11, %get3A_12] : memref<2x1280x128xf32, #tpu.memory_space<vmem>>, vector<1x1280x128xf32>
    %get3A_14 = vector.shape_cast %get3A_13 : vector<1x1280x128xf32> to vector<1280x128xf32>
    %get3A_15 = arith.constant 0 : index
    %get3A_16 = arith.constant 0 : index
    %get3A_17 = arith.constant 0 : index
    %get3A_18 = vector.load %arg2[%get3A_15, %get3A_16, %get3A_17] : memref<2x1280x128xf32, #tpu.memory_space<vmem>>, vector<1x1280x128xf32>
    %get3A_19 = vector.shape_cast %get3A_18 : vector<1x1280x128xf32> to vector<1280x128xf32>
    %add3A_20 = arith.addf %get3A_14, %get3A_19 : vector<1280x128xf32>
    %get3A_21 = arith.constant 1 : index
    %get3A_22 = arith.constant 0 : index
    %get3A_23 = arith.constant 0 : index
    %get3A_24 = vector.load %arg1[%get3A_21, %get3A_22, %get3A_23] : memref<2x1280x128xf32, #tpu.memory_space<vmem>>, vector<1x1280x128xf32>
    %get3A_25 = vector.shape_cast %get3A_24 : vector<1x1280x128xf32> to vector<1280x128xf32>
    %get3A_26 = arith.constant 1 : index
    %get3A_27 = arith.constant 0 : index
    %get3A_28 = arith.constant 0 : index
    %get3A_29 = vector.load %arg2[%get3A_26, %get3A_27, %get3A_28] : memref<2x1280x128xf32, #tpu.memory_space<vmem>>, vector<1x1280x128xf32>
    %get3A_30 = vector.shape_cast %get3A_29 : vector<1x1280x128xf32> to vector<1280x128xf32>
    %add3A_31 = arith.addf %get3A_25, %get3A_30 : vector<1280x128xf32>
    %concatenate3A = tpu.concatenate %add3A_20, %add3A_31 in 1 : vector<1280x128xf32>, vector<1280x128xf32> -> vector<1280x256xf32>
    %mul3A = vector.broadcast %div3A_9 : vector<1280x1xf32> to vector<1280x256xf32>
    %mul3A_32 = arith.mulf %mul3A, %concatenate3A : vector<1280x256xf32>
    %get3A_33 = arith.constant 0 : index
    %get3A_34 = arith.constant 0 : index
    %get3A_35 = vector.load %arg5[%get3A_33, %get3A_34] : memref<1x256xf32, #tpu.memory_space<vmem>>, vector<1x256xf32>
    %add3A_36 = vector.broadcast %get3A_35 : vector<1x256xf32> to vector<1280x256xf32>
    %add3A_37 = arith.addf %mul3A_32, %add3A_36 : vector<1280x256xf32>
    %max3A = arith.constant 0.000000e+00 : f32
    %max3A_38 = vector.broadcast %max3A : f32 to vector<1280x256xf32>
    %max3A_39 = arith.maximumf %add3A_37, %max3A_38 : vector<1280x256xf32>
    %iota3A = tpu.iota {dimensions = array<i32: 1>} : vector<1x128xi32>
    %convert_element_type3A = arith.sitofp %iota3A : vector<1x128xi32> to vector<1x128xf32>
    %get3A_40 = arith.constant 0 : index
    %get3A_41 = arith.constant 0 : index
    %get3A_42 = vector.load %arg6[%get3A_40, %get3A_41] : memref<1280x1xf32, #tpu.memory_space<vmem>>, vector<1280x1xf32>
    %eq3A = vector.broadcast %get3A_42 : vector<1280x1xf32> to vector<1280x128xf32>
    %eq3A_43 = vector.broadcast %convert_element_type3A : vector<1x128xf32> to vector<1280x128xf32>
    %eq3A_44 = arith.cmpf oeq, %eq3A, %eq3A_43 : vector<1280x128xf32>
    %convert_element_type3A_45 = arith.extui %eq3A_44 : vector<1280x128xi1> to vector<1280x128xi32>
    %convert_element_type3A_46 = arith.sitofp %convert_element_type3A_45 : vector<1280x128xi32> to vector<1280x128xf32>
    %eq3A_47 = arith.constant 0 : i32
    %eq3A_48 = arith.cmpi eq, %arg0, %eq3A_47 : i32
    %convert_element_type3A_49 = arith.extui %eq3A_48 : i1 to i32
    %cond3A = arith.constant 0 : i32
    %cond3A_50 = arith.cmpi ne, %convert_element_type3A_49, %cond3A : i32
    scf.if %cond3A_50 {
      %broadcast_in_dim3A_68 = arith.constant 0.000000e+00 : f32
      %broadcast_in_dim3A_69 = vector.broadcast %broadcast_in_dim3A_68 : f32 to vector<128x256xf32>
      %swap3A_70 = arith.constant 0 : index
      %swap3A_71 = arith.constant 0 : index
      %swap3A_72 = vector.load %arg7[%swap3A_70, %swap3A_71] : memref<128x256xf32, #tpu.memory_space<vmem>>, vector<128x256xf32>
      tpu.vector_store %arg7[%swap3A_70, %swap3A_71], %broadcast_in_dim3A_69 {strides = array<i32>} : memref<128x256xf32, #tpu.memory_space<vmem>>, vector<128x256xf32>,
      %broadcast_in_dim3A_73 = arith.constant 0.000000e+00 : f32
      %broadcast_in_dim3A_74 = vector.broadcast %broadcast_in_dim3A_73 : f32 to vector<128x1xf32>
      %swap3A_75 = arith.constant 0 : index
      %swap3A_76 = arith.constant 0 : index
      %swap3A_77 = vector.load %arg8[%swap3A_75, %swap3A_76] : memref<128x1xf32, #tpu.memory_space<vmem>>, vector<128x1xf32>
      tpu.vector_store %arg8[%swap3A_75, %swap3A_76], %broadcast_in_dim3A_74 {strides = array<i32>} : memref<128x1xf32, #tpu.memory_space<vmem>>, vector<128x1xf32>,
    } else {
    }
    %get3A_51 = arith.constant 0 : index
    %get3A_52 = arith.constant 0 : index
    %get3A_53 = vector.load %arg7[%get3A_51, %get3A_52] : memref<128x256xf32, #tpu.memory_space<vmem>>, vector<128x256xf32>
    %dot_general3A = arith.constant dense<0.000000e+00> : vector<128x256xf32>
    %dot_general3A_54 = tpu.matmul %convert_element_type3A_46, %max3A_39, %dot_general3A {dimension_numbers = #tpu.dot_dimension_numbers<[0], [0], [1], [1], [0, 1, 1, 1], [], []>, precision = #tpu.contract_precision<fp32>, transpose_lhs_hint = false} : vector<1280x128xf32>, vector<1280x256xf32>, vector<128x256xf32> -> vector<128x256xf32>
    %add3A_55 = arith.addf %get3A_53, %dot_general3A_54 : vector<128x256xf32>
    %swap3A = arith.constant 0 : index
    %swap3A_56 = arith.constant 0 : index
    %swap3A_57 = vector.load %arg7[%swap3A, %swap3A_56] : memref<128x256xf32, #tpu.memory_space<vmem>>, vector<128x256xf32>
    tpu.vector_store %arg7[%swap3A, %swap3A_56], %add3A_55 {strides = array<i32>} : memref<128x256xf32, #tpu.memory_space<vmem>>, vector<128x256xf32>,
    %get3A_58 = arith.constant 0 : index
    %get3A_59 = arith.constant 0 : index
    %get3A_60 = vector.load %arg8[%get3A_58, %get3A_59] : memref<128x1xf32, #tpu.memory_space<vmem>>, vector<128x1xf32>
    %broadcast_in_dim3A = arith.constant 1.000000e+00 : f32
    %broadcast_in_dim3A_61 = vector.broadcast %broadcast_in_dim3A : f32 to vector<1280x1xf32>
    %dot_general3A_62 = arith.constant dense<0.000000e+00> : vector<128x1xf32>
    %dot_general3A_63 = tpu.matmul %convert_element_type3A_46, %broadcast_in_dim3A_61, %dot_general3A_62 {dimension_numbers = #tpu.dot_dimension_numbers<[0], [0], [1], [1], [0, 1, 1, 1], [], []>, precision = #tpu.contract_precision<fp32>, transpose_lhs_hint = false} : vector<1280x128xf32>, vector<1280x1xf32>, vector<128x1xf32> -> vector<128x1xf32>
    %add3A_64 = arith.addf %get3A_60, %dot_general3A_63 : vector<128x1xf32>
    %swap3A_65 = arith.constant 0 : index
    %swap3A_66 = arith.constant 0 : index
    %swap3A_67 = vector.load %arg8[%swap3A_65, %swap3A_66] : memref<128x1xf32, #tpu.memory_space<vmem>>, vector<128x1xf32>
    tpu.vector_store %arg8[%swap3A_65, %swap3A_66], %add3A_64 {strides = array<i32>} : memref<128x1xf32, #tpu.memory_space<vmem>>, vector<128x1xf32>,
    return
  }
  func.func @transform_0(%arg0: i32) -> (i32, i32, i32) {
    %c0_i32 = arith.constant 0 : i32
    %c0_i32_0 = arith.constant 0 : i32
    %c0_i32_1 = arith.constant 0 : i32
    return %c0_i32, %arg0, %c0_i32_0 : i32, i32, i32
  }
  func.func @transform_1(%arg0: i32) -> (i32, i32, i32) {
    %c0_i32 = arith.constant 0 : i32
    %c0_i32_0 = arith.constant 0 : i32
    %c0_i32_1 = arith.constant 0 : i32
    return %c0_i32, %arg0, %c0_i32_0 : i32, i32, i32
  }
  func.func @transform_2(%arg0: i32) -> (i32, i32) {
    %c0_i32 = arith.constant 0 : i32
    %c0_i32_0 = arith.constant 0 : i32
    return %arg0, %c0_i32 : i32, i32
  }
  func.func @transform_3(%arg0: i32) -> (i32, i32) {
    %c0_i32 = arith.constant 0 : i32
    %c0_i32_0 = arith.constant 0 : i32
    return %arg0, %c0_i32 : i32, i32
  }
  func.func @transform_4(%arg0: i32) -> (i32, i32) {
    %c0_i32 = arith.constant 0 : i32
    %c0_i32_0 = arith.constant 0 : i32
    %c0_i32_1 = arith.constant 0 : i32
    return %c0_i32, %c0_i32_0 : i32, i32
  }
  func.func @transform_5(%arg0: i32) -> (i32, i32) {
    %c0_i32 = arith.constant 0 : i32
    %c0_i32_0 = arith.constant 0 : i32
    return %arg0, %c0_i32 : i32, i32
  }
  func.func @transform_6(%arg0: i32) -> (i32, i32) {
    %c0_i32 = arith.constant 0 : i32
    %c0_i32_0 = arith.constant 0 : i32
    %c0_i32_1 = arith.constant 0 : i32
    return %c0_i32, %c0_i32_0 : i32, i32
  }
  func.func @transform_7(%arg0: i32) -> (i32, i32) {
    %c0_i32 = arith.constant 0 : i32
    %c0_i32_0 = arith.constant 0 : i32
    %c0_i32_1 = arith.constant 0 : i32
    return %c0_i32, %c0_i32_0 : i32, i32
  }
}

module attributes {stable_mosaic.version = 14 : i64} {
  func.func @_cls_body(%arg0: i32, %arg1: memref<128x256xf32, #tpu.memory_space<vmem>>, %arg2: memref<128x1xf32, #tpu.memory_space<vmem>>, %arg3: memref<256x512xf32, #tpu.memory_space<vmem>>, %arg4: memref<1x512xf32, #tpu.memory_space<vmem>>, %arg5: memref<128x512xf32, #tpu.memory_space<vmem>>) attributes {dimension_semantics = [#tpu.dimension_semantics<arbitrary>], iteration_bounds = array<i64: 61>, scalar_prefetch = 0 : i64, scratch_operands = 0 : i64, tpu.core_type = #tpu.core_type<tc>, window_params = [{pipeline_mode = #tpu.pipeline_mode<synchronous>, transform_indices = @transform_0, window_bounds = array<i64: 128, 256>}, {pipeline_mode = #tpu.pipeline_mode<synchronous>, transform_indices = @transform_1, window_bounds = array<i64: 128, 1>}, {transform_indices = @transform_2, window_bounds = array<i64: 256, 512>}, {transform_indices = @transform_3, window_bounds = array<i64: 1, 512>}, {transform_indices = @transform_4, window_bounds = array<i64: 128, 512>}]} {
    %get3A = arith.constant 0 : index
    %get3A_0 = arith.constant 0 : index
    %get3A_1 = vector.load %arg1[%get3A, %get3A_0] : memref<128x256xf32, #tpu.memory_space<vmem>>, vector<128x256xf32>
    %get3A_2 = arith.constant 0 : index
    %get3A_3 = arith.constant 0 : index
    %get3A_4 = vector.load %arg2[%get3A_2, %get3A_3] : memref<128x1xf32, #tpu.memory_space<vmem>>, vector<128x1xf32>
    %max3A = arith.constant 1.000000e+00 : f32
    %max3A_5 = vector.broadcast %max3A : f32 to vector<128x1xf32>
    %max3A_6 = arith.maximumf %get3A_4, %max3A_5 : vector<128x1xf32>
    %div3A = vector.broadcast %max3A_6 : vector<128x1xf32> to vector<128x256xf32>
    %div3A_7 = arith.divf %get3A_1, %div3A : vector<128x256xf32>
    %get3A_8 = arith.constant 0 : index
    %get3A_9 = arith.constant 0 : index
    %get3A_10 = vector.load %arg3[%get3A_8, %get3A_9] : memref<256x512xf32, #tpu.memory_space<vmem>>, vector<256x512xf32>
    %dot_general3A = arith.constant dense<0.000000e+00> : vector<128x512xf32>
    %dot_general3A_11 = tpu.matmul %div3A_7, %get3A_10, %dot_general3A {dimension_numbers = #tpu.dot_dimension_numbers<[1], [0], [0], [1], [0, 0, 1, 1], [], []>, precision = #tpu.contract_precision<fp32>, transpose_lhs_hint = false} : vector<128x256xf32>, vector<256x512xf32>, vector<128x512xf32> -> vector<128x512xf32>
    %get3A_12 = arith.constant 0 : index
    %get3A_13 = arith.constant 0 : index
    %get3A_14 = vector.load %arg4[%get3A_12, %get3A_13] : memref<1x512xf32, #tpu.memory_space<vmem>>, vector<1x512xf32>
    %add3A = vector.broadcast %get3A_14 : vector<1x512xf32> to vector<128x512xf32>
    %add3A_15 = arith.addf %dot_general3A_11, %add3A : vector<128x512xf32>
    %swap3A = arith.constant 0 : index
    %swap3A_16 = arith.constant 0 : index
    %swap3A_17 = vector.load %arg5[%swap3A, %swap3A_16] : memref<128x512xf32, #tpu.memory_space<vmem>>, vector<128x512xf32>
    tpu.vector_store %arg5[%swap3A, %swap3A_16], %add3A_15 {strides = array<i32>} : memref<128x512xf32, #tpu.memory_space<vmem>>, vector<128x512xf32>,
    return
  }
  func.func @transform_0(%arg0: i32) -> (i32, i32) {
    %c0_i32 = arith.constant 0 : i32
    %c0_i32_0 = arith.constant 0 : i32
    %c0_i32_1 = arith.constant 0 : i32
    return %c0_i32, %c0_i32_0 : i32, i32
  }
  func.func @transform_1(%arg0: i32) -> (i32, i32) {
    %c0_i32 = arith.constant 0 : i32
    %c0_i32_0 = arith.constant 0 : i32
    %c0_i32_1 = arith.constant 0 : i32
    return %c0_i32, %c0_i32_0 : i32, i32
  }
  func.func @transform_2(%arg0: i32) -> (i32, i32) {
    %c0_i32 = arith.constant 0 : i32
    %c0_i32_0 = arith.constant 0 : i32
    return %c0_i32, %arg0 : i32, i32
  }
  func.func @transform_3(%arg0: i32) -> (i32, i32) {
    %c0_i32 = arith.constant 0 : i32
    %c0_i32_0 = arith.constant 0 : i32
    return %c0_i32, %arg0 : i32, i32
  }
  func.func @transform_4(%arg0: i32) -> (i32, i32) {
    %c0_i32 = arith.constant 0 : i32
    %c0_i32_0 = arith.constant 0 : i32
    return %c0_i32, %arg0 : i32, i32
  }
}

</mosaic_0001>

<sc_bundles>
// kernel: kernel.12.cloned.1.call-start
scs
__scs_entry_jumppad:
0x0: {  	(pc) =	sbr.rel $0x88, $3  }
0x1: {  	(tag) =	ssettag $0x0;
	lr =	simm.s32 $0x1  }
0x2: {  	[smem:$0x3F97] =	sst lr;
	_ =	strace $0xD0000000  }
0x3: {  	_ = 	snop  }
0x4: {  	_ = 	snop  }
0x5: {  	_ = 	snop  }
0x6: {  	_ = 	snop  }
0x7: {  	_ = 	snop  }
__scs_overlays_trampoline_lowered:
0x8: {  	[smem:$0x3FA6] =	sst s0  }
0x9: {  	[smem:$0x3FA7] =	sst s1  }
0xa: {  	[smem:$0x3FA8] =	sst s2  }
0xb: {  	[smem:$0x3FA9] =	sst s3  }
0xc: {  	[smem:$0x3FAA] =	sst s4  }
0xd: {  	[smem:$0x3FAB] =	sst s5  }
0xe: {  	[smem:$0x3FAC] =	sst s6  }
0xf: {  	[smem:$0x3FAD] =	sst s7  }
0x10: {  	[smem:$0x3FAE] =	sst s8  }
0x11: {  	[smem:$0x3FAF] =	sst s9;
	s0 =	simm.s32 @!p0 $0x0  }
0x12: {  	s1 =	sld [smem:$0x3F95];
	s0 =	simm.s32 @p0 $0x1  }
0x13: {  	[smem:$0x3FB0] =	sst s0;
	s0 =	simm.s32 @!p1 $0x0  }
0x14: {  	s2 =	sld [smem:$0x3F94];
	s0 =	simm.s32 @p1 $0x1  }
0x15: {  	[smem:$0x3FB1] =	sst s0;
	s0 =	simm.s32 @!p2 $0x0  }
0x16: {  	s3 =	sld [smem:$0x3FDB];
	s0 =	simm.s32 @p2 $0x1  }
0x17: {  	s4 =	simm.s32 $0x1BF5;
	[smem:$0x3FB3] =	sst s0  }
0x18: {  	s0 =	sld [smem:$0x3F96];
	_ =	swait.ge [sflag:s4], $0x0  }
0x19: {  	s7 =	sld [smem:$0x3F97]  }
0x1a: {  	s8 =	sadd.s32 $0xFFFFE003, lr  }
0x1b: {  	s9 =	sadd.s32 $0xFFFFFEF7, lr;
	s5 =	simm.s32 $0xFFFFFFFF;
	p2 =	slt.u32 s8, $0xFFFFF086  }
0x1c: {  	p1 =	slt.u32 s9, $0xF7A;
	s5 =	simm.s32 @!p2 $0x0  }
0x1d: {  	s5 =	simm.s32 @p1 $0x1;
	p0 =	seq.s32 s7, s2  }
0x1e: {  	s7 =	smul.u32 @!p0 $0xF7A, s2;
	p2 =	seq.s32 @!p0 s5, $0x0  }
0x1f: {  	s9 =	smul.u32 $0xF7A, s1;
	s8 =	simm.s32 @!p0 $0x1BF5;
	p2 =	por !p2, p0  }
0x20: {  	[sflag:s8] =	ssyncset.s32 @!p0 $0xFFFFF086;
	s6 =	sadd.s32 @!p0 s3, s7;
	s7 =	simm.s32 @!p0 $0x108  }
0x21: {  	s3 =	sadd.s32 s3, s9;
	s6 =	sadd.s32 @!p0 $0x88, s6;
	s7 =	simm.s32 @p2 $0x1082  }
0x22: {  	[simem:s7], [sflag:s8] =	dma.local @!p0 [hbm:s6], $0xF7A  }
0x23: {  	s9 =	sor.u32 $0xD0000000, s2;
	s6 =	simm.s32 $0x108;
	_ =	swait.ge @!p0 [sflag:s8], $0x0  }
0x24: {  	s3 =	sadd.s32 $0x88, s3;
	s6 =	simm.s32 @!p1 $0x1082;
	[sflag:s4] =	ssyncset.s32 $0xFFFFF086  }
0x25: {  	[simem:s6], [sflag:s4] =	dma.local [hbm:s3], $0xF7A  }
0x26: {  	[smem:$0x3F97] =	sst s1;
	(tag) =	ssettag s2;
	_ =	strace s9  }
0x27: {  	s1 =	sld [smem:$0x3FA7]  }
0x28: {  	s2 =	sld [smem:$0x3FA8]  }
0x29: {  	s4 =	sld [smem:$0x3FAA]  }
0x2a: {  	p0 =	seq.s32 s5, $0x0;
	s5 =	sld [smem:$0x3FAB]  }
0x2b: {  	s6 =	sld [smem:$0x3FAC]  }
0x2c: {  	s7 =	sld [smem:$0x3FAD]  }
0x2d: {  	s3 =	simm.s32 $0x108;
	s8 =	sld [smem:$0x3FAE]  }
0x2e: {  	s3 =	simm.s32 @!p0 $0x1082;
	s9 =	sld [smem:$0x3FAF]  }
0x2f: {  	lr =	sadd.s32 s0, s3;
	s0 =	sld [smem:$0x3FA6]  }
0x30: {  	s3 =	sld [smem:$0x3FA9]  }
0x31: {  	[smem:$0x3FB2] =	sst s10  }
0x32: {  	s10 =	sld [smem:$0x3FB0];
	_ =	sdelay $0x3  }
0x33: {  	p0 =	seq.s32 s10, $0x1;
	s10 =	sld [smem:$0x3FB2];
	_ =	sdelay $0x3  }
0x34: {  	[smem:$0x3FB2] =	sst s10  }
0x35: {  	s10 =	sld [smem:$0x3FB1];
	_ =	sdelay $0x3  }
0x36: {  	p1 =	seq.s32 s10, $0x1;
	s10 =	sld [smem:$0x3FB2];
	_ =	sdelay $0x3  }
0x37: {  	[smem:$0x3FB2] =	sst s10  }
0x38: {  	s10 =	sld [smem:$0x3FB3]  }
0x39: {  	_ = 	snop;
	(pc) =	sbr.ind lr, $3  }
0x3a: {  	_ = 	snop  }
0x3b: {  	_ = 	snop  }
0x3c: {  	p2 =	seq.s32 s10, $0x1;
	s10 =	sld [smem:$0x3FB2]  }
0x3d: {  	_ =	shalt  }
0x3e: {  	_ =	shalt  }
0x3f: {  	_ =	shalt  }
0x40: {  	_ =	shalt  }
0x41: {  	_ =	shalt  }
0x42: {  	_ =	shalt  }
0x43: {  	_ =	shalt  }
0x44: {  	_ =	shalt  }
0x45: {  	_ =	shalt  }
0x46: {  	_ =	shalt  }
0x47: {  	_ =	shalt  }
0x48: {  	_ =	shalt  }
0x49: {  	_ =	shalt  }
0x4a: {  	_ =	shalt  }
0x4b: {  	_ =	shalt  }
0x4c: {  	_ =	shalt  }
0x4d: {  	_ =	shalt  }
0x4e: {  	_ =	shalt  }
0x4f: {  	_ =	shalt  }
0x50: {  	_ =	shalt  }
0x51: {  	_ =	shalt  }
0x52: {  	_ =	shalt  }
0x53: {  	_ =	shalt  }
0x54: {  	_ =	shalt  }
0x55: {  	_ =	shalt  }
0x56: {  	_ =	shalt  }
0x57: {  	_ =	shalt  }
0x58: {  	_ =	shalt  }
0x59: {  	_ =	shalt  }
0x5a: {  	_ =	shalt  }
0x5b: {  	_ =	shalt  }
0x5c: {  	_ =	shalt  }
0x5d: {  	_ =	shalt  }
0x5e: {  	_ =	shalt  }
0x5f: {  	_ =	shalt  }
0x60: {  	_ =	shalt  }
0x61: {  	_ =	shalt  }
0x62: {  	_ =	shalt  }
0x63: {  	_ =	shalt  }
0x64: {  	_ =	shalt  }
0x65: {  	_ =	shalt  }
0x66: {  	_ =	shalt  }
0x67: {  	_ =	shalt  }
0x68: {  	_ =	shalt  }
0x69: {  	_ =	shalt  }
0x6a: {  	_ =	shalt  }
0x6b: {  	_ =	shalt  }
0x6c: {  	_ =	shalt  }
0x6d: {  	_ =	shalt  }
0x6e: {  	_ =	shalt  }
0x6f: {  	_ =	shalt  }
0x70: {  	_ =	shalt  }
0x71: {  	_ =	shalt  }
0x72: {  	_ =	shalt  }
0x73: {  	_ =	shalt  }
0x74: {  	_ =	shalt  }
0x75: {  	_ =	shalt  }
0x76: {  	_ =	shalt  }
0x77: {  	_ =	shalt  }
0x78: {  	_ =	shalt  }
0x79: {  	_ =	shalt  }
0x7a: {  	_ =	shalt  }
0x7b: {  	_ =	shalt  }
0x7c: {  	_ =	shalt  }
0x7d: {  	_ =	shalt  }
0x7e: {  	_ =	shalt  }
0x7f: {  	_ =	shalt  }
0x80: {  	_ =	shalt  }
0x81: {  	_ =	shalt  }
0x82: {  	_ =	shalt  }
0x83: {  	_ =	shalt  }
0x84: {  	_ =	shalt  }
0x85: {  	_ =	shalt  }
0x86: {  	_ =	shalt  }
0x87: {  	_ =	shalt  }
.Lfunc_end0:
.L_simem_size_0:
called_computation.1_lowered:
.L_overlay_start_0:
0x88: {  	s2 =	sld [smem:$0x3FD9]  }
0x89: {  	s3 =	sld [smem:$0x3FFE];
	_ =	sdelay $0x1  }
0x8a: {  	s1 =	srdreg.scid  }
0x8b: {  	s0 =	sand.u32 $0x1, s1  }
0x8c: {  	s17 =	sshll.u32 s0, $0xA;
	s2 =	sadd.s32 s3, s2  }
0x8d: {  	s2 =	sadd.s32 s2, s17  }
0x8e: {  	[smem:$0x3FBE] =	sst s2  }
0x8f: {  	_ = 	snop  }
0x90: {  	s2 =	sld [smem:$0x3FD0];
	(tm) =	ssettm $0x1  }
0x91: {  	s18 =	sld [smem:$0x3FFB];
	_ =	sdelay $0x3  }
0x92: {  	_ =	strace s18  }
0x93: {  	s3 =	sld [smem:$0x3FFC];
	_ =	sdelay $0x3  }
0x94: {  	_ =	strace s3  }
0x95: {  	s3 =	sld [smem:$0x3FFD];
	_ =	sdelay $0x3  }
0x96: {  	_ =	strace s3  }
0x97: {  	_ =	strace $0x8FFFFFFF  }
0x98: {  	s19 =	sld [smem:$0x3FDB];
	_ =	sdelay $0x1  }
0x99: {  	s4 =	simm.s32 $_scs_section_size  }
0x9a: {  	s5 =	simm.s32 $_size__tile_overlayer_lowered;
	s6 =	simm.s32 $_tile_overlayer_lowered  }
0x9b: {  	s22 =	simm.s32 $0x1BFF;
	s21 =	sshll.u32 s6, $0x1;
	s3 =	sadd.s32 s4, s19  }
0x9c: {  	s7 =	simm.s32 $0x0;
	s20 =	sshll.u32 s5, $0x1;
	s5 =	sadd.s32 s21, s3  }
0x9d: {  	[timem:s7], [sflag:s22] =	dma.local [hbm:s5], s20  }
0x9e: {  	_ =	swait.ge [sflag:s22], s20  }
0x9f: {  	s4 =	ssub.s32 $0x0, s20;
	[sflag:s22] =	ssyncset.done $0x0  }
0xa0: {  	[sflag:s22] =	ssyncadd.s32 s4;
	_ =	sdelay $0x1  }
0xa1: {  	s23 =	simm.s32 $0x1B8B  }
0xa2: {  	_ =	swait.ge [sflag:s23], $0x1  }
0xa3: {  	[sflag:s23] =	ssyncset.done $0x0  }
0xa4: {  	s25 =	simm.s32 $0x1B8E;
	s24 =	sld [smem:$0x3FFE];
	[sflag:s23] =	ssyncadd.s32 $0xFFFFFFFF  }
0xa5: {  	s26 =	simm.s32 $execute0_lowered;
	[smem:$0x3FD2] =	sst s25  }
0xa6: {  	s5 =	sshll.u32 s26, $0x1;
	_ =	strace $0x80000049;
	[dreg:$0x1] =	wrdreg $0xFFFFFFFF  }
0xa7: {  	s28 =	simm.s32 $_size_execute0_lowered;
	s3 =	sadd.s32 s3, s5;
	[dreg:$0x0] =	wrdreg $0x0  }
0xa8: {  	s5 =	sshll.u32 s28, $0x1;
	[dreg:$0x2] =	wrdreg s3  }
0xa9: {  	[dreg:$0x3] =	wrdreg s5  }
0xaa: {  	[dreg:$0x4] =	wrdreg $0xC0  }
0xab: {  	_ =	task [dreg:s7], $0x5FFFF  }
0xac: {  	[dreg:$0x1] =	wrdreg $0xFFFFFFFF  }
0xad: {  	[dreg:$0x0] =	wrdreg $0x60  }
0xae: {  	[dreg:$0x2] =	wrdreg s2  }
0xaf: {  	[dreg:$0x3] =	wrdreg s24  }
0xb0: {  	[dreg:$0x4] =	wrdreg $0x90000  }
0xb1: {  	[dreg:$0x5] =	wrdreg $0x9  }
0xb2: {  	_ =	task.clear_ibuf [dreg:s7], $0x6FFFF;
	_ =	strace $0x90000049  }
0xb3: {  	s29 =	simm.s32 $0x9;
	_ =	strace $0x8000004B  }
0xb4: {  	_ =	swait.ge [sflag:s29], $0x1  }
0xb5: {  	[sflag:s29] =	ssyncadd.s32 $0xFFFFFFFF  }
0xb6: {  	_ =	strace $0x9000004B  }
0xb7: {  	_ =	sfence  }
0xb8: {  	s30 =	sld [smem:$0x0];
	_ =	sdelay $0x2  }
0xb9: {  	s31 =	sshll.u32 s1, $0xD;
	s1 =	sshrl.u32 s1, $0x2  }
0xba: {  	s3 =	sand.u32 $0x4000, s31;
	s1 =	sadd.s32 s1, s30  }
0xbb: {  	s0 =	sor.u32 s3, s0;
	s1 =	sshll.u32 s1, $0x11  }
0xbc: {  	s0 =	sor.u32 s1, s0  }
0xbd: {  	s0 =	sadd.s32 $0x8F2B, s0  }
0xbe: {  	[sflag:s0] =	ssyncadd.remote.s32 $0x1  }
0xbf: {  	_ =	sfence.sel $0xFFFF  }
0xc0: {  	[dreg:$0x0] =	wrdreg $0xFFFFFFFF;
	(pc) =	sbr.abs _section_cstart, $3  }
0xc1: {  	[dreg:$0x1] =	wrdreg $0xFFFFFFFF  }
0xc2: {  	_ =	task.clear_ibuf [dreg:s7], $0x2FFFF;
	_ =	strace $0x9FFFFFFF  }
0xc3: {  	(tm) =	ssettm $0x7FFFFFFF  }
tec
execute0_lowered:
.L_overlay_start_1:
0x0: {  	(tag) =	ssettag $0x1  }
0x1: {  	s0 =	rddreg [dreg:$0x0]  }
0x2: {  	s2 =	rddreg [dreg:$0x1]  }
0x3: {  	s1 =	rddreg [dreg:$0x2];
	s3 =	simm.s32 $0x0;
	s12 =	stileid.u32  }
0x4: {  	s5 =	srdreg.scid;
	s28 =	simm.s32 $0x800;
	s7 =	smul.u32 $0x50000, s12  }
0x5: {  	s29 =	simm.s32 $0x80;
	s31 =	simm.s32 $0x1;
	s10 =	smul.u32 $0xA00, s12  }
0x6: {  	[smem:$0x7FF] =	sst s3;
	s4 =	sadd.s32 $0x1C00, s2;
	s15 =	smul.u32 $0x280, s12  }
0x7: {  	s6 =	sand.u32 $0x1, s5;
	s5 =	sadd.s32 $0xBC00, s2;
	s23 =	smul.u32 $0x2800, s12  }
0x8: {  	_ =	strace $0x8000004A;
	s8 =	smul.u32 $0x28000, s6;
	s6 =	ssub.s32 $0x2, s6  }
0x9: {  	s9 =	sshrl.u32 s6, $0x1;
	s7 =	sshrl.u32 s7, $0x2;
	s13 =	sadd.s32 s4, s10  }
0xa: {  	s14 =	sadd.s32 s5, s10;
	s22 =	sadd.s32 $0x80, s15;
	s25 =	sadd.s32 $0x100, s15  }
0xb: {  	s30 =	sadd.s32 $0x180, s15;
	s2 =	sadd.s32 s8, s2;
	[dreg:$0x4] =	wrdreg s13  }
0xc: {  	s11 =	ssub.s32 s6, s9;
	s6 =	sadd.s32 s7, s1;
	[dreg:$0x5] =	wrdreg s14  }
0xd: {  	s9 =	smul.u32 $0x14, s12;
	s10 =	sadd.s32 s0, s8;
	s24 =	sshll.u32 s22, $0x7  }
0xe: {  	s7 =	sshll.u32 s22, $0x4;
	s26 =	sshll.u32 s25, $0x7;
	s17 =	smax.u32 s11, $0x1  }
0xf: {  	s0 =	sadd.s32 $0x200, s15;
	s18 =	sadd.s32 $0x4000, s6;
	[dreg:$0x6] =	wrdreg s17  }
0x10: {  	s12 =	sshll.u32 s25, $0x4;
	s19 =	sadd.s32 $0x8000, s6;
	[dreg:$0x7] =	wrdreg s18  }
0x11: {  	s25 =	simm.s32 $0x1000;
	s20 =	sadd.s32 $0xC000, s6;
	[dreg:$0x8] =	wrdreg s19  }
0x12: {  	s2 =	sadd.s32 $0x15C00, s2;
	s21 =	sadd.s32 $0x10000, s6;
	[dreg:$0x9] =	wrdreg s20  }
0x13: {  	s16 =	sadd.s32 s24, s1;
	s11 =	sshll.u32 s30, $0x4;
	[dreg:$0xa] =	wrdreg s21  }
.Ltmp0:
0x14: {  	s17 =	sadd.s32 s26, s1;
	s18 =	sshll.u32 s30, $0x7;
	(pc) =	sbr.rel .LBB2_1-.Ltmp0, $4  }
0x15: {  	s19 =	sshll.u32 s0, $0x7;
	s0 =	sshll.u32 s0, $0x4;
	s20 =	sadd.s32 s23, s2  }
0x16: {  	s21 =	sadd.s32 s7, s2;
	s22 =	sadd.s32 s12, s2;
	s23 =	sadd.s32 s11, s2  }
0x17: {  	s26 =	simm.s32 $0x3;
	s18 =	sadd.s32 s18, s1;
	s19 =	sadd.s32 s19, s1  }
0x18: {  	v0 =	vimm.f32 $0.0e+00;
	s24 =	sadd.s32 s0, s2;
	s0 =	simm.s32 $0x2;
	s2 =	simm.s32 $0x0  }
.LBB2_9:
0x19: {  	_ =	swait.ge [sflag:s0], $0x4000  }
0x1a: {  	[sflag:s0] =	ssyncset.done $0x0  }
0x1b: {  	[sflag:s0] =	ssyncadd.s32 $0xFFFFC000  }
0x1c: {  	[bflag:$0x0] =	sbarrier.arrive $0xFFFF  }
0x1d: {  	[tilespmem:s25], [sflag:$0x3] =	stream.linear.gather [spmem:s6], $0x4000, $0x38;
	[tilespmem:$0x1D000] =	vst v63  }
0x1e: {  	_ =	swait.ge [sflag:s26], $0x4000  }
0x1f: {  	[sflag:s26] =	ssyncset.done $0x0  }
0x20: {  	[sflag:s26] =	ssyncadd.s32 $0xFFFFC000  }
0x21: {  	[hbm4b:s20+s3] =	stream.linear.scatter [tilespmem:s25], [sflag:$0x3], $0x4000, $0x38;
	[tilespmem:$0x1D000] =	vst v63  }
0x22: {  	_ =	swait.ge [sflag:s26], $0x4000  }
0x23: {  	[sflag:s26] =	ssyncset.done $0x0  }
0x24: {  	[sflag:s26] =	ssyncadd.s32 $0xFFFFC000  }
0x25: {  	[tilespmem:s25], [sflag:$0x3] =	stream.linear.gather [spmem:s16], $0x4000, $0x38;
	[tilespmem:$0x1D000] =	vst v63  }
0x26: {  	_ =	swait.ge [sflag:s26], $0x4000  }
0x27: {  	[sflag:s26] =	ssyncset.done $0x0  }
0x28: {  	[sflag:s26] =	ssyncadd.s32 $0xFFFFC000  }
0x29: {  	[hbm4b:s21+s3] =	stream.linear.scatter [tilespmem:s25], [sflag:$0x3], $0x4000, $0x38;
	[tilespmem:$0x1D000] =	vst v63  }
0x2a: {  	_ =	swait.ge [sflag:s26], $0x4000  }
0x2b: {  	[sflag:s26] =	ssyncset.done $0x0  }
0x2c: {  	[sflag:s26] =	ssyncadd.s32 $0xFFFFC000  }
0x2d: {  	[tilespmem:s25], [sflag:$0x3] =	stream.linear.gather [spmem:s17], $0x4000, $0x38;
	[tilespmem:$0x1D000] =	vst v63  }
0x2e: {  	_ =	swait.ge [sflag:s26], $0x4000  }
0x2f: {  	[sflag:s26] =	ssyncset.done $0x0  }
0x30: {  	[sflag:s26] =	ssyncadd.s32 $0xFFFFC000  }
0x31: {  	[hbm4b:s22+s3] =	stream.linear.scatter [tilespmem:s25], [sflag:$0x3], $0x4000, $0x38;
	[tilespmem:$0x1D000] =	vst v63  }
0x32: {  	_ =	swait.ge [sflag:s26], $0x4000  }
0x33: {  	[sflag:s26] =	ssyncset.done $0x0  }
0x34: {  	[sflag:s26] =	ssyncadd.s32 $0xFFFFC000  }
0x35: {  	[tilespmem:s25], [sflag:$0x3] =	stream.linear.gather [spmem:s18], $0x4000, $0x38;
	[tilespmem:$0x1D000] =	vst v63  }
0x36: {  	_ =	swait.ge [sflag:s26], $0x4000  }
0x37: {  	[sflag:s26] =	ssyncset.done $0x0  }
0x38: {  	[sflag:s26] =	ssyncadd.s32 $0xFFFFC000  }
0x39: {  	[hbm4b:s23+s3] =	stream.linear.scatter [tilespmem:s25], [sflag:$0x3], $0x4000, $0x38;
	[tilespmem:$0x1D000] =	vst v63  }
0x3a: {  	_ =	swait.ge [sflag:s26], $0x4000  }
0x3b: {  	[sflag:s26] =	ssyncset.done $0x0  }
0x3c: {  	[sflag:s26] =	ssyncadd.s32 $0xFFFFC000  }
0x3d: {  	[tilespmem:s25], [sflag:$0x3] =	stream.linear.gather [spmem:s19], $0x4000, $0x38;
	[tilespmem:$0x1D000] =	vst v63  }
0x3e: {  	_ =	swait.ge [sflag:s26], $0x4000  }
0x3f: {  	[sflag:s26] =	ssyncset.done $0x0  }
0x40: {  	[sflag:s26] =	ssyncadd.s32 $0xFFFFC000  }
0x41: {  	[hbm4b:s24+s3] =	stream.linear.scatter [tilespmem:s25], [sflag:$0x3], $0x4000, $0x38;
	[tilespmem:$0x1D000] =	vst v63  }
0x42: {  	_ =	swait.ge [sflag:s26], $0x4000  }
0x43: {  	s2 =	sadd.s32 $0x1, s2;
	s7 =	rddreg [dreg:$0x6]  }
0x44: {  	p0 =	sne.s32 s2, s7  }
.Ltmp1:
0x45: {  	_ = 	snop;
	(pc) =	sbr.rel @!p0 .LBB2_10-.Ltmp1, $3  }
0x46: {  	_ =	sdelay $0x1  }
0x47: {  	[sflag:s26] =	ssyncset.done $0x0  }
0x48: {  	[sflag:s26] =	ssyncadd.s32 $0xFFFFC000  }
.LBB2_1:
0x49: {  	s7 =	sand.u32 $0xFE00, s3  }
0x4a: {  	s8 =	sand.u32 $0x70, s3;
	s11 =	sshrl.u32 s7, $0x2  }
0x4b: {  	s7 =	simm.s32 $0x40;
	s11 =	sor.u32 s8, s11;
	s8 =	simm.s32 $0x0  }
.LBB2_2:
0x4c: {  	p0 =	sne.s32 s7, $0xFFC0  }
0x4d: {  	[tilespmem:s11+$0x1000] =	vst v0;
	s8 =	sadd.s32 $0x10, s8;
	s11 =	smov.u32 s7;
	s7 =	sadd.s32 $0x40, s7  }
.Ltmp2:
0x4e: {  	(pc) =	sbr.rel @p0 .LBB2_2-.Ltmp2, $4  }
0x4f: {  	_ = 	snop  }
0x50: {  	s11 =	sand.u32 $0xFE00, s11  }
0x51: {  	s12 =	sand.u32 $0x70, s8;
	s11 =	sshrl.u32 s11, $0x2  }
0x52: {  	s11 =	sor.u32 s12, s11  }
0x53: {  	[tilespmem:s11+$0x1000] =	vst v0  }
0x54: {  	[spmem:s6] =	stream.linear.scatter [tilespmem:s25], [sflag:$0x3], $0x4000, $0x38;
	[tilespmem:$0x1D000] =	vst v63  }
0x55: {  	_ =	swait.ge [sflag:s26], $0x4000  }
0x56: {  	[sflag:s26] =	ssyncset.done $0x0  }
0x57: {  	s7 =	rddreg [dreg:$0x7];
	[sflag:s26] =	ssyncadd.s32 $0xFFFFC000  }
0x58: {  	[spmem:s7] =	stream.linear.scatter [tilespmem:s25], [sflag:$0x3], $0x4000, $0x38;
	[tilespmem:$0x1D000] =	vst v63  }
0x59: {  	_ =	swait.ge [sflag:s26], $0x4000  }
0x5a: {  	[sflag:s26] =	ssyncset.done $0x0  }
0x5b: {  	s8 =	rddreg [dreg:$0x8];
	[sflag:s26] =	ssyncadd.s32 $0xFFFFC000  }
0x5c: {  	[spmem:s8] =	stream.linear.scatter [tilespmem:s25], [sflag:$0x3], $0x4000, $0x38;
	[tilespmem:$0x1D000] =	vst v63  }
0x5d: {  	_ =	swait.ge [sflag:s26], $0x4000  }
0x5e: {  	[sflag:s26] =	ssyncset.done $0x0  }
0x5f: {  	s11 =	rddreg [dreg:$0x9];
	[sflag:s26] =	ssyncadd.s32 $0xFFFFC000  }
0x60: {  	[spmem:s11] =	stream.linear.scatter [tilespmem:s25], [sflag:$0x3], $0x4000, $0x38;
	[tilespmem:$0x1D000] =	vst v63  }
0x61: {  	_ =	swait.ge [sflag:s26], $0x4000  }
0x62: {  	[sflag:s26] =	ssyncset.done $0x0  }
0x63: {  	s12 =	rddreg [dreg:$0xa];
	[sflag:s26] =	ssyncadd.s32 $0xFFFFC000  }
0x64: {  	[spmem:s12] =	stream.linear.scatter [tilespmem:s25], [sflag:$0x3], $0x4000, $0x38;
	[tilespmem:$0x1D000] =	vst v63  }
0x65: {  	_ =	swait.ge [sflag:s26], $0x4000  }
0x66: {  	[sflag:s26] =	ssyncset.done $0x0  }
0x67: {  	[sflag:s26] =	ssyncadd.s32 $0xFFFFC000  }
0x68: {  	[bflag:$0x0] =	sbarrier.arrive $0xFFFF  }
0x69: {  	s13 =	rddreg [dreg:$0x4]  }
0x6a: {  	[tilespmem:s3], [sflag:$0x3] =	stream.linear.gather [hbm4b:s13+s3], $0x400, $0x38;
	[tilespmem:$0x1D000] =	vst v63  }
0x6b: {  	_ =	swait.ge [sflag:s26], $0x400  }
0x6c: {  	[sflag:s26] =	ssyncset.done $0x0  }
0x6d: {  	s14 =	rddreg [dreg:$0x5];
	[sflag:s26] =	ssyncadd.s32 $0xFFFFFC00  }
0x6e: {  	[tilespmem:s28], [sflag:$0x3] =	stream.linear.gather [hbm4b:s14+s3], $0x400, $0x38;
	[tilespmem:$0x1D000] =	vst v63  }
0x6f: {  	_ =	swait.ge [sflag:s26], $0x400  }
0x70: {  	[sflag:s26] =	ssyncset.done $0x0  }
0x71: {  	s30 =	simm.s32 $0x1;
	[sflag:s26] =	ssyncadd.s32 $0xFFFFFC00  }
0x72: {  	[tilespmem:s25], [sflag:$0x1] =	stream.indirect.gather [hbm4b:s10+s29], $0x80, s3, s29, $0xb8;
	[tilespmem:$0x1D000] =	vst v63  }
0x73: {  	_ =	swait.ge [sflag:s30], $0x4000  }
.Ltmp3:
0x74: {  	[sflag:s30] =	ssyncset.done $0x0;
	(pc) =	sbr.rel .LBB2_4-.Ltmp3, $4  }
0x75: {  	s15 =	simm.s32 $0x5000;
	[sflag:s30] =	ssyncadd.s32 $0xFFFFC000  }
0x76: {  	[tilespmem:s15], [sflag:$0x1] =	stream.indirect.gather [hbm4b:s10+s29], $0x80, s29, s29, $0xb8;
	[tilespmem:$0x1D000] =	vst v63  }
0x77: {  	s7 =	simm.s32 $0x400;
	s8 =	simm.s32 $0x20000  }
0x78: {  	[spmem:s1] =	stream.indirect.scatter.add.f32 [tilespmem:s25], [sflag:$0x2], $0x80, s28, s29, $0xb8;
	[tilespmem:$0x1D000] =	vst v63  }
.LBB2_5:
0x79: {  	s13 =	sshrl.u32 s30, $0x3  }
0x7a: {  	s13 =	sadd.s32 $0x1, s13  }
0x7b: {  	s14 =	sadd.s32 s9, s13  }
0x7c: {  	s13 =	sshll.u32 s13, $0xA;
	s14 =	sshll.u32 s14, $0x7  }
0x7d: {  	s13 =	sand.u32 $0x400, s13;
	s15 =	sadd.s32 s4, s14  }
0x7e: {  	[tilespmem:s13], [sflag:$0x3] =	stream.linear.gather [hbm4b:s15+s3], $0x400, $0x38;
	[tilespmem:$0x1D000] =	vst v63  }
0x7f: {  	_ =	swait.ge [sflag:s26], $0x400  }
0x80: {  	[sflag:s26] =	ssyncset.done $0x0  }
0x81: {  	s14 =	sadd.s32 s5, s14;
	s13 =	sor.u32 $0x800, s13;
	[sflag:s26] =	ssyncadd.s32 $0xFFFFFC00  }
0x82: {  	[tilespmem:s13], [sflag:$0x3] =	stream.linear.gather [hbm4b:s14+s3], $0x400, $0x38;
	[tilespmem:$0x1D000] =	vst v63  }
0x83: {  	_ =	swait.ge [sflag:s26], $0x400  }
0x84: {  	[sflag:s26] =	ssyncset.done $0x0  }
0x85: {  	[sflag:s26] =	ssyncadd.s32 $0xFFFFFC00  }
.LBB2_6:
0x86: {  	s13 =	sand.u32 $0x10000, s8;
	s14 =	sand.u32 $0x1E00, s7  }
0x87: {  	s15 =	sadd.s32 $0xFFFFFE00, s7;
	s7 =	sadd.s32 $0x200, s7;
	s13 =	sshrl.u32 s13, $0x2  }
0x88: {  	s14 =	sshrl.u32 s14, $0x2;
	p0 =	sne.s32 s7, $0x14200;
	s13 =	sor.u32 $0x1000, s13  }
0x89: {  	[tilespmem:s13], [sflag:$0x1] =	stream.indirect.gather [hbm4b:s10+s29], $0x80, s14, s29, $0xb8;
	[tilespmem:$0x1D000] =	vst v63  }
.Ltmp4:
0x8a: {  	s13 =	sand.u32 $0x1000, s15;
	(pc) =	sbr.rel @!p0 .LBB2_9-.Ltmp4, $4  }
0x8b: {  	s11 =	sshll.u32 s11, $0x7;
	s13 =	sshrl.u32 s13, $0x2  }
0x8c: {  	s11 =	sor.u32 s11, s13  }
0x8d: {  	s8 =	sadd.s32 $0x10000, s8;
	s30 =	sadd.s32 $0x1, s30;
	s11 =	sor.u32 $0x800, s11  }
0x8e: {  	[spmem:s1] =	stream.indirect.scatter.add.f32 [tilespmem:s12], [sflag:$0x2], $0x80, s11, s29, $0xb8;
	[tilespmem:$0x1D000] =	vst v63  }
.LBB2_4:
0x8f: {  	s11 =	sand.u32 $0x7, s30;
	p0 =	seq.s32 s7, $0x14000  }
0x90: {  	p1 =	sne.s32 @!p0 s11, $0x7  }
0x91: {  	_ =	swait.ge [sflag:s31], $0x4000;
	p0 =	por p0, p1  }
.Ltmp5:
0x92: {  	[sflag:s31] =	ssyncset.done $0x0;
	(pc) =	sbr.rel @!p0 .LBB2_5-.Ltmp5, $4  }
0x93: {  	s12 =	sadd.s32 $0xFFFF0000, s8;
	[sflag:s31] =	ssyncadd.s32 $0xFFFFC000  }
0x94: {  	s12 =	sand.u32 $0x10000, s12;
	_ =	swait.ge [sflag:s0], $0x4000  }
0x95: {  	s12 =	sshrl.u32 s12, $0x2;
	[sflag:s0] =	ssyncset.done $0x0  }
0x96: {  	s12 =	sor.u32 $0x1000, s12;
	[sflag:s0] =	ssyncadd.s32 $0xFFFFC000  }
0x97: {  	p0 =	sne.s32 s7, $0x14000  }
.Ltmp6:
0x98: {  	_ = 	snop;
	(pc) =	sbr.rel @p0 .LBB2_6-.Ltmp6, $1  }
0x99: {  	_ =	sdelay $0x3  }
.Ltmp7:
0x9a: {  	(pc) =	sbr.rel .LBB2_9-.Ltmp7, $3  }
0x9b: {  	_ =	sdelay $0x1  }
0x9c: {  	s7 =	simm.s32 $0xF80  }
0x9d: {  	[spmem:s1] =	stream.indirect.scatter.add.f32 [tilespmem:s12], [sflag:$0x2], $0x80, s7, s29, $0xb8;
	[tilespmem:$0x1D000] =	vst v63  }
.LBB2_10:
0x9e: {  	_ =	sfence.sel $0x180000  }
0x9f: {  	[bflag:$0x0] =	sbarrier.arrive $0xFFFF  }
0xa0: {  	_ =	strace $0x9000004A  }
0xa1: {  	s0 =	stileid.u32;
	[bflag:$0x2] =	sbarrier.arrive $0xFFFF  }
0xa2: {  	p0 =	sne.s32 s0, $0x0;
	s0 =	rddreg [dreg:$0x3]  }
0xa3: {  	s0 =	sadd.s32 @!p0 $0x100000, s0  }
0xa4: {  	[sflag:s0] =	ssyncadd.tile.s32 @!p0 $0x1;
	_ =	shalt  }
.Lfunc_end2:
_tile_overlayer_lowered:
.L_overlay_start_2:
0xa5: {  	(tag) =	ssettag $0x2  }
0xa6: {  	s0 =	rddreg [dreg:$0x0];
	s2 =	stileid.u32  }
0xa7: {  	s1 =	rddreg [dreg:$0x1];
	p0 =	sne.s32 s2, $0x0  }
0xa8: {  	s3 =	rddreg [dreg:$0x2];
	[bflag:$0x3] =	sbarrier.arrive $0xFFFF;
	s2 =	simm.s32 @!p0 $0x1C03  }
0xa9: {  	[timem:s3], [sflag:s2] =	dma.local @!p0 [hbm:s0], s1  }
0xaa: {  	s0 =	simm.s32 @!p0 $0x3  }
0xab: {  	_ =	swait.ge @!p0 [sflag:s0], s1  }
0xac: {  	s1 =	ssub.s32 @!p0 $0x0, s1;
	[sflag:s0] =	ssyncset.done @!p0 $0x0  }
0xad: {  	[sflag:s0] =	ssyncadd.s32 @!p0 s1  }
0xae: {  	[bflag:$0x3] =	sbarrier.arrive $0xFFFF  }
0xaf: {  	_ =	shalt  }

// kernel: kernel.15.cloned.1.call-start
scs
__scs_entry_jumppad:
0x0: {  	(pc) =	sbr.rel $0x88, $3  }
0x1: {  	(tag) =	ssettag $0x0;
	lr =	simm.s32 $0x1  }
0x2: {  	[smem:$0x3F97] =	sst lr;
	_ =	strace $0xD0000000  }
0x3: {  	_ = 	snop  }
0x4: {  	_ = 	snop  }
0x5: {  	_ = 	snop  }
0x6: {  	_ = 	snop  }
0x7: {  	_ = 	snop  }
__scs_overlays_trampoline_lowered:
0x8: {  	[smem:$0x3FA6] =	sst s0  }
0x9: {  	[smem:$0x3FA7] =	sst s1  }
0xa: {  	[smem:$0x3FA8] =	sst s2  }
0xb: {  	[smem:$0x3FA9] =	sst s3  }
0xc: {  	[smem:$0x3FAA] =	sst s4  }
0xd: {  	[smem:$0x3FAB] =	sst s5  }
0xe: {  	[smem:$0x3FAC] =	sst s6  }
0xf: {  	[smem:$0x3FAD] =	sst s7  }
0x10: {  	[smem:$0x3FAE] =	sst s8  }
0x11: {  	[smem:$0x3FAF] =	sst s9;
	s0 =	simm.s32 @!p0 $0x0  }
0x12: {  	s1 =	sld [smem:$0x3F95];
	s0 =	simm.s32 @p0 $0x1  }
0x13: {  	[smem:$0x3FB0] =	sst s0;
	s0 =	simm.s32 @!p1 $0x0  }
0x14: {  	s2 =	sld [smem:$0x3F94];
	s0 =	simm.s32 @p1 $0x1  }
0x15: {  	[smem:$0x3FB1] =	sst s0;
	s0 =	simm.s32 @!p2 $0x0  }
0x16: {  	s3 =	sld [smem:$0x3FDB];
	s0 =	simm.s32 @p2 $0x1  }
0x17: {  	s4 =	simm.s32 $0x1BF5;
	[smem:$0x3FB3] =	sst s0  }
0x18: {  	s0 =	sld [smem:$0x3F96];
	_ =	swait.ge [sflag:s4], $0x0  }
0x19: {  	s7 =	sld [smem:$0x3F97]  }
0x1a: {  	s8 =	sadd.s32 $0xFFFFE003, lr  }
0x1b: {  	s9 =	sadd.s32 $0xFFFFFEF7, lr;
	s5 =	simm.s32 $0xFFFFFFFF;
	p2 =	slt.u32 s8, $0xFFFFF086  }
0x1c: {  	p1 =	slt.u32 s9, $0xF7A;
	s5 =	simm.s32 @!p2 $0x0  }
0x1d: {  	s5 =	simm.s32 @p1 $0x1;
	p0 =	seq.s32 s7, s2  }
0x1e: {  	s7 =	smul.u32 @!p0 $0xF7A, s2;
	p2 =	seq.s32 @!p0 s5, $0x0  }
0x1f: {  	s9 =	smul.u32 $0xF7A, s1;
	s8 =	simm.s32 @!p0 $0x1BF5;
	p2 =	por !p2, p0  }
0x20: {  	[sflag:s8] =	ssyncset.s32 @!p0 $0xFFFFF086;
	s6 =	sadd.s32 @!p0 s3, s7;
	s7 =	simm.s32 @!p0 $0x108  }
0x21: {  	s3 =	sadd.s32 s3, s9;
	s6 =	sadd.s32 @!p0 $0x88, s6;
	s7 =	simm.s32 @p2 $0x1082  }
0x22: {  	[simem:s7], [sflag:s8] =	dma.local @!p0 [hbm:s6], $0xF7A  }
0x23: {  	s9 =	sor.u32 $0xD0000000, s2;
	s6 =	simm.s32 $0x108;
	_ =	swait.ge @!p0 [sflag:s8], $0x0  }
0x24: {  	s3 =	sadd.s32 $0x88, s3;
	s6 =	simm.s32 @!p1 $0x1082;
	[sflag:s4] =	ssyncset.s32 $0xFFFFF086  }
0x25: {  	[simem:s6], [sflag:s4] =	dma.local [hbm:s3], $0xF7A  }
0x26: {  	[smem:$0x3F97] =	sst s1;
	(tag) =	ssettag s2;
	_ =	strace s9  }
0x27: {  	s1 =	sld [smem:$0x3FA7]  }
0x28: {  	s2 =	sld [smem:$0x3FA8]  }
0x29: {  	s4 =	sld [smem:$0x3FAA]  }
0x2a: {  	p0 =	seq.s32 s5, $0x0;
	s5 =	sld [smem:$0x3FAB]  }
0x2b: {  	s6 =	sld [smem:$0x3FAC]  }
0x2c: {  	s7 =	sld [smem:$0x3FAD]  }
0x2d: {  	s3 =	simm.s32 $0x108;
	s8 =	sld [smem:$0x3FAE]  }
0x2e: {  	s3 =	simm.s32 @!p0 $0x1082;
	s9 =	sld [smem:$0x3FAF]  }
0x2f: {  	lr =	sadd.s32 s0, s3;
	s0 =	sld [smem:$0x3FA6]  }
0x30: {  	s3 =	sld [smem:$0x3FA9]  }
0x31: {  	[smem:$0x3FB2] =	sst s10  }
0x32: {  	s10 =	sld [smem:$0x3FB0];
	_ =	sdelay $0x3  }
0x33: {  	p0 =	seq.s32 s10, $0x1;
	s10 =	sld [smem:$0x3FB2];
	_ =	sdelay $0x3  }
0x34: {  	[smem:$0x3FB2] =	sst s10  }
0x35: {  	s10 =	sld [smem:$0x3FB1];
	_ =	sdelay $0x3  }
0x36: {  	p1 =	seq.s32 s10, $0x1;
	s10 =	sld [smem:$0x3FB2];
	_ =	sdelay $0x3  }
0x37: {  	[smem:$0x3FB2] =	sst s10  }
0x38: {  	s10 =	sld [smem:$0x3FB3]  }
0x39: {  	_ = 	snop;
	(pc) =	sbr.ind lr, $3  }
0x3a: {  	_ = 	snop  }
0x3b: {  	_ = 	snop  }
0x3c: {  	p2 =	seq.s32 s10, $0x1;
	s10 =	sld [smem:$0x3FB2]  }
0x3d: {  	_ =	shalt  }
0x3e: {  	_ =	shalt  }
0x3f: {  	_ =	shalt  }
0x40: {  	_ =	shalt  }
0x41: {  	_ =	shalt  }
0x42: {  	_ =	shalt  }
0x43: {  	_ =	shalt  }
0x44: {  	_ =	shalt  }
0x45: {  	_ =	shalt  }
0x46: {  	_ =	shalt  }
0x47: {  	_ =	shalt  }
0x48: {  	_ =	shalt  }
0x49: {  	_ =	shalt  }
0x4a: {  	_ =	shalt  }
0x4b: {  	_ =	shalt  }
0x4c: {  	_ =	shalt  }
0x4d: {  	_ =	shalt  }
0x4e: {  	_ =	shalt  }
0x4f: {  	_ =	shalt  }
0x50: {  	_ =	shalt  }
0x51: {  	_ =	shalt  }
0x52: {  	_ =	shalt  }
0x53: {  	_ =	shalt  }
0x54: {  	_ =	shalt  }
0x55: {  	_ =	shalt  }
0x56: {  	_ =	shalt  }
0x57: {  	_ =	shalt  }
0x58: {  	_ =	shalt  }
0x59: {  	_ =	shalt  }
0x5a: {  	_ =	shalt  }
0x5b: {  	_ =	shalt  }
0x5c: {  	_ =	shalt  }
0x5d: {  	_ =	shalt  }
0x5e: {  	_ =	shalt  }
0x5f: {  	_ =	shalt  }
0x60: {  	_ =	shalt  }
0x61: {  	_ =	shalt  }
0x62: {  	_ =	shalt  }
0x63: {  	_ =	shalt  }
0x64: {  	_ =	shalt  }
0x65: {  	_ =	shalt  }
0x66: {  	_ =	shalt  }
0x67: {  	_ =	shalt  }
0x68: {  	_ =	shalt  }
0x69: {  	_ =	shalt  }
0x6a: {  	_ =	shalt  }
0x6b: {  	_ =	shalt  }
0x6c: {  	_ =	shalt  }
0x6d: {  	_ =	shalt  }
0x6e: {  	_ =	shalt  }
0x6f: {  	_ =	shalt  }
0x70: {  	_ =	shalt  }
0x71: {  	_ =	shalt  }
0x72: {  	_ =	shalt  }
0x73: {  	_ =	shalt  }
0x74: {  	_ =	shalt  }
0x75: {  	_ =	shalt  }
0x76: {  	_ =	shalt  }
0x77: {  	_ =	shalt  }
0x78: {  	_ =	shalt  }
0x79: {  	_ =	shalt  }
0x7a: {  	_ =	shalt  }
0x7b: {  	_ =	shalt  }
0x7c: {  	_ =	shalt  }
0x7d: {  	_ =	shalt  }
0x7e: {  	_ =	shalt  }
0x7f: {  	_ =	shalt  }
0x80: {  	_ =	shalt  }
0x81: {  	_ =	shalt  }
0x82: {  	_ =	shalt  }
0x83: {  	_ =	shalt  }
0x84: {  	_ =	shalt  }
0x85: {  	_ =	shalt  }
0x86: {  	_ =	shalt  }
0x87: {  	_ =	shalt  }
.Lfunc_end0:
.L_simem_size_0:
called_computation.2_lowered:
.L_overlay_start_0:
0x88: {  	s2 =	sld [smem:$0x3FD9]  }
0x89: {  	s3 =	sld [smem:$0x3FFE];
	_ =	sdelay $0x1  }
0x8a: {  	s1 =	srdreg.scid  }
0x8b: {  	s0 =	sand.u32 $0x1, s1  }
0x8c: {  	s17 =	sshll.u32 s0, $0xA;
	s2 =	sadd.s32 s3, s2  }
0x8d: {  	s2 =	sadd.s32 s2, s17  }
0x8e: {  	[smem:$0x3FBE] =	sst s2  }
0x8f: {  	_ = 	snop  }
0x90: {  	s2 =	sld [smem:$0x3FD0];
	(tm) =	ssettm $0x1  }
0x91: {  	s18 =	sld [smem:$0x3FFB];
	_ =	sdelay $0x3  }
0x92: {  	_ =	strace s18  }
0x93: {  	s3 =	sld [smem:$0x3FFC];
	_ =	sdelay $0x3  }
0x94: {  	_ =	strace s3  }
0x95: {  	s3 =	sld [smem:$0x3FFD];
	_ =	sdelay $0x3  }
0x96: {  	_ =	strace s3  }
0x97: {  	_ =	strace $0x8FFFFFFF  }
0x98: {  	s19 =	sld [smem:$0x3FDB];
	_ =	sdelay $0x1  }
0x99: {  	s4 =	simm.s32 $_scs_section_size  }
0x9a: {  	s5 =	simm.s32 $_size__tile_overlayer_lowered;
	s6 =	simm.s32 $_tile_overlayer_lowered  }
0x9b: {  	s22 =	simm.s32 $0x1BFF;
	s21 =	sshll.u32 s6, $0x1;
	s3 =	sadd.s32 s4, s19  }
0x9c: {  	s7 =	simm.s32 $0x0;
	s20 =	sshll.u32 s5, $0x1;
	s5 =	sadd.s32 s21, s3  }
0x9d: {  	[timem:s7], [sflag:s22] =	dma.local [hbm:s5], s20  }
0x9e: {  	_ =	swait.ge [sflag:s22], s20  }
0x9f: {  	s4 =	ssub.s32 $0x0, s20;
	[sflag:s22] =	ssyncset.done $0x0  }
0xa0: {  	[sflag:s22] =	ssyncadd.s32 s4;
	_ =	sdelay $0x1  }
0xa1: {  	s23 =	simm.s32 $0x1B8B  }
0xa2: {  	_ =	swait.ge [sflag:s23], $0x1  }
0xa3: {  	[sflag:s23] =	ssyncset.done $0x0  }
0xa4: {  	s25 =	simm.s32 $0x1B8E;
	s24 =	sld [smem:$0x3FFE];
	[sflag:s23] =	ssyncadd.s32 $0xFFFFFFFF  }
0xa5: {  	s26 =	simm.s32 $execute0_lowered;
	[smem:$0x3FD2] =	sst s25  }
0xa6: {  	s5 =	sshll.u32 s26, $0x1;
	_ =	strace $0x8000004C;
	[dreg:$0x1] =	wrdreg $0xFFFFFFFF  }
0xa7: {  	s28 =	simm.s32 $_size_execute0_lowered;
	s3 =	sadd.s32 s3, s5;
	[dreg:$0x0] =	wrdreg $0x0  }
0xa8: {  	s5 =	sshll.u32 s28, $0x1;
	[dreg:$0x2] =	wrdreg s3  }
0xa9: {  	[dreg:$0x3] =	wrdreg s5  }
0xaa: {  	[dreg:$0x4] =	wrdreg $0xC0  }
0xab: {  	_ =	task [dreg:s7], $0x5FFFF  }
0xac: {  	[dreg:$0x1] =	wrdreg $0xFFFFFFFF  }
0xad: {  	[dreg:$0x0] =	wrdreg $0x60  }
0xae: {  	[dreg:$0x2] =	wrdreg s2  }
0xaf: {  	[dreg:$0x3] =	wrdreg s24  }
0xb0: {  	[dreg:$0x4] =	wrdreg $0x90000  }
0xb1: {  	[dreg:$0x5] =	wrdreg $0x9  }
0xb2: {  	_ =	task.clear_ibuf [dreg:s7], $0x6FFFF;
	_ =	strace $0x9000004C  }
0xb3: {  	s29 =	simm.s32 $0x9;
	_ =	strace $0x8000004E  }
0xb4: {  	_ =	swait.ge [sflag:s29], $0x1  }
0xb5: {  	[sflag:s29] =	ssyncadd.s32 $0xFFFFFFFF  }
0xb6: {  	_ =	strace $0x9000004E  }
0xb7: {  	_ =	sfence  }
0xb8: {  	s30 =	sld [smem:$0x0];
	_ =	sdelay $0x2  }
0xb9: {  	s31 =	sshll.u32 s1, $0xD;
	s1 =	sshrl.u32 s1, $0x2  }
0xba: {  	s3 =	sand.u32 $0x4000, s31;
	s1 =	sadd.s32 s1, s30  }
0xbb: {  	s0 =	sor.u32 s3, s0;
	s1 =	sshll.u32 s1, $0x11  }
0xbc: {  	s0 =	sor.u32 s1, s0  }
0xbd: {  	s0 =	sadd.s32 $0x8F2B, s0  }
0xbe: {  	[sflag:s0] =	ssyncadd.remote.s32 $0x1  }
0xbf: {  	_ =	sfence.sel $0xFFFF  }
0xc0: {  	[dreg:$0x0] =	wrdreg $0xFFFFFFFF;
	(pc) =	sbr.abs _section_cstart, $3  }
0xc1: {  	[dreg:$0x1] =	wrdreg $0xFFFFFFFF  }
0xc2: {  	_ =	task.clear_ibuf [dreg:s7], $0x2FFFF;
	_ =	strace $0x9FFFFFFF  }
0xc3: {  	(tm) =	ssettm $0x7FFFFFFF  }
tec
execute0_lowered:
.L_overlay_start_1:
0x0: {  	(tag) =	ssettag $0x1  }
0x1: {  	s0 =	rddreg [dreg:$0x0]  }
0x2: {  	s2 =	rddreg [dreg:$0x1]  }
0x3: {  	s1 =	rddreg [dreg:$0x2];
	s3 =	simm.s32 $0x0;
	s12 =	stileid.u32  }
0x4: {  	s5 =	srdreg.scid;
	s28 =	simm.s32 $0x800;
	s7 =	smul.u32 $0x50000, s12  }
0x5: {  	s29 =	simm.s32 $0x80;
	s31 =	simm.s32 $0x1;
	s10 =	smul.u32 $0xA00, s12  }
0x6: {  	[smem:$0x7FF] =	sst s3;
	s4 =	sadd.s32 $0x1C00, s2;
	s15 =	smul.u32 $0x280, s12  }
0x7: {  	s6 =	sand.u32 $0x1, s5;
	s5 =	sadd.s32 $0xBC00, s2;
	s23 =	smul.u32 $0x2800, s12  }
0x8: {  	_ =	strace $0x8000004D;
	s8 =	smul.u32 $0x28000, s6;
	s6 =	ssub.s32 $0x2, s6  }
0x9: {  	s9 =	sshrl.u32 s6, $0x1;
	s7 =	sshrl.u32 s7, $0x2;
	s13 =	sadd.s32 s4, s10  }
0xa: {  	s14 =	sadd.s32 s5, s10;
	s22 =	sadd.s32 $0x80, s15;
	s25 =	sadd.s32 $0x100, s15  }
0xb: {  	s30 =	sadd.s32 $0x180, s15;
	s2 =	sadd.s32 s8, s2;
	[dreg:$0x4] =	wrdreg s13  }
0xc: {  	s11 =	ssub.s32 s6, s9;
	s6 =	sadd.s32 s7, s1;
	[dreg:$0x5] =	wrdreg s14  }
0xd: {  	s9 =	smul.u32 $0x14, s12;
	s10 =	sadd.s32 s0, s8;
	s24 =	sshll.u32 s22, $0x7  }
0xe: {  	s7 =	sshll.u32 s22, $0x4;
	s26 =	sshll.u32 s25, $0x7;
	s17 =	smax.u32 s11, $0x1  }
0xf: {  	s0 =	sadd.s32 $0x200, s15;
	s18 =	sadd.s32 $0x4000, s6;
	[dreg:$0x6] =	wrdreg s17  }
0x10: {  	s12 =	sshll.u32 s25, $0x4;
	s19 =	sadd.s32 $0x8000, s6;
	[dreg:$0x7] =	wrdreg s18  }
0x11: {  	s25 =	simm.s32 $0x1000;
	s20 =	sadd.s32 $0xC000, s6;
	[dreg:$0x8] =	wrdreg s19  }
0x12: {  	s2 =	sadd.s32 $0x15C00, s2;
	s21 =	sadd.s32 $0x10000, s6;
	[dreg:$0x9] =	wrdreg s20  }
0x13: {  	s16 =	sadd.s32 s24, s1;
	s11 =	sshll.u32 s30, $0x4;
	[dreg:$0xa] =	wrdreg s21  }
.Ltmp0:
0x14: {  	s17 =	sadd.s32 s26, s1;
	s18 =	sshll.u32 s30, $0x7;
	(pc) =	sbr.rel .LBB2_1-.Ltmp0, $4  }
0x15: {  	s19 =	sshll.u32 s0, $0x7;
	s0 =	sshll.u32 s0, $0x4;
	s20 =	sadd.s32 s23, s2  }
0x16: {  	s21 =	sadd.s32 s7, s2;
	s22 =	sadd.s32 s12, s2;
	s23 =	sadd.s32 s11, s2  }
0x17: {  	s26 =	simm.s32 $0x3;
	s18 =	sadd.s32 s18, s1;
	s19 =	sadd.s32 s19, s1  }
0x18: {  	v0 =	vimm.f32 $0.0e+00;
	s24 =	sadd.s32 s0, s2;
	s0 =	simm.s32 $0x2;
	s2 =	simm.s32 $0x0  }
.LBB2_9:
0x19: {  	_ =	swait.ge [sflag:s0], $0x4000  }
0x1a: {  	[sflag:s0] =	ssyncset.done $0x0  }
0x1b: {  	[sflag:s0] =	ssyncadd.s32 $0xFFFFC000  }
0x1c: {  	[bflag:$0x0] =	sbarrier.arrive $0xFFFF  }
0x1d: {  	[tilespmem:s25], [sflag:$0x3] =	stream.linear.gather [spmem:s6], $0x4000, $0x38;
	[tilespmem:$0x1D000] =	vst v63  }
0x1e: {  	_ =	swait.ge [sflag:s26], $0x4000  }
0x1f: {  	[sflag:s26] =	ssyncset.done $0x0  }
0x20: {  	[sflag:s26] =	ssyncadd.s32 $0xFFFFC000  }
0x21: {  	[hbm4b:s20+s3] =	stream.linear.scatter [tilespmem:s25], [sflag:$0x3], $0x4000, $0x38;
	[tilespmem:$0x1D000] =	vst v63  }
0x22: {  	_ =	swait.ge [sflag:s26], $0x4000  }
0x23: {  	[sflag:s26] =	ssyncset.done $0x0  }
0x24: {  	[sflag:s26] =	ssyncadd.s32 $0xFFFFC000  }
0x25: {  	[tilespmem:s25], [sflag:$0x3] =	stream.linear.gather [spmem:s16], $0x4000, $0x38;
	[tilespmem:$0x1D000] =	vst v63  }
0x26: {  	_ =	swait.ge [sflag:s26], $0x4000  }
0x27: {  	[sflag:s26] =	ssyncset.done $0x0  }
0x28: {  	[sflag:s26] =	ssyncadd.s32 $0xFFFFC000  }
0x29: {  	[hbm4b:s21+s3] =	stream.linear.scatter [tilespmem:s25], [sflag:$0x3], $0x4000, $0x38;
	[tilespmem:$0x1D000] =	vst v63  }
0x2a: {  	_ =	swait.ge [sflag:s26], $0x4000  }
0x2b: {  	[sflag:s26] =	ssyncset.done $0x0  }
0x2c: {  	[sflag:s26] =	ssyncadd.s32 $0xFFFFC000  }
0x2d: {  	[tilespmem:s25], [sflag:$0x3] =	stream.linear.gather [spmem:s17], $0x4000, $0x38;
	[tilespmem:$0x1D000] =	vst v63  }
0x2e: {  	_ =	swait.ge [sflag:s26], $0x4000  }
0x2f: {  	[sflag:s26] =	ssyncset.done $0x0  }
0x30: {  	[sflag:s26] =	ssyncadd.s32 $0xFFFFC000  }
0x31: {  	[hbm4b:s22+s3] =	stream.linear.scatter [tilespmem:s25], [sflag:$0x3], $0x4000, $0x38;
	[tilespmem:$0x1D000] =	vst v63  }
0x32: {  	_ =	swait.ge [sflag:s26], $0x4000  }
0x33: {  	[sflag:s26] =	ssyncset.done $0x0  }
0x34: {  	[sflag:s26] =	ssyncadd.s32 $0xFFFFC000  }
0x35: {  	[tilespmem:s25], [sflag:$0x3] =	stream.linear.gather [spmem:s18], $0x4000, $0x38;
	[tilespmem:$0x1D000] =	vst v63  }
0x36: {  	_ =	swait.ge [sflag:s26], $0x4000  }
0x37: {  	[sflag:s26] =	ssyncset.done $0x0  }
0x38: {  	[sflag:s26] =	ssyncadd.s32 $0xFFFFC000  }
0x39: {  	[hbm4b:s23+s3] =	stream.linear.scatter [tilespmem:s25], [sflag:$0x3], $0x4000, $0x38;
	[tilespmem:$0x1D000] =	vst v63  }
0x3a: {  	_ =	swait.ge [sflag:s26], $0x4000  }
0x3b: {  	[sflag:s26] =	ssyncset.done $0x0  }
0x3c: {  	[sflag:s26] =	ssyncadd.s32 $0xFFFFC000  }
0x3d: {  	[tilespmem:s25], [sflag:$0x3] =	stream.linear.gather [spmem:s19], $0x4000, $0x38;
	[tilespmem:$0x1D000] =	vst v63  }
0x3e: {  	_ =	swait.ge [sflag:s26], $0x4000  }
0x3f: {  	[sflag:s26] =	ssyncset.done $0x0  }
0x40: {  	[sflag:s26] =	ssyncadd.s32 $0xFFFFC000  }
0x41: {  	[hbm4b:s24+s3] =	stream.linear.scatter [tilespmem:s25], [sflag:$0x3], $0x4000, $0x38;
	[tilespmem:$0x1D000] =	vst v63  }
0x42: {  	_ =	swait.ge [sflag:s26], $0x4000  }
0x43: {  	s2 =	sadd.s32 $0x1, s2;
	s7 =	rddreg [dreg:$0x6]  }
0x44: {  	p0 =	sne.s32 s2, s7  }
.Ltmp1:
0x45: {  	_ = 	snop;
	(pc) =	sbr.rel @!p0 .LBB2_10-.Ltmp1, $3  }
0x46: {  	_ =	sdelay $0x1  }
0x47: {  	[sflag:s26] =	ssyncset.done $0x0  }
0x48: {  	[sflag:s26] =	ssyncadd.s32 $0xFFFFC000  }
.LBB2_1:
0x49: {  	s7 =	sand.u32 $0xFE00, s3  }
0x4a: {  	s8 =	sand.u32 $0x70, s3;
	s11 =	sshrl.u32 s7, $0x2  }
0x4b: {  	s7 =	simm.s32 $0x40;
	s11 =	sor.u32 s8, s11;
	s8 =	simm.s32 $0x0  }
.LBB2_2:
0x4c: {  	p0 =	sne.s32 s7, $0xFFC0  }
0x4d: {  	[tilespmem:s11+$0x1000] =	vst v0;
	s8 =	sadd.s32 $0x10, s8;
	s11 =	smov.u32 s7;
	s7 =	sadd.s32 $0x40, s7  }
.Ltmp2:
0x4e: {  	(pc) =	sbr.rel @p0 .LBB2_2-.Ltmp2, $4  }
0x4f: {  	_ = 	snop  }
0x50: {  	s11 =	sand.u32 $0xFE00, s11  }
0x51: {  	s12 =	sand.u32 $0x70, s8;
	s11 =	sshrl.u32 s11, $0x2  }
0x52: {  	s11 =	sor.u32 s12, s11  }
0x53: {  	[tilespmem:s11+$0x1000] =	vst v0  }
0x54: {  	[spmem:s6] =	stream.linear.scatter [tilespmem:s25], [sflag:$0x3], $0x4000, $0x38;
	[tilespmem:$0x1D000] =	vst v63  }
0x55: {  	_ =	swait.ge [sflag:s26], $0x4000  }
0x56: {  	[sflag:s26] =	ssyncset.done $0x0  }
0x57: {  	s7 =	rddreg [dreg:$0x7];
	[sflag:s26] =	ssyncadd.s32 $0xFFFFC000  }
0x58: {  	[spmem:s7] =	stream.linear.scatter [tilespmem:s25], [sflag:$0x3], $0x4000, $0x38;
	[tilespmem:$0x1D000] =	vst v63  }
0x59: {  	_ =	swait.ge [sflag:s26], $0x4000  }
0x5a: {  	[sflag:s26] =	ssyncset.done $0x0  }
0x5b: {  	s8 =	rddreg [dreg:$0x8];
	[sflag:s26] =	ssyncadd.s32 $0xFFFFC000  }
0x5c: {  	[spmem:s8] =	stream.linear.scatter [tilespmem:s25], [sflag:$0x3], $0x4000, $0x38;
	[tilespmem:$0x1D000] =	vst v63  }
0x5d: {  	_ =	swait.ge [sflag:s26], $0x4000  }
0x5e: {  	[sflag:s26] =	ssyncset.done $0x0  }
0x5f: {  	s11 =	rddreg [dreg:$0x9];
	[sflag:s26] =	ssyncadd.s32 $0xFFFFC000  }
0x60: {  	[spmem:s11] =	stream.linear.scatter [tilespmem:s25], [sflag:$0x3], $0x4000, $0x38;
	[tilespmem:$0x1D000] =	vst v63  }
0x61: {  	_ =	swait.ge [sflag:s26], $0x4000  }
0x62: {  	[sflag:s26] =	ssyncset.done $0x0  }
0x63: {  	s12 =	rddreg [dreg:$0xa];
	[sflag:s26] =	ssyncadd.s32 $0xFFFFC000  }
0x64: {  	[spmem:s12] =	stream.linear.scatter [tilespmem:s25], [sflag:$0x3], $0x4000, $0x38;
	[tilespmem:$0x1D000] =	vst v63  }
0x65: {  	_ =	swait.ge [sflag:s26], $0x4000  }
0x66: {  	[sflag:s26] =	ssyncset.done $0x0  }
0x67: {  	[sflag:s26] =	ssyncadd.s32 $0xFFFFC000  }
0x68: {  	[bflag:$0x0] =	sbarrier.arrive $0xFFFF  }
0x69: {  	s13 =	rddreg [dreg:$0x4]  }
0x6a: {  	[tilespmem:s3], [sflag:$0x3] =	stream.linear.gather [hbm4b:s13+s3], $0x400, $0x38;
	[tilespmem:$0x1D000] =	vst v63  }
0x6b: {  	_ =	swait.ge [sflag:s26], $0x400  }
0x6c: {  	[sflag:s26] =	ssyncset.done $0x0  }
0x6d: {  	s14 =	rddreg [dreg:$0x5];
	[sflag:s26] =	ssyncadd.s32 $0xFFFFFC00  }
0x6e: {  	[tilespmem:s28], [sflag:$0x3] =	stream.linear.gather [hbm4b:s14+s3], $0x400, $0x38;
	[tilespmem:$0x1D000] =	vst v63  }
0x6f: {  	_ =	swait.ge [sflag:s26], $0x400  }
0x70: {  	[sflag:s26] =	ssyncset.done $0x0  }
0x71: {  	s30 =	simm.s32 $0x1;
	[sflag:s26] =	ssyncadd.s32 $0xFFFFFC00  }
0x72: {  	[tilespmem:s25], [sflag:$0x1] =	stream.indirect.gather [hbm4b:s10+s29], $0x80, s3, s29, $0xb8;
	[tilespmem:$0x1D000] =	vst v63  }
0x73: {  	_ =	swait.ge [sflag:s30], $0x4000  }
.Ltmp3:
0x74: {  	[sflag:s30] =	ssyncset.done $0x0;
	(pc) =	sbr.rel .LBB2_4-.Ltmp3, $4  }
0x75: {  	s15 =	simm.s32 $0x5000;
	[sflag:s30] =	ssyncadd.s32 $0xFFFFC000  }
0x76: {  	[tilespmem:s15], [sflag:$0x1] =	stream.indirect.gather [hbm4b:s10+s29], $0x80, s29, s29, $0xb8;
	[tilespmem:$0x1D000] =	vst v63  }
0x77: {  	s7 =	simm.s32 $0x400;
	s8 =	simm.s32 $0x20000  }
0x78: {  	[spmem:s1] =	stream.indirect.scatter.add.f32 [tilespmem:s25], [sflag:$0x2], $0x80, s28, s29, $0xb8;
	[tilespmem:$0x1D000] =	vst v63  }
.LBB2_5:
0x79: {  	s13 =	sshrl.u32 s30, $0x3  }
0x7a: {  	s13 =	sadd.s32 $0x1, s13  }
0x7b: {  	s14 =	sadd.s32 s9, s13  }
0x7c: {  	s13 =	sshll.u32 s13, $0xA;
	s14 =	sshll.u32 s14, $0x7  }
0x7d: {  	s13 =	sand.u32 $0x400, s13;
	s15 =	sadd.s32 s4, s14  }
0x7e: {  	[tilespmem:s13], [sflag:$0x3] =	stream.linear.gather [hbm4b:s15+s3], $0x400, $0x38;
	[tilespmem:$0x1D000] =	vst v63  }
0x7f: {  	_ =	swait.ge [sflag:s26], $0x400  }
0x80: {  	[sflag:s26] =	ssyncset.done $0x0  }
0x81: {  	s14 =	sadd.s32 s5, s14;
	s13 =	sor.u32 $0x800, s13;
	[sflag:s26] =	ssyncadd.s32 $0xFFFFFC00  }
0x82: {  	[tilespmem:s13], [sflag:$0x3] =	stream.linear.gather [hbm4b:s14+s3], $0x400, $0x38;
	[tilespmem:$0x1D000] =	vst v63  }
0x83: {  	_ =	swait.ge [sflag:s26], $0x400  }
0x84: {  	[sflag:s26] =	ssyncset.done $0x0  }
0x85: {  	[sflag:s26] =	ssyncadd.s32 $0xFFFFFC00  }
.LBB2_6:
0x86: {  	s13 =	sand.u32 $0x10000, s8;
	s14 =	sand.u32 $0x1E00, s7  }
0x87: {  	s15 =	sadd.s32 $0xFFFFFE00, s7;
	s7 =	sadd.s32 $0x200, s7;
	s13 =	sshrl.u32 s13, $0x2  }
0x88: {  	s14 =	sshrl.u32 s14, $0x2;
	p0 =	sne.s32 s7, $0x14200;
	s13 =	sor.u32 $0x1000, s13  }
0x89: {  	[tilespmem:s13], [sflag:$0x1] =	stream.indirect.gather [hbm4b:s10+s29], $0x80, s14, s29, $0xb8;
	[tilespmem:$0x1D000] =	vst v63  }
.Ltmp4:
0x8a: {  	s13 =	sand.u32 $0x1000, s15;
	(pc) =	sbr.rel @!p0 .LBB2_9-.Ltmp4, $4  }
0x8b: {  	s11 =	sshll.u32 s11, $0x7;
	s13 =	sshrl.u32 s13, $0x2  }
0x8c: {  	s11 =	sor.u32 s11, s13  }
0x8d: {  	s8 =	sadd.s32 $0x10000, s8;
	s30 =	sadd.s32 $0x1, s30;
	s11 =	sor.u32 $0x800, s11  }
0x8e: {  	[spmem:s1] =	stream.indirect.scatter.add.f32 [tilespmem:s12], [sflag:$0x2], $0x80, s11, s29, $0xb8;
	[tilespmem:$0x1D000] =	vst v63  }
.LBB2_4:
0x8f: {  	s11 =	sand.u32 $0x7, s30;
	p0 =	seq.s32 s7, $0x14000  }
0x90: {  	p1 =	sne.s32 @!p0 s11, $0x7  }
0x91: {  	_ =	swait.ge [sflag:s31], $0x4000;
	p0 =	por p0, p1  }
.Ltmp5:
0x92: {  	[sflag:s31] =	ssyncset.done $0x0;
	(pc) =	sbr.rel @!p0 .LBB2_5-.Ltmp5, $4  }
0x93: {  	s12 =	sadd.s32 $0xFFFF0000, s8;
	[sflag:s31] =	ssyncadd.s32 $0xFFFFC000  }
0x94: {  	s12 =	sand.u32 $0x10000, s12;
	_ =	swait.ge [sflag:s0], $0x4000  }
0x95: {  	s12 =	sshrl.u32 s12, $0x2;
	[sflag:s0] =	ssyncset.done $0x0  }
0x96: {  	s12 =	sor.u32 $0x1000, s12;
	[sflag:s0] =	ssyncadd.s32 $0xFFFFC000  }
0x97: {  	p0 =	sne.s32 s7, $0x14000  }
.Ltmp6:
0x98: {  	_ = 	snop;
	(pc) =	sbr.rel @p0 .LBB2_6-.Ltmp6, $1  }
0x99: {  	_ =	sdelay $0x3  }
.Ltmp7:
0x9a: {  	(pc) =	sbr.rel .LBB2_9-.Ltmp7, $3  }
0x9b: {  	_ =	sdelay $0x1  }
0x9c: {  	s7 =	simm.s32 $0xF80  }
0x9d: {  	[spmem:s1] =	stream.indirect.scatter.add.f32 [tilespmem:s12], [sflag:$0x2], $0x80, s7, s29, $0xb8;
	[tilespmem:$0x1D000] =	vst v63  }
.LBB2_10:
0x9e: {  	_ =	sfence.sel $0x180000  }
0x9f: {  	[bflag:$0x0] =	sbarrier.arrive $0xFFFF  }
0xa0: {  	_ =	strace $0x9000004D  }
0xa1: {  	s0 =	stileid.u32;
	[bflag:$0x2] =	sbarrier.arrive $0xFFFF  }
0xa2: {  	p0 =	sne.s32 s0, $0x0;
	s0 =	rddreg [dreg:$0x3]  }
0xa3: {  	s0 =	sadd.s32 @!p0 $0x100000, s0  }
0xa4: {  	[sflag:s0] =	ssyncadd.tile.s32 @!p0 $0x1;
	_ =	shalt  }
.Lfunc_end2:
_tile_overlayer_lowered:
.L_overlay_start_2:
0xa5: {  	(tag) =	ssettag $0x2  }
0xa6: {  	s0 =	rddreg [dreg:$0x0];
	s2 =	stileid.u32  }
0xa7: {  	s1 =	rddreg [dreg:$0x1];
	p0 =	sne.s32 s2, $0x0  }
0xa8: {  	s3 =	rddreg [dreg:$0x2];
	[bflag:$0x3] =	sbarrier.arrive $0xFFFF;
	s2 =	simm.s32 @!p0 $0x1C03  }
0xa9: {  	[timem:s3], [sflag:s2] =	dma.local @!p0 [hbm:s0], s1  }
0xaa: {  	s0 =	simm.s32 @!p0 $0x3  }
0xab: {  	_ =	swait.ge @!p0 [sflag:s0], s1  }
0xac: {  	s1 =	ssub.s32 @!p0 $0x0, s1;
	[sflag:s0] =	ssyncset.done @!p0 $0x0  }
0xad: {  	[sflag:s0] =	ssyncadd.s32 @!p0 s1  }
0xae: {  	[bflag:$0x3] =	sbarrier.arrive $0xFFFF  }
0xaf: {  	_ =	shalt  }

// kernel: kernel.9.cloned.1.call-start
scs
__scs_entry_jumppad:
0x0: {  	(pc) =	sbr.rel $0x88, $3  }
0x1: {  	(tag) =	ssettag $0x0;
	lr =	simm.s32 $0x1  }
0x2: {  	[smem:$0x3F97] =	sst lr;
	_ =	strace $0xD0000000  }
0x3: {  	_ = 	snop  }
0x4: {  	_ = 	snop  }
0x5: {  	_ = 	snop  }
0x6: {  	_ = 	snop  }
0x7: {  	_ = 	snop  }
__scs_overlays_trampoline_lowered:
0x8: {  	[smem:$0x3FA6] =	sst s0  }
0x9: {  	[smem:$0x3FA7] =	sst s1  }
0xa: {  	[smem:$0x3FA8] =	sst s2  }
0xb: {  	[smem:$0x3FA9] =	sst s3  }
0xc: {  	[smem:$0x3FAA] =	sst s4  }
0xd: {  	[smem:$0x3FAB] =	sst s5  }
0xe: {  	[smem:$0x3FAC] =	sst s6  }
0xf: {  	[smem:$0x3FAD] =	sst s7  }
0x10: {  	[smem:$0x3FAE] =	sst s8  }
0x11: {  	[smem:$0x3FAF] =	sst s9;
	s0 =	simm.s32 @!p0 $0x0  }
0x12: {  	s1 =	sld [smem:$0x3F95];
	s0 =	simm.s32 @p0 $0x1  }
0x13: {  	[smem:$0x3FB0] =	sst s0;
	s0 =	simm.s32 @!p1 $0x0  }
0x14: {  	s2 =	sld [smem:$0x3F94];
	s0 =	simm.s32 @p1 $0x1  }
0x15: {  	[smem:$0x3FB1] =	sst s0;
	s0 =	simm.s32 @!p2 $0x0  }
0x16: {  	s3 =	sld [smem:$0x3FDB];
	s0 =	simm.s32 @p2 $0x1  }
0x17: {  	s4 =	simm.s32 $0x1BF5;
	[smem:$0x3FB3] =	sst s0  }
0x18: {  	s0 =	sld [smem:$0x3F96];
	_ =	swait.ge [sflag:s4], $0x0  }
0x19: {  	s7 =	sld [smem:$0x3F97]  }
0x1a: {  	s8 =	sadd.s32 $0xFFFFE003, lr  }
0x1b: {  	s9 =	sadd.s32 $0xFFFFFEF7, lr;
	s5 =	simm.s32 $0xFFFFFFFF;
	p2 =	slt.u32 s8, $0xFFFFF086  }
0x1c: {  	p1 =	slt.u32 s9, $0xF7A;
	s5 =	simm.s32 @!p2 $0x0  }
0x1d: {  	s5 =	simm.s32 @p1 $0x1;
	p0 =	seq.s32 s7, s2  }
0x1e: {  	s7 =	smul.u32 @!p0 $0xF7A, s2;
	p2 =	seq.s32 @!p0 s5, $0x0  }
0x1f: {  	s9 =	smul.u32 $0xF7A, s1;
	s8 =	simm.s32 @!p0 $0x1BF5;
	p2 =	por !p2, p0  }
0x20: {  	[sflag:s8] =	ssyncset.s32 @!p0 $0xFFFFF086;
	s6 =	sadd.s32 @!p0 s3, s7;
	s7 =	simm.s32 @!p0 $0x108  }
0x21: {  	s3 =	sadd.s32 s3, s9;
	s6 =	sadd.s32 @!p0 $0x88, s6;
	s7 =	simm.s32 @p2 $0x1082  }
0x22: {  	[simem:s7], [sflag:s8] =	dma.local @!p0 [hbm:s6], $0xF7A  }
0x23: {  	s9 =	sor.u32 $0xD0000000, s2;
	s6 =	simm.s32 $0x108;
	_ =	swait.ge @!p0 [sflag:s8], $0x0  }
0x24: {  	s3 =	sadd.s32 $0x88, s3;
	s6 =	simm.s32 @!p1 $0x1082;
	[sflag:s4] =	ssyncset.s32 $0xFFFFF086  }
0x25: {  	[simem:s6], [sflag:s4] =	dma.local [hbm:s3], $0xF7A  }
0x26: {  	[smem:$0x3F97] =	sst s1;
	(tag) =	ssettag s2;
	_ =	strace s9  }
0x27: {  	s1 =	sld [smem:$0x3FA7]  }
0x28: {  	s2 =	sld [smem:$0x3FA8]  }
0x29: {  	s4 =	sld [smem:$0x3FAA]  }
0x2a: {  	p0 =	seq.s32 s5, $0x0;
	s5 =	sld [smem:$0x3FAB]  }
0x2b: {  	s6 =	sld [smem:$0x3FAC]  }
0x2c: {  	s7 =	sld [smem:$0x3FAD]  }
0x2d: {  	s3 =	simm.s32 $0x108;
	s8 =	sld [smem:$0x3FAE]  }
0x2e: {  	s3 =	simm.s32 @!p0 $0x1082;
	s9 =	sld [smem:$0x3FAF]  }
0x2f: {  	lr =	sadd.s32 s0, s3;
	s0 =	sld [smem:$0x3FA6]  }
0x30: {  	s3 =	sld [smem:$0x3FA9]  }
0x31: {  	[smem:$0x3FB2] =	sst s10  }
0x32: {  	s10 =	sld [smem:$0x3FB0];
	_ =	sdelay $0x3  }
0x33: {  	p0 =	seq.s32 s10, $0x1;
	s10 =	sld [smem:$0x3FB2];
	_ =	sdelay $0x3  }
0x34: {  	[smem:$0x3FB2] =	sst s10  }
0x35: {  	s10 =	sld [smem:$0x3FB1];
	_ =	sdelay $0x3  }
0x36: {  	p1 =	seq.s32 s10, $0x1;
	s10 =	sld [smem:$0x3FB2];
	_ =	sdelay $0x3  }
0x37: {  	[smem:$0x3FB2] =	sst s10  }
0x38: {  	s10 =	sld [smem:$0x3FB3]  }
0x39: {  	_ = 	snop;
	(pc) =	sbr.ind lr, $3  }
0x3a: {  	_ = 	snop  }
0x3b: {  	_ = 	snop  }
0x3c: {  	p2 =	seq.s32 s10, $0x1;
	s10 =	sld [smem:$0x3FB2]  }
0x3d: {  	_ =	shalt  }
0x3e: {  	_ =	shalt  }
0x3f: {  	_ =	shalt  }
0x40: {  	_ =	shalt  }
0x41: {  	_ =	shalt  }
0x42: {  	_ =	shalt  }
0x43: {  	_ =	shalt  }
0x44: {  	_ =	shalt  }
0x45: {  	_ =	shalt  }
0x46: {  	_ =	shalt  }
0x47: {  	_ =	shalt  }
0x48: {  	_ =	shalt  }
0x49: {  	_ =	shalt  }
0x4a: {  	_ =	shalt  }
0x4b: {  	_ =	shalt  }
0x4c: {  	_ =	shalt  }
0x4d: {  	_ =	shalt  }
0x4e: {  	_ =	shalt  }
0x4f: {  	_ =	shalt  }
0x50: {  	_ =	shalt  }
0x51: {  	_ =	shalt  }
0x52: {  	_ =	shalt  }
0x53: {  	_ =	shalt  }
0x54: {  	_ =	shalt  }
0x55: {  	_ =	shalt  }
0x56: {  	_ =	shalt  }
0x57: {  	_ =	shalt  }
0x58: {  	_ =	shalt  }
0x59: {  	_ =	shalt  }
0x5a: {  	_ =	shalt  }
0x5b: {  	_ =	shalt  }
0x5c: {  	_ =	shalt  }
0x5d: {  	_ =	shalt  }
0x5e: {  	_ =	shalt  }
0x5f: {  	_ =	shalt  }
0x60: {  	_ =	shalt  }
0x61: {  	_ =	shalt  }
0x62: {  	_ =	shalt  }
0x63: {  	_ =	shalt  }
0x64: {  	_ =	shalt  }
0x65: {  	_ =	shalt  }
0x66: {  	_ =	shalt  }
0x67: {  	_ =	shalt  }
0x68: {  	_ =	shalt  }
0x69: {  	_ =	shalt  }
0x6a: {  	_ =	shalt  }
0x6b: {  	_ =	shalt  }
0x6c: {  	_ =	shalt  }
0x6d: {  	_ =	shalt  }
0x6e: {  	_ =	shalt  }
0x6f: {  	_ =	shalt  }
0x70: {  	_ =	shalt  }
0x71: {  	_ =	shalt  }
0x72: {  	_ =	shalt  }
0x73: {  	_ =	shalt  }
0x74: {  	_ =	shalt  }
0x75: {  	_ =	shalt  }
0x76: {  	_ =	shalt  }
0x77: {  	_ =	shalt  }
0x78: {  	_ =	shalt  }
0x79: {  	_ =	shalt  }
0x7a: {  	_ =	shalt  }
0x7b: {  	_ =	shalt  }
0x7c: {  	_ =	shalt  }
0x7d: {  	_ =	shalt  }
0x7e: {  	_ =	shalt  }
0x7f: {  	_ =	shalt  }
0x80: {  	_ =	shalt  }
0x81: {  	_ =	shalt  }
0x82: {  	_ =	shalt  }
0x83: {  	_ =	shalt  }
0x84: {  	_ =	shalt  }
0x85: {  	_ =	shalt  }
0x86: {  	_ =	shalt  }
0x87: {  	_ =	shalt  }
.Lfunc_end0:
.L_simem_size_0:
called_computation_lowered:
.L_overlay_start_0:
0x88: {  	s2 =	sld [smem:$0x3FD9]  }
0x89: {  	s3 =	sld [smem:$0x3FFE];
	_ =	sdelay $0x1  }
0x8a: {  	s1 =	srdreg.scid  }
0x8b: {  	s0 =	sand.u32 $0x1, s1  }
0x8c: {  	s17 =	sshll.u32 s0, $0xA;
	s2 =	sadd.s32 s3, s2  }
0x8d: {  	s2 =	sadd.s32 s2, s17  }
0x8e: {  	[smem:$0x3FBE] =	sst s2  }
0x8f: {  	_ = 	snop  }
0x90: {  	s2 =	sld [smem:$0x3FD0];
	(tm) =	ssettm $0x1  }
0x91: {  	s18 =	sld [smem:$0x3FFB];
	_ =	sdelay $0x3  }
0x92: {  	_ =	strace s18  }
0x93: {  	s3 =	sld [smem:$0x3FFC];
	_ =	sdelay $0x3  }
0x94: {  	_ =	strace s3  }
0x95: {  	s3 =	sld [smem:$0x3FFD];
	_ =	sdelay $0x3  }
0x96: {  	_ =	strace s3  }
0x97: {  	_ =	strace $0x8FFFFFFF  }
0x98: {  	s19 =	sld [smem:$0x3FDB];
	_ =	sdelay $0x1  }
0x99: {  	s4 =	simm.s32 $_scs_section_size  }
0x9a: {  	s5 =	simm.s32 $_size__tile_overlayer_lowered;
	s6 =	simm.s32 $_tile_overlayer_lowered  }
0x9b: {  	s22 =	simm.s32 $0x1BFF;
	s21 =	sshll.u32 s6, $0x1;
	s3 =	sadd.s32 s4, s19  }
0x9c: {  	s7 =	simm.s32 $0x0;
	s20 =	sshll.u32 s5, $0x1;
	s5 =	sadd.s32 s21, s3  }
0x9d: {  	[timem:s7], [sflag:s22] =	dma.local [hbm:s5], s20  }
0x9e: {  	_ =	swait.ge [sflag:s22], s20  }
0x9f: {  	s4 =	ssub.s32 $0x0, s20;
	[sflag:s22] =	ssyncset.done $0x0  }
0xa0: {  	[sflag:s22] =	ssyncadd.s32 s4;
	_ =	sdelay $0x1  }
0xa1: {  	s23 =	simm.s32 $0x1B8B  }
0xa2: {  	_ =	swait.ge [sflag:s23], $0x1  }
0xa3: {  	[sflag:s23] =	ssyncset.done $0x0  }
0xa4: {  	s25 =	simm.s32 $0x1B8E;
	s24 =	sld [smem:$0x3FFE];
	[sflag:s23] =	ssyncadd.s32 $0xFFFFFFFF  }
0xa5: {  	s26 =	simm.s32 $execute0_lowered;
	[smem:$0x3FD2] =	sst s25  }
0xa6: {  	s5 =	sshll.u32 s26, $0x1;
	_ =	strace $0x80000046;
	[dreg:$0x1] =	wrdreg $0xFFFFFFFF  }
0xa7: {  	s28 =	simm.s32 $_size_execute0_lowered;
	s3 =	sadd.s32 s3, s5;
	[dreg:$0x0] =	wrdreg $0x0  }
0xa8: {  	s5 =	sshll.u32 s28, $0x1;
	[dreg:$0x2] =	wrdreg s3  }
0xa9: {  	[dreg:$0x3] =	wrdreg s5  }
0xaa: {  	[dreg:$0x4] =	wrdreg $0xC0  }
0xab: {  	_ =	task [dreg:s7], $0x5FFFF  }
0xac: {  	[dreg:$0x1] =	wrdreg $0xFFFFFFFF  }
0xad: {  	[dreg:$0x0] =	wrdreg $0x60  }
0xae: {  	[dreg:$0x2] =	wrdreg s24  }
0xaf: {  	[dreg:$0x3] =	wrdreg s2  }
0xb0: {  	[dreg:$0x4] =	wrdreg $0x2B000  }
0xb1: {  	[dreg:$0x5] =	wrdreg $0x9  }
0xb2: {  	_ =	task.clear_ibuf [dreg:s7], $0x6FFFF;
	_ =	strace $0x90000046  }
0xb3: {  	s29 =	simm.s32 $0x9;
	_ =	strace $0x80000048  }
0xb4: {  	_ =	swait.ge [sflag:s29], $0x1  }
0xb5: {  	[sflag:s29] =	ssyncadd.s32 $0xFFFFFFFF  }
0xb6: {  	_ =	strace $0x90000048  }
0xb7: {  	_ =	sfence  }
0xb8: {  	s30 =	sld [smem:$0x0];
	_ =	sdelay $0x2  }
0xb9: {  	s31 =	sshll.u32 s1, $0xD;
	s1 =	sshrl.u32 s1, $0x2  }
0xba: {  	s3 =	sand.u32 $0x4000, s31;
	s1 =	sadd.s32 s1, s30  }
0xbb: {  	s0 =	sor.u32 s3, s0;
	s1 =	sshll.u32 s1, $0x11  }
0xbc: {  	s0 =	sor.u32 s1, s0  }
0xbd: {  	s0 =	sadd.s32 $0x8F2B, s0  }
0xbe: {  	[sflag:s0] =	ssyncadd.remote.s32 $0x1  }
0xbf: {  	_ =	sfence.sel $0xFFFF  }
0xc0: {  	[dreg:$0x0] =	wrdreg $0xFFFFFFFF;
	(pc) =	sbr.abs _section_cstart, $3  }
0xc1: {  	[dreg:$0x1] =	wrdreg $0xFFFFFFFF  }
0xc2: {  	_ =	task.clear_ibuf [dreg:s7], $0x2FFFF;
	_ =	strace $0x9FFFFFFF  }
0xc3: {  	(tm) =	ssettm $0x7FFFFFFF  }
tec
execute0_lowered:
.L_overlay_start_1:
0x0: {  	(tag) =	ssettag $0x1  }
0x1: {  	s4 =	rddreg [dreg:$0x0]  }
0x2: {  	s1 =	srdreg.scid;
	s6 =	rddreg [dreg:$0x1]  }
0x3: {  	s0 =	stileid.u32;
	s2 =	rddreg [dreg:$0x2]  }
0x4: {  	s3 =	simm.s32 $0x0;
	s10 =	simm.s32 $0x2800;
	s13 =	simm.s32 $0x0  }
0x5: {  	s5 =	sand.u32 $0x1, s1;
	s1 =	rddreg [dreg:$0x3];
	s9 =	smul.u32 $0xA00, s0  }
0x6: {  	s28 =	sshll.u32 s0, $0x1;
	[smem:$0x7FF] =	sst s3;
	s12 =	smul.u32 $0xA0, s0  }
0x7: {  	s7 =	sor.u32 s5, s28;
	s8 =	ssub.s32 $0x2, s5;
	_ =	strace $0x80000047  }
0x8: {  	s31 =	sshll.u32 s5, $0x4;
	s7 =	smul.u32 $0x500, s7;
	s29 =	sshrl.u32 s8, $0x1  }
0x9: {  	s30 =	sshrl.u32 s9, $0x2;
	s11 =	sadd.s32 s6, s31;
	s9 =	simm.s32 $0x80  }
0xa: {  	s8 =	ssub.s32 s8, s29;
	s11 =	sadd.s32 s12, s11;
	s12 =	simm.s32 $0x100  }
0xb: {  	s7 =	sadd.s32 s7, s4;
	s4 =	sadd.s32 s30, s2;
	s6 =	smax.u32 s8, $0x1  }
0xc: {  	v0 =	vimm.f32 $1.000000000e+00;
	v1 =	vimm.f32 $0.0e+00;
	s8 =	simm.s32 $0x1;
	s5 =	sadd.s32 $0xBC00, s7;
	s7 =	simm.s32 $0x2880  }
.LBB2_1:
0xd: {  	[tilespmem:$0x2800] =	vst v0  }
0xe: {  	[tilespmem:$0x2810] =	vst v0  }
0xf: {  	[tilespmem:$0x2820] =	vst v0  }
0x10: {  	[tilespmem:$0x2830] =	vst v0  }
0x11: {  	[tilespmem:$0x2840] =	vst v0  }
0x12: {  	[tilespmem:$0x2850] =	vst v0  }
0x13: {  	[tilespmem:$0x2860] =	vst v0  }
0x14: {  	[tilespmem:$0x2870] =	vst v0  }
0x15: {  	[tilespmem:$0x2880] =	vst v1  }
0x16: {  	[tilespmem:$0x2890] =	vst v1  }
0x17: {  	[tilespmem:$0x28A0] =	vst v1  }
0x18: {  	[tilespmem:$0x28B0] =	vst v1  }
0x19: {  	[tilespmem:$0x28C0] =	vst v1  }
0x1a: {  	[tilespmem:$0x28D0] =	vst v1  }
0x1b: {  	[tilespmem:$0x28E0] =	vst v1  }
0x1c: {  	[tilespmem:$0x28F0] =	vst v1  }
0x1d: {  	[tilespmem:$0x2900] =	vst v1  }
0x1e: {  	[tilespmem:$0x2910] =	vst v1  }
0x1f: {  	[tilespmem:$0x2920] =	vst v1  }
0x20: {  	[tilespmem:$0x2930] =	vst v1  }
0x21: {  	[tilespmem:$0x2940] =	vst v1  }
0x22: {  	[tilespmem:$0x2950] =	vst v1  }
0x23: {  	[tilespmem:$0x2960] =	vst v1  }
0x24: {  	[tilespmem:$0x2970] =	vst v1  }
0x25: {  	[tilespmem:$0x2980] =	vst v1  }
0x26: {  	[tilespmem:$0x2990] =	vst v1  }
0x27: {  	[tilespmem:$0x29A0] =	vst v1  }
0x28: {  	[tilespmem:$0x29B0] =	vst v1  }
0x29: {  	[tilespmem:$0x29C0] =	vst v1  }
0x2a: {  	[tilespmem:$0x29D0] =	vst v1  }
0x2b: {  	[tilespmem:$0x29E0] =	vst v1  }
0x2c: {  	[tilespmem:$0x29F0] =	vst v1  }
0x2d: {  	[tilespmem:$0x2A00] =	vst v1  }
0x2e: {  	[tilespmem:$0x2A10] =	vst v1  }
0x2f: {  	[tilespmem:$0x2A20] =	vst v1  }
0x30: {  	[tilespmem:$0x2A30] =	vst v1  }
0x31: {  	[tilespmem:$0x2A40] =	vst v1  }
0x32: {  	[tilespmem:$0x2A50] =	vst v1  }
0x33: {  	[tilespmem:$0x2A60] =	vst v1  }
0x34: {  	[tilespmem:$0x2A70] =	vst v1  }
0x35: {  	[tilespmem:$0x2A80] =	vst v1  }
0x36: {  	[tilespmem:$0x2A90] =	vst v1  }
0x37: {  	[tilespmem:$0x2AA0] =	vst v1  }
0x38: {  	[tilespmem:$0x2AB0] =	vst v1  }
0x39: {  	[tilespmem:$0x2AC0] =	vst v1  }
0x3a: {  	[tilespmem:$0x2AD0] =	vst v1  }
0x3b: {  	[tilespmem:$0x2AE0] =	vst v1  }
0x3c: {  	[tilespmem:$0x2AF0] =	vst v1  }
0x3d: {  	[spmem:s4] =	stream.linear.scatter [tilespmem:s7], [sflag:$0x1], $0x280, $0x38;
	[tilespmem:$0x2D80] =	vst v63  }
0x3e: {  	_ =	swait.ge [sflag:s8], $0x280  }
0x3f: {  	[sflag:s8] =	ssyncset.done $0x0  }
0x40: {  	[sflag:s8] =	ssyncadd.s32 $0xFFFFFD80  }
0x41: {  	[bflag:$0x0] =	sbarrier.arrive $0xFFFF  }
0x42: {  	[tilespmem:s3], [sflag:$0x1] =	stream.linear.gather [hbm4b:s5+s3], $0x2800, $0x38;
	[tilespmem:$0x2D80] =	vst v63  }
0x43: {  	_ =	swait.ge [sflag:s8], $0x2800  }
0x44: {  	[sflag:s8] =	ssyncset.done $0x0  }
0x45: {  	s14 =	simm.s32 $0x0;
	[sflag:s8] =	ssyncadd.s32 $0xFFFFD800  }
0x46: {  	[spmem:s2] =	stream.indirect.scatter.add.f32 [tilespmem:s10], [sflag:$0x1], $0x1, s14, s9, $0xb8;
	[tilespmem:$0x2D80] =	vst v63  }
0x47: {  	_ =	swait.ge [sflag:s8], $0x80  }
0x48: {  	s14 =	simm.s32 $0x200;
	[sflag:s8] =	ssyncset.done $0x0  }
.LBB2_2:
0x49: {  	s15 =	sshra.s32 s14, $0x2;
	[sflag:s8] =	ssyncadd.s32 $0xFFFFFF80;
	p0 =	sne.s32 s14, $0x9E00  }
0x4a: {  	[spmem:s2] =	stream.indirect.scatter.add.f32 [tilespmem:s10], [sflag:$0x1], $0x1, s15, s9, $0xb8;
	[tilespmem:$0x2D80] =	vst v63  }
.Ltmp0:
0x4b: {  	_ = 	snop;
	(pc) =	sbr.rel @p0 .LBB2_2-.Ltmp0, $4  }
0x4c: {  	_ = 	snop  }
0x4d: {  	s14 =	sadd.s32 $0x200, s14  }
0x4e: {  	_ =	swait.ge [sflag:s8], $0x80  }
0x4f: {  	[sflag:s8] =	ssyncset.done $0x0  }
0x50: {  	[sflag:s8] =	ssyncadd.s32 $0xFFFFFF80  }
0x51: {  	[bflag:$0x0] =	sbarrier.arrive $0xFFFF  }
0x52: {  	[tilespmem:s7], [sflag:$0x1] =	stream.linear.gather [spmem:s4], $0x280, $0x38;
	[tilespmem:$0x2D80] =	vst v63  }
0x53: {  	s13 =	sadd.s32 $0x1, s13;
	_ =	swait.ge [sflag:s8], $0x280  }
0x54: {  	p0 =	sne.s32 s13, s6;
	[sflag:s8] =	ssyncset.done $0x0  }
.Ltmp1:
0x55: {  	[sflag:s8] =	ssyncadd.s32 $0xFFFFFD80;
	(pc) =	sbr.rel @p0 .LBB2_1-.Ltmp1, $4  }
0x56: {  	[hbm4b:s11+s9] =	stream.strided.scatter [tilespmem:s7], [sflag:$0x1], $0x280, s12, s9, $0x38;
	[tilespmem:$0x2D80] =	vst v63  }
0x57: {  	_ =	swait.ge [sflag:s8], $0x280  }
0x58: {  	[sflag:s8] =	ssyncset.done $0x0  }
0x59: {  	[sflag:s8] =	ssyncadd.s32 $0xFFFFFD80  }
0x5a: {  	_ =	sfence.sel $0x180000  }
0x5b: {  	[bflag:$0x0] =	sbarrier.arrive $0xFFFF  }
0x5c: {  	p0 =	sne.s32 s0, $0x0;
	_ =	strace $0x90000047  }
0x5d: {  	s0 =	sadd.s32 @!p0 $0x100000, s1;
	[bflag:$0x2] =	sbarrier.arrive $0xFFFF  }
0x5e: {  	[sflag:s0] =	ssyncadd.tile.s32 @!p0 $0x1;
	_ =	shalt  }
.Lfunc_end2:
_tile_overlayer_lowered:
.L_overlay_start_2:
0x5f: {  	(tag) =	ssettag $0x2  }
0x60: {  	s0 =	rddreg [dreg:$0x0];
	s2 =	stileid.u32  }
0x61: {  	s1 =	rddreg [dreg:$0x1];
	p0 =	sne.s32 s2, $0x0  }
0x62: {  	s3 =	rddreg [dreg:$0x2];
	[bflag:$0x3] =	sbarrier.arrive $0xFFFF;
	s2 =	simm.s32 @!p0 $0x1C01  }
0x63: {  	[timem:s3], [sflag:s2] =	dma.local @!p0 [hbm:s0], s1  }
0x64: {  	s0 =	simm.s32 @!p0 $0x1  }
0x65: {  	_ =	swait.ge @!p0 [sflag:s0], s1  }
0x66: {  	s1 =	ssub.s32 @!p0 $0x0, s1;
	[sflag:s0] =	ssyncset.done @!p0 $0x0  }
0x67: {  	[sflag:s0] =	ssyncadd.s32 @!p0 s1  }
0x68: {  	[bflag:$0x3] =	sbarrier.arrive $0xFFFF  }
0x69: {  	_ =	shalt  }

</sc_bundles>
